<compile_context>
chip_gen: v7x
topology: tpu7x:2x2x1
jax: 0.10.2.dev20260603
libtpu: 0.0.44.dev20260713+nightly
codegen_flags: <defaults>
</compile_context>

<pallas_src>
import jax
import jax.numpy as jnp
from jax import lax
from jax.experimental import pallas as pl
from jax.experimental.pallas import tpu as pltpu
from jax.experimental.pallas import tpu_sc as plsc

N = 10000
E = 320000
DIN = 128
H = 4
F = 32
EF = 16
NET = 8

NC = 2
NS = 16
NW = NC * NS
L = 16

EPW = E // NW
SP = 16

_mesh = lambda: plsc.VectorSubcoreMesh(
    core_axis_name="c", subcore_axis_name="s", num_cores=NC)


def _dense_body(feat_ref, wt_ref, alr_ref, emb_ref, wet_ref, aet_ref,
                h_ref, hlr_ref, he_ref):
    h = jnp.dot(feat_ref[...], wt_ref[...], preferred_element_type=jnp.float32)
    h_ref[...] = h
    hlr_ref[...] = jnp.dot(h, alr_ref[...], preferred_element_type=jnp.float32)

    @pl.when(pl.program_id(0) == 0)
    def _():
        t = jnp.dot(emb_ref[...], wet_ref[...],
                    preferred_element_type=jnp.float32)
        he_ref[...] = jnp.dot(t, aet_ref[...],
                              preferred_element_type=jnp.float32)


def _dense(feat, wt, alr, emb, wet, aet):
    nb = 1000
    grid = N // nb
    return pl.pallas_call(
        _dense_body,
        grid=(grid,),
        in_specs=[
            pl.BlockSpec((nb, DIN), lambda i: (i, 0)),
            pl.BlockSpec((DIN, H * F), lambda i: (0, 0)),
            pl.BlockSpec((H * F, 2 * H), lambda i: (0, 0)),
            pl.BlockSpec((NET, EF), lambda i: (0, 0)),
            pl.BlockSpec((EF, H * EF), lambda i: (0, 0)),
            pl.BlockSpec((H * EF, H), lambda i: (0, 0)),
        ],
        out_specs=[
            pl.BlockSpec((nb, H * F), lambda i: (i, 0)),
            pl.BlockSpec((nb, 2 * H), lambda i: (i, 0)),
            pl.BlockSpec((NET, H), lambda i: (0, 0)),
        ],
        out_shape=[
            jax.ShapeDtypeStruct((N, H * F), jnp.float32),
            jax.ShapeDtypeStruct((N, 2 * H), jnp.float32),
            jax.ShapeDtypeStruct((NET, H), jnp.float32),
        ],
    )(feat, wt, alr, emb, wet, aet)


B = 80
GPB = B // L


def _pass1_body(ei3_hbm, hlr_hbm, he_hbm, z16_hbm,
                p_hbm, s_hbm,
                hlr_v, he_v, eidx_b, p_b, p_pad, s_sh):
    cid = lax.axis_index("c")
    sid = lax.axis_index("s")
    wid = sid * NC + cid

    @pl.when(sid == 0)
    def _():
        pltpu.sync_copy(z16_hbm, s_sh)
    pltpu.sync_copy(z16_hbm.at[pl.ds(0, B)], p_pad)
    pltpu.sync_copy(hlr_hbm, hlr_v)
    pltpu.sync_copy(he_hbm, he_v)
    plsc.subcore_barrier()

    rbase = wid * (EPW // B)

    def batch(j, carry):
        r = rbase + j
        pltpu.sync_copy(ei3_hbm.at[r], eidx_b)
        for g in range(GPB):
            s16 = eidx_b[0, pl.ds(g * L, L)] * 8
            d16 = eidx_b[1, pl.ds(g * L, L)] * 8
            f16 = eidx_b[2, pl.ds(g * L, L)] * 4
            rows = g * L + lax.iota(jnp.int32, L)
            for h in range(H):
                hl = plsc.load_gather(hlr_v, [s16 + h])
                hr = plsc.load_gather(hlr_v, [d16 + (H + h)])
                he = plsc.load_gather(he_v, [f16 + h])
                x = hl + hr + he
                e = jnp.maximum(x, 0.2 * x)
                c = jnp.maximum(hr, 0.2 * hr)
                pv = jnp.exp(e - c)
                hcol = jnp.full((L,), h, jnp.int32)
                plsc.store_scatter(p_b, [rows, hcol], pv)
                plsc.store_scatter(p_pad, [rows, hcol], pv)
        pltpu.sync_copy(p_pad, s_sh.at[eidx_b.at[1]], add=True)
        pltpu.sync_copy(p_b, p_hbm.at[pl.ds(r * B, B)])
        return carry

    lax.fori_loop(0, EPW // B, batch, 0)
    plsc.subcore_barrier()

    @pl.when(sid == 0)
    def _():
        pltpu.sync_copy(s_sh, s_hbm.at[pl.ds(cid * N, N)])


def _pass1(ei3, hlr_flat, he_flat, z16):
    return pl.kernel(
        _pass1_body,
        out_type=[
            jax.ShapeDtypeStruct((E, H), jnp.float32),
            jax.ShapeDtypeStruct((NC * N, SP), jnp.float32),
        ],
        mesh=_mesh(),
        compiler_params=pltpu.CompilerParams(
            needs_layout_passes=False, use_tc_tiling_on_sc=False),
        scratch_types=[
            pltpu.VMEM((N * 2 * H,), jnp.float32),
            pltpu.VMEM((NET * H,), jnp.float32),
            pltpu.VMEM((3, B), jnp.int32),
            pltpu.VMEM((B, H), jnp.float32),
            pltpu.VMEM((B, SP), jnp.float32),
            pltpu.VMEM_SHARED((N, SP), jnp.float32),
        ],
    )(ei3, hlr_flat, he_flat, z16)


def _pass2_body(ei2_hbm, p_hbm, s0_hbm, s1_hbm, h_hbm,
                z128_hbm,
                a_hbm, out_hbm,
                eidx0, eidx1, p0, p1, s00, s01, s10, s11, rows0, rows1,
                a_b, sem0, sem1, out_sh):
    cid = lax.axis_index("c")
    sid = lax.axis_index("s")
    wid = sid * NC + cid

    eidx = (eidx0, eidx1)
    p_bufs = (p0, p1)
    s0_bufs = (s00, s01)
    s1_bufs = (s10, s11)
    rows_bufs = (rows0, rows1)
    sems = (sem0, sem1)

    nz = N // NS
    pltpu.sync_copy(z128_hbm.at[pl.ds(sid * nz, nz)],
                    out_sh.at[pl.ds(sid * nz, nz)])
    plsc.subcore_barrier()

    NBW = EPW // B
    rbase = wid * NBW

    def prefetch(t, b):
        r = rbase + t
        pltpu.sync_copy(ei2_hbm.at[r], eidx[b])
        pltpu.async_copy(p_hbm.at[pl.ds(r * B, B)], p_bufs[b], sems[b])
        pltpu.async_copy(s0_hbm.at[eidx[b].at[1]], s0_bufs[b], sems[b])
        pltpu.async_copy(s1_hbm.at[eidx[b].at[1]], s1_bufs[b], sems[b])
        pltpu.async_copy(h_hbm.at[eidx[b].at[0]], rows_bufs[b], sems[b])

    def work(t, b):
        r = rbase + t
        p_b, s0_b, s1_b, rows_v = (p_bufs[b], s0_bufs[b], s1_bufs[b],
                                   rows_bufs[b])
        pltpu.make_async_copy(p_hbm.at[pl.ds(0, B)], p_b, sems[b]).wait()
        pltpu.make_async_copy(s0_hbm.at[pl.ds(0, B)], s0_b, sems[b]).wait()
        pltpu.make_async_copy(s1_hbm.at[pl.ds(0, B)], s1_b, sems[b]).wait()
        pltpu.make_async_copy(h_hbm.at[pl.ds(0, B)], rows_v, sems[b]).wait()

        def vec(i, c2):
            flat = i * L + lax.iota(jnp.int32, L)
            rr = lax.shift_right_logical(flat, 2)
            cc = lax.bitwise_and(flat, 3)
            pv = plsc.load_gather(p_b, [rr, cc])
            s0 = plsc.load_gather(s0_b, [rr, cc])
            s1 = plsc.load_gather(s1_b, [rr, cc])
            av = pv / jnp.maximum(s0 + s1, 1e-9)
            plsc.store_scatter(a_b, [rr, cc], av)
            return c2

        lax.fori_loop(0, B * H // L, vec, 0)
        pltpu.sync_copy(a_b, a_hbm.at[pl.ds(r * B, B)])

        def edge(e, c2):
            for h in range(H):
                sp = plsc.load_gather(
                    a_b, [jnp.full((L,), 0, jnp.int32) + e,
                          jnp.full((L,), h, jnp.int32)])
                for v in range(2):
                    q = h * 2 + v
                    rows_v[e, pl.ds(q * L, L)] = (
                        rows_v[e, pl.ds(q * L, L)] * sp)
            return c2

        lax.fori_loop(0, B, edge, 0)
        pltpu.sync_copy(rows_v, out_sh.at[eidx[b].at[1]], add=True)

    prefetch(0, 0)

    def pair(j0, carry):
        for b in range(2):
            t = 2 * j0 + b
            prefetch(t + 1, 1 - b)
            work(t, b)
        return carry

    lax.fori_loop(0, (NBW - 1) // 2, pair, 0)
    work(NBW - 1, 0)
    plsc.subcore_barrier()

    @pl.when(sid == 0)
    def _():
        pltpu.sync_copy(out_sh, out_hbm.at[pl.ds(cid * N, N)])


def _pass2(ei2, p, s0, s1, h, z128):
    return pl.kernel(
        _pass2_body,
        out_type=[
            jax.ShapeDtypeStruct((E, H), jnp.float32),
            jax.ShapeDtypeStruct((NC * N, H * F), jnp.float32),
        ],
        mesh=_mesh(),
        compiler_params=pltpu.CompilerParams(
            needs_layout_passes=False, use_tc_tiling_on_sc=False),
        scratch_types=[
            pltpu.VMEM((2, B), jnp.int32),
            pltpu.VMEM((2, B), jnp.int32),
            pltpu.VMEM((B, H), jnp.float32),
            pltpu.VMEM((B, H), jnp.float32),
            pltpu.VMEM((B, SP), jnp.float32),
            pltpu.VMEM((B, SP), jnp.float32),
            pltpu.VMEM((B, SP), jnp.float32),
            pltpu.VMEM((B, SP), jnp.float32),
            pltpu.VMEM((B, H * F), jnp.float32),
            pltpu.VMEM((B, H * F), jnp.float32),
            pltpu.VMEM((B, H), jnp.float32),
            pltpu.SemaphoreType.DMA,
            pltpu.SemaphoreType.DMA,
            pltpu.VMEM_SHARED((N, H * F), jnp.float32),
        ],
    )(ei2, p, s0, s1, h, z128)


def _combine_body(a_ref, b_ref, o_ref):
    o_ref[...] = a_ref[...] + b_ref[...]


def _combine(o0, o1):
    nb = 1000
    return pl.pallas_call(
        _combine_body,
        grid=(N // nb,),
        in_specs=[
            pl.BlockSpec((nb, H * F), lambda i: (i, 0)),
            pl.BlockSpec((nb, H * F), lambda i: (i, 0)),
        ],
        out_specs=pl.BlockSpec((nb, H * F), lambda i: (i, 0)),
        out_shape=jax.ShapeDtypeStruct((N, H * F), jnp.float32),
    )(o0, o1)


def _build_attn_mats(attn_l, attn_r, attn_e):
    zf = jnp.zeros((F, 1), jnp.float32)
    alr_cols = []
    for h in range(H):
        col_l = jnp.concatenate(
            [zf] * h + [attn_l[0, h][:, None]] + [zf] * (H - 1 - h), axis=0)
        alr_cols.append(col_l)
    for h in range(H):
        col_r = jnp.concatenate(
            [zf] * h + [attn_r[0, h][:, None]] + [zf] * (H - 1 - h), axis=0)
        alr_cols.append(col_r)
    alr = jnp.concatenate(alr_cols, axis=1)

    ze = jnp.zeros((EF, 1), jnp.float32)
    aet_cols = []
    for h in range(H):
        aet_cols.append(jnp.concatenate(
            [ze] * h + [attn_e[0, h][:, None]] + [ze] * (H - 1 - h), axis=0))
    aet = jnp.concatenate(aet_cols, axis=1)
    return alr, aet


def kernel(feat, edge_index, e_feat, W, W_e, edge_emb, attn_l, attn_r, attn_e):
    src = edge_index[0]
    dst = edge_index[1]

    alr, aet = _build_attn_mats(attn_l, attn_r, attn_e)
    h_mat, hlr, he_tab = _dense(feat, W.T, alr, edge_emb, W_e.T, aet)

    z16 = jnp.zeros((N, SP), jnp.float32)
    z128 = jnp.zeros((N, H * F), jnp.float32)

    src2 = src.reshape(E // B, B)
    dst2 = dst.reshape(E // B, B)
    ef2 = e_feat.reshape(E // B, B)
    ei3 = jnp.stack([src2, dst2, ef2], axis=1)
    ei2 = ei3[:, :2]

    p, s = _pass1(ei3, hlr.reshape(-1), he_tab.reshape(-1), z16)
    s0 = s[:N]
    s1 = s[N:]

    a, out2 = _pass2(ei2, p, s0, s1, h_mat, z128)

    out = _combine(out2[:N], out2[N:])
    return out.reshape(N, H, F), a

# --- scband reference (transcript-rebuilt; emitter-appended) ---
"""Pipeline reference for scband-my-gatconv-53309134078256 (READ-ONLY COPY).

The authoritative reference and input builder live on the scoring server;
editing this copy changes nothing except your own understanding.
"""

import jax, jax.numpy as jnp
import numpy as np

N = 10000
E = 320000
DIN = 128
H = 4
F = 32
EF = 16
NET = 8


def setup_inputs(seed: int = 0):
    key = jax.random.key(seed)
    ks = jax.random.split(key, 9)
    feat = jax.random.normal(ks[0], (N, DIN), dtype=jnp.float32)
    edge_index = jax.random.randint(ks[1], (2, E), 0, N, dtype=jnp.int32)
    e_feat = jax.random.randint(ks[2], (E,), 0, NET, dtype=jnp.int32)
    W = jax.random.normal(ks[3], (H * F, DIN), dtype=jnp.float32) * 0.05
    W_e = jax.random.normal(ks[4], (H * EF, EF), dtype=jnp.float32) * 0.1
    edge_emb = jax.random.normal(ks[5], (NET, EF), dtype=jnp.float32) * 0.1
    attn_l = jax.random.normal(ks[6], (1, H, F), dtype=jnp.float32) * 0.1
    attn_r = jax.random.normal(ks[7], (1, H, F), dtype=jnp.float32) * 0.1
    attn_e = jax.random.normal(ks[8], (1, H, EF), dtype=jnp.float32) * 0.1
    return {
        'feat': feat,
        'edge_index': edge_index,
        'e_feat': e_feat,
        'W': W,
        'W_e': W_e,
        'edge_emb': edge_emb,
        'attn_l': attn_l,
        'attn_r': attn_r,
        'attn_e': attn_e,
    }


def reference(feat, edge_index, e_feat, W, W_e, edge_emb, attn_l, attn_r, attn_e):
    src = edge_index[0]
    dst = edge_index[1]
    # node feature projection: W(feat) -> [N, H, F]
    h = (feat @ W.T).reshape(-1, H, F)
    # edge type embedding lookup + projection: [E, H, EF]
    ee = (edge_emb[e_feat] @ W_e.T).reshape(-1, H, EF)
    # attention logits
    h_l = (attn_l * h).sum(axis=-1)  # [N, H]
    h_r = (attn_r * h).sum(axis=-1)  # [N, H]
    h_e = (attn_e * ee).sum(axis=-1)  # [E, H]
    e = h_l[src] + h_r[dst] + h_e  # u_add_v + edge term, [E, H]
    e = jnp.where(e > 0, e, 0.2 * e)  # leaky_relu(0.2)
    # edge softmax grouped by destination node
    m = jax.ops.segment_max(e, dst, num_segments=N)  # [N, H]
    e_exp = jnp.exp(e - jax.lax.stop_gradient(m)[dst])
    s = jax.ops.segment_sum(e_exp, dst, num_segments=N)  # [N, H]
    a = e_exp / jnp.maximum(s[dst], 1e-9)  # [E, H]
    # message passing: sum over incoming edges of a * h_src
    out = jax.ops.segment_sum(h[src] * a[:, :, None], dst, num_segments=N)  # [N, H, F]
    return (out, a)

if __name__ == "__main__":
    import jax
    _d = setup_inputs()
    print(jax.jit(kernel)(*tuple(_d.values())))

</pallas_src>

<mosaic_0001>
#map = affine_map<(d0, d1) -> (0, 0, 0)>
#map1 = affine_map<(d0, d1) -> (0)>
#map2 = affine_map<(d0, d1) -> (0, 0)>
module attributes {stable_mosaic.version = 14 : i64} {
  func.func @_pass1_body(%arg0: i32, %arg1: i32, %arg2: memref<4000x3x80xi32, #tpu.memory_space<hbm>>, %arg3: memref<80000xf32, #tpu.memory_space<hbm>>, %arg4: memref<32xf32, #tpu.memory_space<hbm>>, %arg5: memref<10000x16xf32, #tpu.memory_space<hbm>>, %arg6: memref<320000x4xf32, #tpu.memory_space<hbm>>, %arg7: memref<20000x16xf32, #tpu.memory_space<hbm>>, %arg8: memref<80000xf32, #tpu.memory_space<vmem>>, %arg9: memref<32xf32, #tpu.memory_space<vmem>>, %arg10: memref<3x80xi32, #tpu.memory_space<vmem>>, %arg11: memref<80x4xf32, #tpu.memory_space<vmem>>, %arg12: memref<80x16xf32, #tpu.memory_space<vmem>>, %arg13: memref<10000x16xf32, #tpu.memory_space<vmem_shared>>) attributes {dimension_semantics = [#tpu.dimension_semantics<core_parallel>, #tpu.dimension_semantics<subcore_parallel>], iteration_bounds = array<i64: 2, 16>, scalar_prefetch = 0 : i64, scratch_operands = 6 : i64, tpu.core_type = #tpu.core_type<sc_vector_subcore>, window_params = [{transform_indices = #map}, {transform_indices = #map1}, {transform_indices = #map1}, {transform_indices = #map2}, {transform_indices = #map2}, {transform_indices = #map2}]} {
    %mul3A = arith.constant 2 : i32
    %mul3A_0 = arith.muli %arg1, %mul3A : i32
    %add3A = arith.addi %mul3A_0, %arg0 : i32
    %eq3A = arith.constant 0 : i32
    %eq3A_1 = arith.cmpi eq, %arg1, %eq3A : i32
    %convert_element_type3A = arith.extui %eq3A_1 : i1 to i32
    %cond3A = arith.constant 0 : i32
    %cond3A_2 = arith.cmpi ne, %convert_element_type3A, %cond3A : i32
    scf.if %cond3A_2 {
      "tpu.region"() ({
        %run_scoped3A = tpu.sem_alloc : memref<!tpu.dma_semaphore, #tpu.memory_space<semaphore_mem>>
        tpu.enqueue_dma source(%arg5 : memref<10000x16xf32, #tpu.memory_space<hbm>>) target(%arg13 : memref<10000x16xf32, #tpu.memory_space<vmem_shared>>) target_semaphore(%run_scoped3A : memref<!tpu.dma_semaphore, #tpu.memory_space<semaphore_mem>>)
        tpu.wait_dma2 semaphore(%run_scoped3A : memref<!tpu.dma_semaphore, #tpu.memory_space<semaphore_mem>>) src(%arg5 : memref<10000x16xf32, #tpu.memory_space<hbm>>) dst(%arg13 : memref<10000x16xf32, #tpu.memory_space<vmem_shared>>)
        tpu.yield
      }) : () -> ()
    } else {
    }
    "tpu.region"() ({
      %run_scoped3A = tpu.sem_alloc : memref<!tpu.dma_semaphore, #tpu.memory_space<semaphore_mem>>
      %dma_start3A = arith.constant 0 : i32
      %dma_start3A_16 = arith.constant 0 : i32
      %dma_start3A_17 = tpu.memref_slice %arg5[%dma_start3A, %dma_start3A_16] : memref<10000x16xf32, #tpu.memory_space<hbm>> -> memref<80x16xf32, #tpu.memory_space<hbm>>
      %dma_start3A_18 = arith.constant 0 : i32
      %dma_start3A_19 = arith.constant 0 : i32
      %dma_start3A_20 = tpu.memref_slice %arg5[%dma_start3A_18, %dma_start3A_19] : memref<10000x16xf32, #tpu.memory_space<hbm>> -> memref<80x16xf32, #tpu.memory_space<hbm>>
      tpu.enqueue_dma source(%dma_start3A_20 : memref<80x16xf32, #tpu.memory_space<hbm>>) target(%arg12 : memref<80x16xf32, #tpu.memory_space<vmem>>) target_semaphore(%run_scoped3A : memref<!tpu.dma_semaphore, #tpu.memory_space<semaphore_mem>>)
      %dma_wait3A = arith.constant 0 : i32
      %dma_wait3A_21 = arith.constant 0 : i32
      %dma_wait3A_22 = tpu.memref_slice %arg5[%dma_wait3A, %dma_wait3A_21] : memref<10000x16xf32, #tpu.memory_space<hbm>> -> memref<80x16xf32, #tpu.memory_space<hbm>>
      %dma_wait3A_23 = arith.constant 0 : i32
      %dma_wait3A_24 = arith.constant 0 : i32
      %dma_wait3A_25 = tpu.memref_slice %arg5[%dma_wait3A_23, %dma_wait3A_24] : memref<10000x16xf32, #tpu.memory_space<hbm>> -> memref<80x16xf32, #tpu.memory_space<hbm>>
      tpu.wait_dma2 semaphore(%run_scoped3A : memref<!tpu.dma_semaphore, #tpu.memory_space<semaphore_mem>>) src(%dma_wait3A_25 : memref<80x16xf32, #tpu.memory_space<hbm>>) dst(%arg12 : memref<80x16xf32, #tpu.memory_space<vmem>>)
      tpu.yield
    }) : () -> ()
    "tpu.region"() ({
      %run_scoped3A = tpu.sem_alloc : memref<!tpu.dma_semaphore, #tpu.memory_space<semaphore_mem>>
      tpu.enqueue_dma source(%arg3 : memref<80000xf32, #tpu.memory_space<hbm>>) target(%arg8 : memref<80000xf32, #tpu.memory_space<vmem>>) target_semaphore(%run_scoped3A : memref<!tpu.dma_semaphore, #tpu.memory_space<semaphore_mem>>)
      tpu.wait_dma2 semaphore(%run_scoped3A : memref<!tpu.dma_semaphore, #tpu.memory_space<semaphore_mem>>) src(%arg3 : memref<80000xf32, #tpu.memory_space<hbm>>) dst(%arg8 : memref<80000xf32, #tpu.memory_space<vmem>>)
      tpu.yield
    }) : () -> ()
    "tpu.region"() ({
      %run_scoped3A = tpu.sem_alloc : memref<!tpu.dma_semaphore, #tpu.memory_space<semaphore_mem>>
      tpu.enqueue_dma source(%arg4 : memref<32xf32, #tpu.memory_space<hbm>>) target(%arg9 : memref<32xf32, #tpu.memory_space<vmem>>) target_semaphore(%run_scoped3A : memref<!tpu.dma_semaphore, #tpu.memory_space<semaphore_mem>>)
      tpu.wait_dma2 semaphore(%run_scoped3A : memref<!tpu.dma_semaphore, #tpu.memory_space<semaphore_mem>>) src(%arg4 : memref<32xf32, #tpu.memory_space<hbm>>) dst(%arg9 : memref<32xf32, #tpu.memory_space<vmem>>)
      tpu.yield
    }) : () -> ()
    %barrier3A = arith.constant 0 : index
    tpu.barrier barrier_id(%barrier3A)
    %mul3A_3 = arith.constant 125 : i32
    %mul3A_4 = arith.muli %add3A, %mul3A_3 : i32
    %scan3A = arith.constant 0 : i32
    %scan3A_5 = arith.constant 0 : i32
    %scan3A_6 = arith.constant 125 : i32
    %scan3A_7 = arith.addi %scan3A_5, %scan3A_6 : i32
    %scan3A_8 = arith.constant 1 : i32
    scf.for %scan3A_16 = %scan3A_5 to %scan3A_7 step %scan3A_8  : i32 {
      %add3A_17 = arith.addi %mul3A_4, %scan3A_16 : i32
      "tpu.region"() ({
        %run_scoped3A_658 = tpu.sem_alloc : memref<!tpu.dma_semaphore, #tpu.memory_space<semaphore_mem>>
        %dma_start3A = arith.constant 0 : i32
        %dma_start3A_659 = arith.constant 0 : i32
        %dma_start3A_660 = tpu.memref_slice %arg2[%add3A_17, %dma_start3A, %dma_start3A_659] : memref<4000x3x80xi32, #tpu.memory_space<hbm>> -> memref<1x3x80xi32, #tpu.memory_space<hbm>>
        %dma_start3A_661 = tpu.memref_squeeze %dma_start3A_660 : memref<1x3x80xi32, #tpu.memory_space<hbm>> -> memref<3x80xi32, #tpu.memory_space<hbm>>
        %dma_start3A_662 = arith.constant 0 : i32
        %dma_start3A_663 = arith.constant 0 : i32
        %dma_start3A_664 = tpu.memref_slice %arg2[%add3A_17, %dma_start3A_662, %dma_start3A_663] : memref<4000x3x80xi32, #tpu.memory_space<hbm>> -> memref<1x3x80xi32, #tpu.memory_space<hbm>>
        %dma_start3A_665 = tpu.memref_squeeze %dma_start3A_664 : memref<1x3x80xi32, #tpu.memory_space<hbm>> -> memref<3x80xi32, #tpu.memory_space<hbm>>
        tpu.enqueue_dma source(%dma_start3A_665 : memref<3x80xi32, #tpu.memory_space<hbm>>) target(%arg10 : memref<3x80xi32, #tpu.memory_space<vmem>>) target_semaphore(%run_scoped3A_658 : memref<!tpu.dma_semaphore, #tpu.memory_space<semaphore_mem>>)
        %dma_wait3A = arith.constant 0 : i32
        %dma_wait3A_666 = arith.constant 0 : i32
        %dma_wait3A_667 = tpu.memref_slice %arg2[%add3A_17, %dma_wait3A, %dma_wait3A_666] : memref<4000x3x80xi32, #tpu.memory_space<hbm>> -> memref<1x3x80xi32, #tpu.memory_space<hbm>>
        %dma_wait3A_668 = tpu.memref_squeeze %dma_wait3A_667 : memref<1x3x80xi32, #tpu.memory_space<hbm>> -> memref<3x80xi32, #tpu.memory_space<hbm>>
        %dma_wait3A_669 = arith.constant 0 : i32
        %dma_wait3A_670 = arith.constant 0 : i32
        %dma_wait3A_671 = tpu.memref_slice %arg2[%add3A_17, %dma_wait3A_669, %dma_wait3A_670] : memref<4000x3x80xi32, #tpu.memory_space<hbm>> -> memref<1x3x80xi32, #tpu.memory_space<hbm>>
        %dma_wait3A_672 = tpu.memref_squeeze %dma_wait3A_671 : memref<1x3x80xi32, #tpu.memory_space<hbm>> -> memref<3x80xi32, #tpu.memory_space<hbm>>
        tpu.wait_dma2 semaphore(%run_scoped3A_658 : memref<!tpu.dma_semaphore, #tpu.memory_space<semaphore_mem>>) src(%dma_wait3A_672 : memref<3x80xi32, #tpu.memory_space<hbm>>) dst(%arg10 : memref<3x80xi32, #tpu.memory_space<vmem>>)
        tpu.yield
      }) : () -> ()
      %get3A = arith.constant 0 : i32
      %get3A_18 = arith.index_cast %get3A : i32 to index
      %get3A_19 = arith.constant 0 : index
      %get3A_20 = tpu.vector_load %arg10[%get3A_18, %get3A_19] {strides = array<i32>} : memref<3x80xi32, #tpu.memory_space<vmem>>, vector<16xi32>,
      %mul3A_21 = arith.constant 8 : i32
      %mul3A_22 = vector.broadcast %mul3A_21 : i32 to vector<16xi32>
      %mul3A_23 = arith.muli %get3A_20, %mul3A_22 : vector<16xi32>
      %get3A_24 = arith.constant 1 : i32
      %get3A_25 = arith.index_cast %get3A_24 : i32 to index
      %get3A_26 = arith.constant 0 : index
      %get3A_27 = tpu.vector_load %arg10[%get3A_25, %get3A_26] {strides = array<i32>} : memref<3x80xi32, #tpu.memory_space<vmem>>, vector<16xi32>,
      %mul3A_28 = arith.constant 8 : i32
      %mul3A_29 = vector.broadcast %mul3A_28 : i32 to vector<16xi32>
      %mul3A_30 = arith.muli %get3A_27, %mul3A_29 : vector<16xi32>
      %get3A_31 = arith.constant 2 : i32
      %get3A_32 = arith.index_cast %get3A_31 : i32 to index
      %get3A_33 = arith.constant 0 : index
      %get3A_34 = tpu.vector_load %arg10[%get3A_32, %get3A_33] {strides = array<i32>} : memref<3x80xi32, #tpu.memory_space<vmem>>, vector<16xi32>,
      %mul3A_35 = arith.constant 4 : i32
      %mul3A_36 = vector.broadcast %mul3A_35 : i32 to vector<16xi32>
      %mul3A_37 = arith.muli %get3A_34, %mul3A_36 : vector<16xi32>
      %iota3A = tpu.iota {dimensions = array<i32: 0>} : vector<16xi32>
      %add3A_38 = arith.constant 0 : i32
      %add3A_39 = vector.broadcast %add3A_38 : i32 to vector<16xi32>
      %add3A_40 = arith.addi %add3A_39, %iota3A : vector<16xi32>
      %add3A_41 = arith.constant 0 : i32
      %add3A_42 = vector.broadcast %add3A_41 : i32 to vector<16xi32>
      %add3A_43 = arith.addi %mul3A_23, %add3A_42 : vector<16xi32>
      %gather3A = tpu.vector_load_idx %arg8[%add3A_43] : memref<80000xf32, #tpu.memory_space<vmem>>[vector<16xi32>], vector<16xf32>,
      %add3A_44 = arith.constant 4 : i32
      %add3A_45 = vector.broadcast %add3A_44 : i32 to vector<16xi32>
      %add3A_46 = arith.addi %mul3A_30, %add3A_45 : vector<16xi32>
      %gather3A_47 = tpu.vector_load_idx %arg8[%add3A_46] : memref<80000xf32, #tpu.memory_space<vmem>>[vector<16xi32>], vector<16xf32>,
      %add3A_48 = arith.constant 0 : i32
      %add3A_49 = vector.broadcast %add3A_48 : i32 to vector<16xi32>
      %add3A_50 = arith.addi %mul3A_37, %add3A_49 : vector<16xi32>
      %gather3A_51 = tpu.vector_load_idx %arg9[%add3A_50] : memref<32xf32, #tpu.memory_space<vmem>>[vector<16xi32>], vector<16xf32>,
      %add3A_52 = arith.addf %gather3A, %gather3A_47 : vector<16xf32>
      %add3A_53 = arith.addf %add3A_52, %gather3A_51 : vector<16xf32>
      %mul3A_54 = arith.constant 2.000000e-01 : f32
      %mul3A_55 = vector.broadcast %mul3A_54 : f32 to vector<16xf32>
      %mul3A_56 = arith.mulf %mul3A_55, %add3A_53 : vector<16xf32>
      %max3A = arith.maximumf %add3A_53, %mul3A_56 : vector<16xf32>
      %mul3A_57 = arith.constant 2.000000e-01 : f32
      %mul3A_58 = vector.broadcast %mul3A_57 : f32 to vector<16xf32>
      %mul3A_59 = arith.mulf %mul3A_58, %gather3A_47 : vector<16xf32>
      %max3A_60 = arith.maximumf %gather3A_47, %mul3A_59 : vector<16xf32>
      %sub3A = arith.subf %max3A, %max3A_60 : vector<16xf32>
      %exp3A = math.exp %sub3A : vector<16xf32>
      %broadcast_in_dim3A = arith.constant 0 : i32
      %broadcast_in_dim3A_61 = vector.broadcast %broadcast_in_dim3A : i32 to vector<16xi32>
      tpu.vector_store_idx %arg11[%add3A_40, %broadcast_in_dim3A_61], %exp3A : memref<80x4xf32, #tpu.memory_space<vmem>>[vector<16xi32>, vector<16xi32>], vector<16xf32>,
      tpu.vector_store_idx %arg12[%add3A_40, %broadcast_in_dim3A_61], %exp3A : memref<80x16xf32, #tpu.memory_space<vmem>>[vector<16xi32>, vector<16xi32>], vector<16xf32>,
      %add3A_62 = arith.constant 1 : i32
      %add3A_63 = vector.broadcast %add3A_62 : i32 to vector<16xi32>
      %add3A_64 = arith.addi %mul3A_23, %add3A_63 : vector<16xi32>
      %gather3A_65 = tpu.vector_load_idx %arg8[%add3A_64] : memref<80000xf32, #tpu.memory_space<vmem>>[vector<16xi32>], vector<16xf32>,
      %add3A_66 = arith.constant 5 : i32
      %add3A_67 = vector.broadcast %add3A_66 : i32 to vector<16xi32>
      %add3A_68 = arith.addi %mul3A_30, %add3A_67 : vector<16xi32>
      %gather3A_69 = tpu.vector_load_idx %arg8[%add3A_68] : memref<80000xf32, #tpu.memory_space<vmem>>[vector<16xi32>], vector<16xf32>,
      %add3A_70 = arith.constant 1 : i32
      %add3A_71 = vector.broadcast %add3A_70 : i32 to vector<16xi32>
      %add3A_72 = arith.addi %mul3A_37, %add3A_71 : vector<16xi32>
      %gather3A_73 = tpu.vector_load_idx %arg9[%add3A_72] : memref<32xf32, #tpu.memory_space<vmem>>[vector<16xi32>], vector<16xf32>,
      %add3A_74 = arith.addf %gather3A_65, %gather3A_69 : vector<16xf32>
      %add3A_75 = arith.addf %add3A_74, %gather3A_73 : vector<16xf32>
      %mul3A_76 = arith.constant 2.000000e-01 : f32
      %mul3A_77 = vector.broadcast %mul3A_76 : f32 to vector<16xf32>
      %mul3A_78 = arith.mulf %mul3A_77, %add3A_75 : vector<16xf32>
      %max3A_79 = arith.maximumf %add3A_75, %mul3A_78 : vector<16xf32>
      %mul3A_80 = arith.constant 2.000000e-01 : f32
      %mul3A_81 = vector.broadcast %mul3A_80 : f32 to vector<16xf32>
      %mul3A_82 = arith.mulf %mul3A_81, %gather3A_69 : vector<16xf32>
      %max3A_83 = arith.maximumf %gather3A_69, %mul3A_82 : vector<16xf32>
      %sub3A_84 = arith.subf %max3A_79, %max3A_83 : vector<16xf32>
      %exp3A_85 = math.exp %sub3A_84 : vector<16xf32>
      %broadcast_in_dim3A_86 = arith.constant 1 : i32
      %broadcast_in_dim3A_87 = vector.broadcast %broadcast_in_dim3A_86 : i32 to vector<16xi32>
      tpu.vector_store_idx %arg11[%add3A_40, %broadcast_in_dim3A_87], %exp3A_85 : memref<80x4xf32, #tpu.memory_space<vmem>>[vector<16xi32>, vector<16xi32>], vector<16xf32>,
      tpu.vector_store_idx %arg12[%add3A_40, %broadcast_in_dim3A_87], %exp3A_85 : memref<80x16xf32, #tpu.memory_space<vmem>>[vector<16xi32>, vector<16xi32>], vector<16xf32>,
      %add3A_88 = arith.constant 2 : i32
      %add3A_89 = vector.broadcast %add3A_88 : i32 to vector<16xi32>
      %add3A_90 = arith.addi %mul3A_23, %add3A_89 : vector<16xi32>
      %gather3A_91 = tpu.vector_load_idx %arg8[%add3A_90] : memref<80000xf32, #tpu.memory_space<vmem>>[vector<16xi32>], vector<16xf32>,
      %add3A_92 = arith.constant 6 : i32
      %add3A_93 = vector.broadcast %add3A_92 : i32 to vector<16xi32>
      %add3A_94 = arith.addi %mul3A_30, %add3A_93 : vector<16xi32>
      %gather3A_95 = tpu.vector_load_idx %arg8[%add3A_94] : memref<80000xf32, #tpu.memory_space<vmem>>[vector<16xi32>], vector<16xf32>,
      %add3A_96 = arith.constant 2 : i32
      %add3A_97 = vector.broadcast %add3A_96 : i32 to vector<16xi32>
      %add3A_98 = arith.addi %mul3A_37, %add3A_97 : vector<16xi32>
      %gather3A_99 = tpu.vector_load_idx %arg9[%add3A_98] : memref<32xf32, #tpu.memory_space<vmem>>[vector<16xi32>], vector<16xf32>,
      %add3A_100 = arith.addf %gather3A_91, %gather3A_95 : vector<16xf32>
      %add3A_101 = arith.addf %add3A_100, %gather3A_99 : vector<16xf32>
      %mul3A_102 = arith.constant 2.000000e-01 : f32
      %mul3A_103 = vector.broadcast %mul3A_102 : f32 to vector<16xf32>
      %mul3A_104 = arith.mulf %mul3A_103, %add3A_101 : vector<16xf32>
      %max3A_105 = arith.maximumf %add3A_101, %mul3A_104 : vector<16xf32>
      %mul3A_106 = arith.constant 2.000000e-01 : f32
      %mul3A_107 = vector.broadcast %mul3A_106 : f32 to vector<16xf32>
      %mul3A_108 = arith.mulf %mul3A_107, %gather3A_95 : vector<16xf32>
      %max3A_109 = arith.maximumf %gather3A_95, %mul3A_108 : vector<16xf32>
      %sub3A_110 = arith.subf %max3A_105, %max3A_109 : vector<16xf32>
      %exp3A_111 = math.exp %sub3A_110 : vector<16xf32>
      %broadcast_in_dim3A_112 = arith.constant 2 : i32
      %broadcast_in_dim3A_113 = vector.broadcast %broadcast_in_dim3A_112 : i32 to vector<16xi32>
      tpu.vector_store_idx %arg11[%add3A_40, %broadcast_in_dim3A_113], %exp3A_111 : memref<80x4xf32, #tpu.memory_space<vmem>>[vector<16xi32>, vector<16xi32>], vector<16xf32>,
      tpu.vector_store_idx %arg12[%add3A_40, %broadcast_in_dim3A_113], %exp3A_111 : memref<80x16xf32, #tpu.memory_space<vmem>>[vector<16xi32>, vector<16xi32>], vector<16xf32>,
      %add3A_114 = arith.constant 3 : i32
      %add3A_115 = vector.broadcast %add3A_114 : i32 to vector<16xi32>
      %add3A_116 = arith.addi %mul3A_23, %add3A_115 : vector<16xi32>
      %gather3A_117 = tpu.vector_load_idx %arg8[%add3A_116] : memref<80000xf32, #tpu.memory_space<vmem>>[vector<16xi32>], vector<16xf32>,
      %add3A_118 = arith.constant 7 : i32
      %add3A_119 = vector.broadcast %add3A_118 : i32 to vector<16xi32>
      %add3A_120 = arith.addi %mul3A_30, %add3A_119 : vector<16xi32>
      %gather3A_121 = tpu.vector_load_idx %arg8[%add3A_120] : memref<80000xf32, #tpu.memory_space<vmem>>[vector<16xi32>], vector<16xf32>,
      %add3A_122 = arith.constant 3 : i32
      %add3A_123 = vector.broadcast %add3A_122 : i32 to vector<16xi32>
      %add3A_124 = arith.addi %mul3A_37, %add3A_123 : vector<16xi32>
      %gather3A_125 = tpu.vector_load_idx %arg9[%add3A_124] : memref<32xf32, #tpu.memory_space<vmem>>[vector<16xi32>], vector<16xf32>,
      %add3A_126 = arith.addf %gather3A_117, %gather3A_121 : vector<16xf32>
      %add3A_127 = arith.addf %add3A_126, %gather3A_125 : vector<16xf32>
      %mul3A_128 = arith.constant 2.000000e-01 : f32
      %mul3A_129 = vector.broadcast %mul3A_128 : f32 to vector<16xf32>
      %mul3A_130 = arith.mulf %mul3A_129, %add3A_127 : vector<16xf32>
      %max3A_131 = arith.maximumf %add3A_127, %mul3A_130 : vector<16xf32>
      %mul3A_132 = arith.constant 2.000000e-01 : f32
      %mul3A_133 = vector.broadcast %mul3A_132 : f32 to vector<16xf32>
      %mul3A_134 = arith.mulf %mul3A_133, %gather3A_121 : vector<16xf32>
      %max3A_135 = arith.maximumf %gather3A_121, %mul3A_134 : vector<16xf32>
      %sub3A_136 = arith.subf %max3A_131, %max3A_135 : vector<16xf32>
      %exp3A_137 = math.exp %sub3A_136 : vector<16xf32>
      %broadcast_in_dim3A_138 = arith.constant 3 : i32
      %broadcast_in_dim3A_139 = vector.broadcast %broadcast_in_dim3A_138 : i32 to vector<16xi32>
      tpu.vector_store_idx %arg11[%add3A_40, %broadcast_in_dim3A_139], %exp3A_137 : memref<80x4xf32, #tpu.memory_space<vmem>>[vector<16xi32>, vector<16xi32>], vector<16xf32>,
      tpu.vector_store_idx %arg12[%add3A_40, %broadcast_in_dim3A_139], %exp3A_137 : memref<80x16xf32, #tpu.memory_space<vmem>>[vector<16xi32>, vector<16xi32>], vector<16xf32>,
      %get3A_140 = arith.constant 0 : i32
      %get3A_141 = arith.index_cast %get3A_140 : i32 to index
      %get3A_142 = arith.constant 16 : index
      %get3A_143 = tpu.vector_load %arg10[%get3A_141, %get3A_142] {strides = array<i32>} : memref<3x80xi32, #tpu.memory_space<vmem>>, vector<16xi32>,
      %mul3A_144 = arith.constant 8 : i32
      %mul3A_145 = vector.broadcast %mul3A_144 : i32 to vector<16xi32>
      %mul3A_146 = arith.muli %get3A_143, %mul3A_145 : vector<16xi32>
      %get3A_147 = arith.constant 1 : i32
      %get3A_148 = arith.index_cast %get3A_147 : i32 to index
      %get3A_149 = arith.constant 16 : index
      %get3A_150 = tpu.vector_load %arg10[%get3A_148, %get3A_149] {strides = array<i32>} : memref<3x80xi32, #tpu.memory_space<vmem>>, vector<16xi32>,
      %mul3A_151 = arith.constant 8 : i32
      %mul3A_152 = vector.broadcast %mul3A_151 : i32 to vector<16xi32>
      %mul3A_153 = arith.muli %get3A_150, %mul3A_152 : vector<16xi32>
      %get3A_154 = arith.constant 2 : i32
      %get3A_155 = arith.index_cast %get3A_154 : i32 to index
      %get3A_156 = arith.constant 16 : index
      %get3A_157 = tpu.vector_load %arg10[%get3A_155, %get3A_156] {strides = array<i32>} : memref<3x80xi32, #tpu.memory_space<vmem>>, vector<16xi32>,
      %mul3A_158 = arith.constant 4 : i32
      %mul3A_159 = vector.broadcast %mul3A_158 : i32 to vector<16xi32>
      %mul3A_160 = arith.muli %get3A_157, %mul3A_159 : vector<16xi32>
      %iota3A_161 = tpu.iota {dimensions = array<i32: 0>} : vector<16xi32>
      %add3A_162 = arith.constant 16 : i32
      %add3A_163 = vector.broadcast %add3A_162 : i32 to vector<16xi32>
      %add3A_164 = arith.addi %add3A_163, %iota3A_161 : vector<16xi32>
      %add3A_165 = arith.constant 0 : i32
      %add3A_166 = vector.broadcast %add3A_165 : i32 to vector<16xi32>
      %add3A_167 = arith.addi %mul3A_146, %add3A_166 : vector<16xi32>
      %gather3A_168 = tpu.vector_load_idx %arg8[%add3A_167] : memref<80000xf32, #tpu.memory_space<vmem>>[vector<16xi32>], vector<16xf32>,
      %add3A_169 = arith.constant 4 : i32
      %add3A_170 = vector.broadcast %add3A_169 : i32 to vector<16xi32>
      %add3A_171 = arith.addi %mul3A_153, %add3A_170 : vector<16xi32>
      %gather3A_172 = tpu.vector_load_idx %arg8[%add3A_171] : memref<80000xf32, #tpu.memory_space<vmem>>[vector<16xi32>], vector<16xf32>,
      %add3A_173 = arith.constant 0 : i32
      %add3A_174 = vector.broadcast %add3A_173 : i32 to vector<16xi32>
      %add3A_175 = arith.addi %mul3A_160, %add3A_174 : vector<16xi32>
      %gather3A_176 = tpu.vector_load_idx %arg9[%add3A_175] : memref<32xf32, #tpu.memory_space<vmem>>[vector<16xi32>], vector<16xf32>,
      %add3A_177 = arith.addf %gather3A_168, %gather3A_172 : vector<16xf32>
      %add3A_178 = arith.addf %add3A_177, %gather3A_176 : vector<16xf32>
      %mul3A_179 = arith.constant 2.000000e-01 : f32
      %mul3A_180 = vector.broadcast %mul3A_179 : f32 to vector<16xf32>
      %mul3A_181 = arith.mulf %mul3A_180, %add3A_178 : vector<16xf32>
      %max3A_182 = arith.maximumf %add3A_178, %mul3A_181 : vector<16xf32>
      %mul3A_183 = arith.constant 2.000000e-01 : f32
      %mul3A_184 = vector.broadcast %mul3A_183 : f32 to vector<16xf32>
      %mul3A_185 = arith.mulf %mul3A_184, %gather3A_172 : vector<16xf32>
      %max3A_186 = arith.maximumf %gather3A_172, %mul3A_185 : vector<16xf32>
      %sub3A_187 = arith.subf %max3A_182, %max3A_186 : vector<16xf32>
      %exp3A_188 = math.exp %sub3A_187 : vector<16xf32>
      %broadcast_in_dim3A_189 = arith.constant 0 : i32
      %broadcast_in_dim3A_190 = vector.broadcast %broadcast_in_dim3A_189 : i32 to vector<16xi32>
      tpu.vector_store_idx %arg11[%add3A_164, %broadcast_in_dim3A_190], %exp3A_188 : memref<80x4xf32, #tpu.memory_space<vmem>>[vector<16xi32>, vector<16xi32>], vector<16xf32>,
      tpu.vector_store_idx %arg12[%add3A_164, %broadcast_in_dim3A_190], %exp3A_188 : memref<80x16xf32, #tpu.memory_space<vmem>>[vector<16xi32>, vector<16xi32>], vector<16xf32>,
      %add3A_191 = arith.constant 1 : i32
      %add3A_192 = vector.broadcast %add3A_191 : i32 to vector<16xi32>
      %add3A_193 = arith.addi %mul3A_146, %add3A_192 : vector<16xi32>
      %gather3A_194 = tpu.vector_load_idx %arg8[%add3A_193] : memref<80000xf32, #tpu.memory_space<vmem>>[vector<16xi32>], vector<16xf32>,
      %add3A_195 = arith.constant 5 : i32
      %add3A_196 = vector.broadcast %add3A_195 : i32 to vector<16xi32>
      %add3A_197 = arith.addi %mul3A_153, %add3A_196 : vector<16xi32>
      %gather3A_198 = tpu.vector_load_idx %arg8[%add3A_197] : memref<80000xf32, #tpu.memory_space<vmem>>[vector<16xi32>], vector<16xf32>,
      %add3A_199 = arith.constant 1 : i32
      %add3A_200 = vector.broadcast %add3A_199 : i32 to vector<16xi32>
      %add3A_201 = arith.addi %mul3A_160, %add3A_200 : vector<16xi32>
      %gather3A_202 = tpu.vector_load_idx %arg9[%add3A_201] : memref<32xf32, #tpu.memory_space<vmem>>[vector<16xi32>], vector<16xf32>,
      %add3A_203 = arith.addf %gather3A_194, %gather3A_198 : vector<16xf32>
      %add3A_204 = arith.addf %add3A_203, %gather3A_202 : vector<16xf32>
      %mul3A_205 = arith.constant 2.000000e-01 : f32
      %mul3A_206 = vector.broadcast %mul3A_205 : f32 to vector<16xf32>
      %mul3A_207 = arith.mulf %mul3A_206, %add3A_204 : vector<16xf32>
      %max3A_208 = arith.maximumf %add3A_204, %mul3A_207 : vector<16xf32>
      %mul3A_209 = arith.constant 2.000000e-01 : f32
      %mul3A_210 = vector.broadcast %mul3A_209 : f32 to vector<16xf32>
      %mul3A_211 = arith.mulf %mul3A_210, %gather3A_198 : vector<16xf32>
      %max3A_212 = arith.maximumf %gather3A_198, %mul3A_211 : vector<16xf32>
      %sub3A_213 = arith.subf %max3A_208, %max3A_212 : vector<16xf32>
      %exp3A_214 = math.exp %sub3A_213 : vector<16xf32>
      %broadcast_in_dim3A_215 = arith.constant 1 : i32
      %broadcast_in_dim3A_216 = vector.broadcast %broadcast_in_dim3A_215 : i32 to vector<16xi32>
      tpu.vector_store_idx %arg11[%add3A_164, %broadcast_in_dim3A_216], %exp3A_214 : memref<80x4xf32, #tpu.memory_space<vmem>>[vector<16xi32>, vector<16xi32>], vector<16xf32>,
      tpu.vector_store_idx %arg12[%add3A_164, %broadcast_in_dim3A_216], %exp3A_214 : memref<80x16xf32, #tpu.memory_space<vmem>>[vector<16xi32>, vector<16xi32>], vector<16xf32>,
      %add3A_217 = arith.constant 2 : i32
      %add3A_218 = vector.broadcast %add3A_217 : i32 to vector<16xi32>
      %add3A_219 = arith.addi %mul3A_146, %add3A_218 : vector<16xi32>
      %gather3A_220 = tpu.vector_load_idx %arg8[%add3A_219] : memref<80000xf32, #tpu.memory_space<vmem>>[vector<16xi32>], vector<16xf32>,
      %add3A_221 = arith.constant 6 : i32
      %add3A_222 = vector.broadcast %add3A_221 : i32 to vector<16xi32>
      %add3A_223 = arith.addi %mul3A_153, %add3A_222 : vector<16xi32>
      %gather3A_224 = tpu.vector_load_idx %arg8[%add3A_223] : memref<80000xf32, #tpu.memory_space<vmem>>[vector<16xi32>], vector<16xf32>,
      %add3A_225 = arith.constant 2 : i32
      %add3A_226 = vector.broadcast %add3A_225 : i32 to vector<16xi32>
      %add3A_227 = arith.addi %mul3A_160, %add3A_226 : vector<16xi32>
      %gather3A_228 = tpu.vector_load_idx %arg9[%add3A_227] : memref<32xf32, #tpu.memory_space<vmem>>[vector<16xi32>], vector<16xf32>,
      %add3A_229 = arith.addf %gather3A_220, %gather3A_224 : vector<16xf32>
      %add3A_230 = arith.addf %add3A_229, %gather3A_228 : vector<16xf32>
      %mul3A_231 = arith.constant 2.000000e-01 : f32
      %mul3A_232 = vector.broadcast %mul3A_231 : f32 to vector<16xf32>
      %mul3A_233 = arith.mulf %mul3A_232, %add3A_230 : vector<16xf32>
      %max3A_234 = arith.maximumf %add3A_230, %mul3A_233 : vector<16xf32>
      %mul3A_235 = arith.constant 2.000000e-01 : f32
      %mul3A_236 = vector.broadcast %mul3A_235 : f32 to vector<16xf32>
      %mul3A_237 = arith.mulf %mul3A_236, %gather3A_224 : vector<16xf32>
      %max3A_238 = arith.maximumf %gather3A_224, %mul3A_237 : vector<16xf32>
      %sub3A_239 = arith.subf %max3A_234, %max3A_238 : vector<16xf32>
      %exp3A_240 = math.exp %sub3A_239 : vector<16xf32>
      %broadcast_in_dim3A_241 = arith.constant 2 : i32
      %broadcast_in_dim3A_242 = vector.broadcast %broadcast_in_dim3A_241 : i32 to vector<16xi32>
      tpu.vector_store_idx %arg11[%add3A_164, %broadcast_in_dim3A_242], %exp3A_240 : memref<80x4xf32, #tpu.memory_space<vmem>>[vector<16xi32>, vector<16xi32>], vector<16xf32>,
      tpu.vector_store_idx %arg12[%add3A_164, %broadcast_in_dim3A_242], %exp3A_240 : memref<80x16xf32, #tpu.memory_space<vmem>>[vector<16xi32>, vector<16xi32>], vector<16xf32>,
      %add3A_243 = arith.constant 3 : i32
      %add3A_244 = vector.broadcast %add3A_243 : i32 to vector<16xi32>
      %add3A_245 = arith.addi %mul3A_146, %add3A_244 : vector<16xi32>
      %gather3A_246 = tpu.vector_load_idx %arg8[%add3A_245] : memref<80000xf32, #tpu.memory_space<vmem>>[vector<16xi32>], vector<16xf32>,
      %add3A_247 = arith.constant 7 : i32
      %add3A_248 = vector.broadcast %add3A_247 : i32 to vector<16xi32>
      %add3A_249 = arith.addi %mul3A_153, %add3A_248 : vector<16xi32>
      %gather3A_250 = tpu.vector_load_idx %arg8[%add3A_249] : memref<80000xf32, #tpu.memory_space<vmem>>[vector<16xi32>], vector<16xf32>,
      %add3A_251 = arith.constant 3 : i32
      %add3A_252 = vector.broadcast %add3A_251 : i32 to vector<16xi32>
      %add3A_253 = arith.addi %mul3A_160, %add3A_252 : vector<16xi32>
      %gather3A_254 = tpu.vector_load_idx %arg9[%add3A_253] : memref<32xf32, #tpu.memory_space<vmem>>[vector<16xi32>], vector<16xf32>,
      %add3A_255 = arith.addf %gather3A_246, %gather3A_250 : vector<16xf32>
      %add3A_256 = arith.addf %add3A_255, %gather3A_254 : vector<16xf32>
      %mul3A_257 = arith.constant 2.000000e-01 : f32
      %mul3A_258 = vector.broadcast %mul3A_257 : f32 to vector<16xf32>
      %mul3A_259 = arith.mulf %mul3A_258, %add3A_256 : vector<16xf32>
      %max3A_260 = arith.maximumf %add3A_256, %mul3A_259 : vector<16xf32>
      %mul3A_261 = arith.constant 2.000000e-01 : f32
      %mul3A_262 = vector.broadcast %mul3A_261 : f32 to vector<16xf32>
      %mul3A_263 = arith.mulf %mul3A_262, %gather3A_250 : vector<16xf32>
      %max3A_264 = arith.maximumf %gather3A_250, %mul3A_263 : vector<16xf32>
      %sub3A_265 = arith.subf %max3A_260, %max3A_264 : vector<16xf32>
      %exp3A_266 = math.exp %sub3A_265 : vector<16xf32>
      %broadcast_in_dim3A_267 = arith.constant 3 : i32
      %broadcast_in_dim3A_268 = vector.broadcast %broadcast_in_dim3A_267 : i32 to vector<16xi32>
      tpu.vector_store_idx %arg11[%add3A_164, %broadcast_in_dim3A_268], %exp3A_266 : memref<80x4xf32, #tpu.memory_space<vmem>>[vector<16xi32>, vector<16xi32>], vector<16xf32>,
      tpu.vector_store_idx %arg12[%add3A_164, %broadcast_in_dim3A_268], %exp3A_266 : memref<80x16xf32, #tpu.memory_space<vmem>>[vector<16xi32>, vector<16xi32>], vector<16xf32>,
      %get3A_269 = arith.constant 0 : i32
      %get3A_270 = arith.index_cast %get3A_269 : i32 to index
      %get3A_271 = arith.constant 32 : index
      %get3A_272 = tpu.vector_load %arg10[%get3A_270, %get3A_271] {strides = array<i32>} : memref<3x80xi32, #tpu.memory_space<vmem>>, vector<16xi32>,
      %mul3A_273 = arith.constant 8 : i32
      %mul3A_274 = vector.broadcast %mul3A_273 : i32 to vector<16xi32>
      %mul3A_275 = arith.muli %get3A_272, %mul3A_274 : vector<16xi32>
      %get3A_276 = arith.constant 1 : i32
      %get3A_277 = arith.index_cast %get3A_276 : i32 to index
      %get3A_278 = arith.constant 32 : index
      %get3A_279 = tpu.vector_load %arg10[%get3A_277, %get3A_278] {strides = array<i32>} : memref<3x80xi32, #tpu.memory_space<vmem>>, vector<16xi32>,
      %mul3A_280 = arith.constant 8 : i32
      %mul3A_281 = vector.broadcast %mul3A_280 : i32 to vector<16xi32>
      %mul3A_282 = arith.muli %get3A_279, %mul3A_281 : vector<16xi32>
      %get3A_283 = arith.constant 2 : i32
      %get3A_284 = arith.index_cast %get3A_283 : i32 to index
      %get3A_285 = arith.constant 32 : index
      %get3A_286 = tpu.vector_load %arg10[%get3A_284, %get3A_285] {strides = array<i32>} : memref<3x80xi32, #tpu.memory_space<vmem>>, vector<16xi32>,
      %mul3A_287 = arith.constant 4 : i32
      %mul3A_288 = vector.broadcast %mul3A_287 : i32 to vector<16xi32>
      %mul3A_289 = arith.muli %get3A_286, %mul3A_288 : vector<16xi32>
      %iota3A_290 = tpu.iota {dimensions = array<i32: 0>} : vector<16xi32>
      %add3A_291 = arith.constant 32 : i32
      %add3A_292 = vector.broadcast %add3A_291 : i32 to vector<16xi32>
      %add3A_293 = arith.addi %add3A_292, %iota3A_290 : vector<16xi32>
      %add3A_294 = arith.constant 0 : i32
      %add3A_295 = vector.broadcast %add3A_294 : i32 to vector<16xi32>
      %add3A_296 = arith.addi %mul3A_275, %add3A_295 : vector<16xi32>
      %gather3A_297 = tpu.vector_load_idx %arg8[%add3A_296] : memref<80000xf32, #tpu.memory_space<vmem>>[vector<16xi32>], vector<16xf32>,
      %add3A_298 = arith.constant 4 : i32
      %add3A_299 = vector.broadcast %add3A_298 : i32 to vector<16xi32>
      %add3A_300 = arith.addi %mul3A_282, %add3A_299 : vector<16xi32>
      %gather3A_301 = tpu.vector_load_idx %arg8[%add3A_300] : memref<80000xf32, #tpu.memory_space<vmem>>[vector<16xi32>], vector<16xf32>,
      %add3A_302 = arith.constant 0 : i32
      %add3A_303 = vector.broadcast %add3A_302 : i32 to vector<16xi32>
      %add3A_304 = arith.addi %mul3A_289, %add3A_303 : vector<16xi32>
      %gather3A_305 = tpu.vector_load_idx %arg9[%add3A_304] : memref<32xf32, #tpu.memory_space<vmem>>[vector<16xi32>], vector<16xf32>,
      %add3A_306 = arith.addf %gather3A_297, %gather3A_301 : vector<16xf32>
      %add3A_307 = arith.addf %add3A_306, %gather3A_305 : vector<16xf32>
      %mul3A_308 = arith.constant 2.000000e-01 : f32
      %mul3A_309 = vector.broadcast %mul3A_308 : f32 to vector<16xf32>
      %mul3A_310 = arith.mulf %mul3A_309, %add3A_307 : vector<16xf32>
      %max3A_311 = arith.maximumf %add3A_307, %mul3A_310 : vector<16xf32>
      %mul3A_312 = arith.constant 2.000000e-01 : f32
      %mul3A_313 = vector.broadcast %mul3A_312 : f32 to vector<16xf32>
      %mul3A_314 = arith.mulf %mul3A_313, %gather3A_301 : vector<16xf32>
      %max3A_315 = arith.maximumf %gather3A_301, %mul3A_314 : vector<16xf32>
      %sub3A_316 = arith.subf %max3A_311, %max3A_315 : vector<16xf32>
      %exp3A_317 = math.exp %sub3A_316 : vector<16xf32>
      %broadcast_in_dim3A_318 = arith.constant 0 : i32
      %broadcast_in_dim3A_319 = vector.broadcast %broadcast_in_dim3A_318 : i32 to vector<16xi32>
      tpu.vector_store_idx %arg11[%add3A_293, %broadcast_in_dim3A_319], %exp3A_317 : memref<80x4xf32, #tpu.memory_space<vmem>>[vector<16xi32>, vector<16xi32>], vector<16xf32>,
      tpu.vector_store_idx %arg12[%add3A_293, %broadcast_in_dim3A_319], %exp3A_317 : memref<80x16xf32, #tpu.memory_space<vmem>>[vector<16xi32>, vector<16xi32>], vector<16xf32>,
      %add3A_320 = arith.constant 1 : i32
      %add3A_321 = vector.broadcast %add3A_320 : i32 to vector<16xi32>
      %add3A_322 = arith.addi %mul3A_275, %add3A_321 : vector<16xi32>
      %gather3A_323 = tpu.vector_load_idx %arg8[%add3A_322] : memref<80000xf32, #tpu.memory_space<vmem>>[vector<16xi32>], vector<16xf32>,
      %add3A_324 = arith.constant 5 : i32
      %add3A_325 = vector.broadcast %add3A_324 : i32 to vector<16xi32>
      %add3A_326 = arith.addi %mul3A_282, %add3A_325 : vector<16xi32>
      %gather3A_327 = tpu.vector_load_idx %arg8[%add3A_326] : memref<80000xf32, #tpu.memory_space<vmem>>[vector<16xi32>], vector<16xf32>,
      %add3A_328 = arith.constant 1 : i32
      %add3A_329 = vector.broadcast %add3A_328 : i32 to vector<16xi32>
      %add3A_330 = arith.addi %mul3A_289, %add3A_329 : vector<16xi32>
      %gather3A_331 = tpu.vector_load_idx %arg9[%add3A_330] : memref<32xf32, #tpu.memory_space<vmem>>[vector<16xi32>], vector<16xf32>,
      %add3A_332 = arith.addf %gather3A_323, %gather3A_327 : vector<16xf32>
      %add3A_333 = arith.addf %add3A_332, %gather3A_331 : vector<16xf32>
      %mul3A_334 = arith.constant 2.000000e-01 : f32
      %mul3A_335 = vector.broadcast %mul3A_334 : f32 to vector<16xf32>
      %mul3A_336 = arith.mulf %mul3A_335, %add3A_333 : vector<16xf32>
      %max3A_337 = arith.maximumf %add3A_333, %mul3A_336 : vector<16xf32>
      %mul3A_338 = arith.constant 2.000000e-01 : f32
      %mul3A_339 = vector.broadcast %mul3A_338 : f32 to vector<16xf32>
      %mul3A_340 = arith.mulf %mul3A_339, %gather3A_327 : vector<16xf32>
      %max3A_341 = arith.maximumf %gather3A_327, %mul3A_340 : vector<16xf32>
      %sub3A_342 = arith.subf %max3A_337, %max3A_341 : vector<16xf32>
      %exp3A_343 = math.exp %sub3A_342 : vector<16xf32>
      %broadcast_in_dim3A_344 = arith.constant 1 : i32
      %broadcast_in_dim3A_345 = vector.broadcast %broadcast_in_dim3A_344 : i32 to vector<16xi32>
      tpu.vector_store_idx %arg11[%add3A_293, %broadcast_in_dim3A_345], %exp3A_343 : memref<80x4xf32, #tpu.memory_space<vmem>>[vector<16xi32>, vector<16xi32>], vector<16xf32>,
      tpu.vector_store_idx %arg12[%add3A_293, %broadcast_in_dim3A_345], %exp3A_343 : memref<80x16xf32, #tpu.memory_space<vmem>>[vector<16xi32>, vector<16xi32>], vector<16xf32>,
      %add3A_346 = arith.constant 2 : i32
      %add3A_347 = vector.broadcast %add3A_346 : i32 to vector<16xi32>
      %add3A_348 = arith.addi %mul3A_275, %add3A_347 : vector<16xi32>
      %gather3A_349 = tpu.vector_load_idx %arg8[%add3A_348] : memref<80000xf32, #tpu.memory_space<vmem>>[vector<16xi32>], vector<16xf32>,
      %add3A_350 = arith.constant 6 : i32
      %add3A_351 = vector.broadcast %add3A_350 : i32 to vector<16xi32>
      %add3A_352 = arith.addi %mul3A_282, %add3A_351 : vector<16xi32>
      %gather3A_353 = tpu.vector_load_idx %arg8[%add3A_352] : memref<80000xf32, #tpu.memory_space<vmem>>[vector<16xi32>], vector<16xf32>,
      %add3A_354 = arith.constant 2 : i32
      %add3A_355 = vector.broadcast %add3A_354 : i32 to vector<16xi32>
      %add3A_356 = arith.addi %mul3A_289, %add3A_355 : vector<16xi32>
      %gather3A_357 = tpu.vector_load_idx %arg9[%add3A_356] : memref<32xf32, #tpu.memory_space<vmem>>[vector<16xi32>], vector<16xf32>,
      %add3A_358 = arith.addf %gather3A_349, %gather3A_353 : vector<16xf32>
      %add3A_359 = arith.addf %add3A_358, %gather3A_357 : vector<16xf32>
      %mul3A_360 = arith.constant 2.000000e-01 : f32
      %mul3A_361 = vector.broadcast %mul3A_360 : f32 to vector<16xf32>
      %mul3A_362 = arith.mulf %mul3A_361, %add3A_359 : vector<16xf32>
      %max3A_363 = arith.maximumf %add3A_359, %mul3A_362 : vector<16xf32>
      %mul3A_364 = arith.constant 2.000000e-01 : f32
      %mul3A_365 = vector.broadcast %mul3A_364 : f32 to vector<16xf32>
      %mul3A_366 = arith.mulf %mul3A_365, %gather3A_353 : vector<16xf32>
      %max3A_367 = arith.maximumf %gather3A_353, %mul3A_366 : vector<16xf32>
      %sub3A_368 = arith.subf %max3A_363, %max3A_367 : vector<16xf32>
      %exp3A_369 = math.exp %sub3A_368 : vector<16xf32>
      %broadcast_in_dim3A_370 = arith.constant 2 : i32
      %broadcast_in_dim3A_371 = vector.broadcast %broadcast_in_dim3A_370 : i32 to vector<16xi32>
      tpu.vector_store_idx %arg11[%add3A_293, %broadcast_in_dim3A_371], %exp3A_369 : memref<80x4xf32, #tpu.memory_space<vmem>>[vector<16xi32>, vector<16xi32>], vector<16xf32>,
      tpu.vector_store_idx %arg12[%add3A_293, %broadcast_in_dim3A_371], %exp3A_369 : memref<80x16xf32, #tpu.memory_space<vmem>>[vector<16xi32>, vector<16xi32>], vector<16xf32>,
      %add3A_372 = arith.constant 3 : i32
      %add3A_373 = vector.broadcast %add3A_372 : i32 to vector<16xi32>
      %add3A_374 = arith.addi %mul3A_275, %add3A_373 : vector<16xi32>
      %gather3A_375 = tpu.vector_load_idx %arg8[%add3A_374] : memref<80000xf32, #tpu.memory_space<vmem>>[vector<16xi32>], vector<16xf32>,
      %add3A_376 = arith.constant 7 : i32
      %add3A_377 = vector.broadcast %add3A_376 : i32 to vector<16xi32>
      %add3A_378 = arith.addi %mul3A_282, %add3A_377 : vector<16xi32>
      %gather3A_379 = tpu.vector_load_idx %arg8[%add3A_378] : memref<80000xf32, #tpu.memory_space<vmem>>[vector<16xi32>], vector<16xf32>,
      %add3A_380 = arith.constant 3 : i32
      %add3A_381 = vector.broadcast %add3A_380 : i32 to vector<16xi32>
      %add3A_382 = arith.addi %mul3A_289, %add3A_381 : vector<16xi32>
      %gather3A_383 = tpu.vector_load_idx %arg9[%add3A_382] : memref<32xf32, #tpu.memory_space<vmem>>[vector<16xi32>], vector<16xf32>,
      %add3A_384 = arith.addf %gather3A_375, %gather3A_379 : vector<16xf32>
      %add3A_385 = arith.addf %add3A_384, %gather3A_383 : vector<16xf32>
      %mul3A_386 = arith.constant 2.000000e-01 : f32
      %mul3A_387 = vector.broadcast %mul3A_386 : f32 to vector<16xf32>
      %mul3A_388 = arith.mulf %mul3A_387, %add3A_385 : vector<16xf32>
      %max3A_389 = arith.maximumf %add3A_385, %mul3A_388 : vector<16xf32>
      %mul3A_390 = arith.constant 2.000000e-01 : f32
      %mul3A_391 = vector.broadcast %mul3A_390 : f32 to vector<16xf32>
      %mul3A_392 = arith.mulf %mul3A_391, %gather3A_379 : vector<16xf32>
      %max3A_393 = arith.maximumf %gather3A_379, %mul3A_392 : vector<16xf32>
      %sub3A_394 = arith.subf %max3A_389, %max3A_393 : vector<16xf32>
      %exp3A_395 = math.exp %sub3A_394 : vector<16xf32>
      %broadcast_in_dim3A_396 = arith.constant 3 : i32
      %broadcast_in_dim3A_397 = vector.broadcast %broadcast_in_dim3A_396 : i32 to vector<16xi32>
      tpu.vector_store_idx %arg11[%add3A_293, %broadcast_in_dim3A_397], %exp3A_395 : memref<80x4xf32, #tpu.memory_space<vmem>>[vector<16xi32>, vector<16xi32>], vector<16xf32>,
      tpu.vector_store_idx %arg12[%add3A_293, %broadcast_in_dim3A_397], %exp3A_395 : memref<80x16xf32, #tpu.memory_space<vmem>>[vector<16xi32>, vector<16xi32>], vector<16xf32>,
      %get3A_398 = arith.constant 0 : i32
      %get3A_399 = arith.index_cast %get3A_398 : i32 to index
      %get3A_400 = arith.constant 48 : index
      %get3A_401 = tpu.vector_load %arg10[%get3A_399, %get3A_400] {strides = array<i32>} : memref<3x80xi32, #tpu.memory_space<vmem>>, vector<16xi32>,
      %mul3A_402 = arith.constant 8 : i32
      %mul3A_403 = vector.broadcast %mul3A_402 : i32 to vector<16xi32>
      %mul3A_404 = arith.muli %get3A_401, %mul3A_403 : vector<16xi32>
      %get3A_405 = arith.constant 1 : i32
      %get3A_406 = arith.index_cast %get3A_405 : i32 to index
      %get3A_407 = arith.constant 48 : index
      %get3A_408 = tpu.vector_load %arg10[%get3A_406, %get3A_407] {strides = array<i32>} : memref<3x80xi32, #tpu.memory_space<vmem>>, vector<16xi32>,
      %mul3A_409 = arith.constant 8 : i32
      %mul3A_410 = vector.broadcast %mul3A_409 : i32 to vector<16xi32>
      %mul3A_411 = arith.muli %get3A_408, %mul3A_410 : vector<16xi32>
      %get3A_412 = arith.constant 2 : i32
      %get3A_413 = arith.index_cast %get3A_412 : i32 to index
      %get3A_414 = arith.constant 48 : index
      %get3A_415 = tpu.vector_load %arg10[%get3A_413, %get3A_414] {strides = array<i32>} : memref<3x80xi32, #tpu.memory_space<vmem>>, vector<16xi32>,
      %mul3A_416 = arith.constant 4 : i32
      %mul3A_417 = vector.broadcast %mul3A_416 : i32 to vector<16xi32>
      %mul3A_418 = arith.muli %get3A_415, %mul3A_417 : vector<16xi32>
      %iota3A_419 = tpu.iota {dimensions = array<i32: 0>} : vector<16xi32>
      %add3A_420 = arith.constant 48 : i32
      %add3A_421 = vector.broadcast %add3A_420 : i32 to vector<16xi32>
      %add3A_422 = arith.addi %add3A_421, %iota3A_419 : vector<16xi32>
      %add3A_423 = arith.constant 0 : i32
      %add3A_424 = vector.broadcast %add3A_423 : i32 to vector<16xi32>
      %add3A_425 = arith.addi %mul3A_404, %add3A_424 : vector<16xi32>
      %gather3A_426 = tpu.vector_load_idx %arg8[%add3A_425] : memref<80000xf32, #tpu.memory_space<vmem>>[vector<16xi32>], vector<16xf32>,
      %add3A_427 = arith.constant 4 : i32
      %add3A_428 = vector.broadcast %add3A_427 : i32 to vector<16xi32>
      %add3A_429 = arith.addi %mul3A_411, %add3A_428 : vector<16xi32>
      %gather3A_430 = tpu.vector_load_idx %arg8[%add3A_429] : memref<80000xf32, #tpu.memory_space<vmem>>[vector<16xi32>], vector<16xf32>,
      %add3A_431 = arith.constant 0 : i32
      %add3A_432 = vector.broadcast %add3A_431 : i32 to vector<16xi32>
      %add3A_433 = arith.addi %mul3A_418, %add3A_432 : vector<16xi32>
      %gather3A_434 = tpu.vector_load_idx %arg9[%add3A_433] : memref<32xf32, #tpu.memory_space<vmem>>[vector<16xi32>], vector<16xf32>,
      %add3A_435 = arith.addf %gather3A_426, %gather3A_430 : vector<16xf32>
      %add3A_436 = arith.addf %add3A_435, %gather3A_434 : vector<16xf32>
      %mul3A_437 = arith.constant 2.000000e-01 : f32
      %mul3A_438 = vector.broadcast %mul3A_437 : f32 to vector<16xf32>
      %mul3A_439 = arith.mulf %mul3A_438, %add3A_436 : vector<16xf32>
      %max3A_440 = arith.maximumf %add3A_436, %mul3A_439 : vector<16xf32>
      %mul3A_441 = arith.constant 2.000000e-01 : f32
      %mul3A_442 = vector.broadcast %mul3A_441 : f32 to vector<16xf32>
      %mul3A_443 = arith.mulf %mul3A_442, %gather3A_430 : vector<16xf32>
      %max3A_444 = arith.maximumf %gather3A_430, %mul3A_443 : vector<16xf32>
      %sub3A_445 = arith.subf %max3A_440, %max3A_444 : vector<16xf32>
      %exp3A_446 = math.exp %sub3A_445 : vector<16xf32>
      %broadcast_in_dim3A_447 = arith.constant 0 : i32
      %broadcast_in_dim3A_448 = vector.broadcast %broadcast_in_dim3A_447 : i32 to vector<16xi32>
      tpu.vector_store_idx %arg11[%add3A_422, %broadcast_in_dim3A_448], %exp3A_446 : memref<80x4xf32, #tpu.memory_space<vmem>>[vector<16xi32>, vector<16xi32>], vector<16xf32>,
      tpu.vector_store_idx %arg12[%add3A_422, %broadcast_in_dim3A_448], %exp3A_446 : memref<80x16xf32, #tpu.memory_space<vmem>>[vector<16xi32>, vector<16xi32>], vector<16xf32>,
      %add3A_449 = arith.constant 1 : i32
      %add3A_450 = vector.broadcast %add3A_449 : i32 to vector<16xi32>
      %add3A_451 = arith.addi %mul3A_404, %add3A_450 : vector<16xi32>
      %gather3A_452 = tpu.vector_load_idx %arg8[%add3A_451] : memref<80000xf32, #tpu.memory_space<vmem>>[vector<16xi32>], vector<16xf32>,
      %add3A_453 = arith.constant 5 : i32
      %add3A_454 = vector.broadcast %add3A_453 : i32 to vector<16xi32>
      %add3A_455 = arith.addi %mul3A_411, %add3A_454 : vector<16xi32>
      %gather3A_456 = tpu.vector_load_idx %arg8[%add3A_455] : memref<80000xf32, #tpu.memory_space<vmem>>[vector<16xi32>], vector<16xf32>,
      %add3A_457 = arith.constant 1 : i32
      %add3A_458 = vector.broadcast %add3A_457 : i32 to vector<16xi32>
      %add3A_459 = arith.addi %mul3A_418, %add3A_458 : vector<16xi32>
      %gather3A_460 = tpu.vector_load_idx %arg9[%add3A_459] : memref<32xf32, #tpu.memory_space<vmem>>[vector<16xi32>], vector<16xf32>,
      %add3A_461 = arith.addf %gather3A_452, %gather3A_456 : vector<16xf32>
      %add3A_462 = arith.addf %add3A_461, %gather3A_460 : vector<16xf32>
      %mul3A_463 = arith.constant 2.000000e-01 : f32
      %mul3A_464 = vector.broadcast %mul3A_463 : f32 to vector<16xf32>
      %mul3A_465 = arith.mulf %mul3A_464, %add3A_462 : vector<16xf32>
      %max3A_466 = arith.maximumf %add3A_462, %mul3A_465 : vector<16xf32>
      %mul3A_467 = arith.constant 2.000000e-01 : f32
      %mul3A_468 = vector.broadcast %mul3A_467 : f32 to vector<16xf32>
      %mul3A_469 = arith.mulf %mul3A_468, %gather3A_456 : vector<16xf32>
      %max3A_470 = arith.maximumf %gather3A_456, %mul3A_469 : vector<16xf32>
      %sub3A_471 = arith.subf %max3A_466, %max3A_470 : vector<16xf32>
      %exp3A_472 = math.exp %sub3A_471 : vector<16xf32>
      %broadcast_in_dim3A_473 = arith.constant 1 : i32
      %broadcast_in_dim3A_474 = vector.broadcast %broadcast_in_dim3A_473 : i32 to vector<16xi32>
      tpu.vector_store_idx %arg11[%add3A_422, %broadcast_in_dim3A_474], %exp3A_472 : memref<80x4xf32, #tpu.memory_space<vmem>>[vector<16xi32>, vector<16xi32>], vector<16xf32>,
      tpu.vector_store_idx %arg12[%add3A_422, %broadcast_in_dim3A_474], %exp3A_472 : memref<80x16xf32, #tpu.memory_space<vmem>>[vector<16xi32>, vector<16xi32>], vector<16xf32>,
      %add3A_475 = arith.constant 2 : i32
      %add3A_476 = vector.broadcast %add3A_475 : i32 to vector<16xi32>
      %add3A_477 = arith.addi %mul3A_404, %add3A_476 : vector<16xi32>
      %gather3A_478 = tpu.vector_load_idx %arg8[%add3A_477] : memref<80000xf32, #tpu.memory_space<vmem>>[vector<16xi32>], vector<16xf32>,
      %add3A_479 = arith.constant 6 : i32
      %add3A_480 = vector.broadcast %add3A_479 : i32 to vector<16xi32>
      %add3A_481 = arith.addi %mul3A_411, %add3A_480 : vector<16xi32>
      %gather3A_482 = tpu.vector_load_idx %arg8[%add3A_481] : memref<80000xf32, #tpu.memory_space<vmem>>[vector<16xi32>], vector<16xf32>,
      %add3A_483 = arith.constant 2 : i32
      %add3A_484 = vector.broadcast %add3A_483 : i32 to vector<16xi32>
      %add3A_485 = arith.addi %mul3A_418, %add3A_484 : vector<16xi32>
      %gather3A_486 = tpu.vector_load_idx %arg9[%add3A_485] : memref<32xf32, #tpu.memory_space<vmem>>[vector<16xi32>], vector<16xf32>,
      %add3A_487 = arith.addf %gather3A_478, %gather3A_482 : vector<16xf32>
      %add3A_488 = arith.addf %add3A_487, %gather3A_486 : vector<16xf32>
      %mul3A_489 = arith.constant 2.000000e-01 : f32
      %mul3A_490 = vector.broadcast %mul3A_489 : f32 to vector<16xf32>
      %mul3A_491 = arith.mulf %mul3A_490, %add3A_488 : vector<16xf32>
      %max3A_492 = arith.maximumf %add3A_488, %mul3A_491 : vector<16xf32>
      %mul3A_493 = arith.constant 2.000000e-01 : f32
      %mul3A_494 = vector.broadcast %mul3A_493 : f32 to vector<16xf32>
      %mul3A_495 = arith.mulf %mul3A_494, %gather3A_482 : vector<16xf32>
      %max3A_496 = arith.maximumf %gather3A_482, %mul3A_495 : vector<16xf32>
      %sub3A_497 = arith.subf %max3A_492, %max3A_496 : vector<16xf32>
      %exp3A_498 = math.exp %sub3A_497 : vector<16xf32>
      %broadcast_in_dim3A_499 = arith.constant 2 : i32
      %broadcast_in_dim3A_500 = vector.broadcast %broadcast_in_dim3A_499 : i32 to vector<16xi32>
      tpu.vector_store_idx %arg11[%add3A_422, %broadcast_in_dim3A_500], %exp3A_498 : memref<80x4xf32, #tpu.memory_space<vmem>>[vector<16xi32>, vector<16xi32>], vector<16xf32>,
      tpu.vector_store_idx %arg12[%add3A_422, %broadcast_in_dim3A_500], %exp3A_498 : memref<80x16xf32, #tpu.memory_space<vmem>>[vector<16xi32>, vector<16xi32>], vector<16xf32>,
      %add3A_501 = arith.constant 3 : i32
      %add3A_502 = vector.broadcast %add3A_501 : i32 to vector<16xi32>
      %add3A_503 = arith.addi %mul3A_404, %add3A_502 : vector<16xi32>
      %gather3A_504 = tpu.vector_load_idx %arg8[%add3A_503] : memref<80000xf32, #tpu.memory_space<vmem>>[vector<16xi32>], vector<16xf32>,
      %add3A_505 = arith.constant 7 : i32
      %add3A_506 = vector.broadcast %add3A_505 : i32 to vector<16xi32>
      %add3A_507 = arith.addi %mul3A_411, %add3A_506 : vector<16xi32>
      %gather3A_508 = tpu.vector_load_idx %arg8[%add3A_507] : memref<80000xf32, #tpu.memory_space<vmem>>[vector<16xi32>], vector<16xf32>,
      %add3A_509 = arith.constant 3 : i32
      %add3A_510 = vector.broadcast %add3A_509 : i32 to vector<16xi32>
      %add3A_511 = arith.addi %mul3A_418, %add3A_510 : vector<16xi32>
      %gather3A_512 = tpu.vector_load_idx %arg9[%add3A_511] : memref<32xf32, #tpu.memory_space<vmem>>[vector<16xi32>], vector<16xf32>,
      %add3A_513 = arith.addf %gather3A_504, %gather3A_508 : vector<16xf32>
      %add3A_514 = arith.addf %add3A_513, %gather3A_512 : vector<16xf32>
      %mul3A_515 = arith.constant 2.000000e-01 : f32
      %mul3A_516 = vector.broadcast %mul3A_515 : f32 to vector<16xf32>
      %mul3A_517 = arith.mulf %mul3A_516, %add3A_514 : vector<16xf32>
      %max3A_518 = arith.maximumf %add3A_514, %mul3A_517 : vector<16xf32>
      %mul3A_519 = arith.constant 2.000000e-01 : f32
      %mul3A_520 = vector.broadcast %mul3A_519 : f32 to vector<16xf32>
      %mul3A_521 = arith.mulf %mul3A_520, %gather3A_508 : vector<16xf32>
      %max3A_522 = arith.maximumf %gather3A_508, %mul3A_521 : vector<16xf32>
      %sub3A_523 = arith.subf %max3A_518, %max3A_522 : vector<16xf32>
      %exp3A_524 = math.exp %sub3A_523 : vector<16xf32>
      %broadcast_in_dim3A_525 = arith.constant 3 : i32
      %broadcast_in_dim3A_526 = vector.broadcast %broadcast_in_dim3A_525 : i32 to vector<16xi32>
      tpu.vector_store_idx %arg11[%add3A_422, %broadcast_in_dim3A_526], %exp3A_524 : memref<80x4xf32, #tpu.memory_space<vmem>>[vector<16xi32>, vector<16xi32>], vector<16xf32>,
      tpu.vector_store_idx %arg12[%add3A_422, %broadcast_in_dim3A_526], %exp3A_524 : memref<80x16xf32, #tpu.memory_space<vmem>>[vector<16xi32>, vector<16xi32>], vector<16xf32>,
      %get3A_527 = arith.constant 0 : i32
      %get3A_528 = arith.index_cast %get3A_527 : i32 to index
      %get3A_529 = arith.constant 64 : index
      %get3A_530 = tpu.vector_load %arg10[%get3A_528, %get3A_529] {strides = array<i32>} : memref<3x80xi32, #tpu.memory_space<vmem>>, vector<16xi32>,
      %mul3A_531 = arith.constant 8 : i32
      %mul3A_532 = vector.broadcast %mul3A_531 : i32 to vector<16xi32>
      %mul3A_533 = arith.muli %get3A_530, %mul3A_532 : vector<16xi32>
      %get3A_534 = arith.constant 1 : i32
      %get3A_535 = arith.index_cast %get3A_534 : i32 to index
      %get3A_536 = arith.constant 64 : index
      %get3A_537 = tpu.vector_load %arg10[%get3A_535, %get3A_536] {strides = array<i32>} : memref<3x80xi32, #tpu.memory_space<vmem>>, vector<16xi32>,
      %mul3A_538 = arith.constant 8 : i32
      %mul3A_539 = vector.broadcast %mul3A_538 : i32 to vector<16xi32>
      %mul3A_540 = arith.muli %get3A_537, %mul3A_539 : vector<16xi32>
      %get3A_541 = arith.constant 2 : i32
      %get3A_542 = arith.index_cast %get3A_541 : i32 to index
      %get3A_543 = arith.constant 64 : index
      %get3A_544 = tpu.vector_load %arg10[%get3A_542, %get3A_543] {strides = array<i32>} : memref<3x80xi32, #tpu.memory_space<vmem>>, vector<16xi32>,
      %mul3A_545 = arith.constant 4 : i32
      %mul3A_546 = vector.broadcast %mul3A_545 : i32 to vector<16xi32>
      %mul3A_547 = arith.muli %get3A_544, %mul3A_546 : vector<16xi32>
      %iota3A_548 = tpu.iota {dimensions = array<i32: 0>} : vector<16xi32>
      %add3A_549 = arith.constant 64 : i32
      %add3A_550 = vector.broadcast %add3A_549 : i32 to vector<16xi32>
      %add3A_551 = arith.addi %add3A_550, %iota3A_548 : vector<16xi32>
      %add3A_552 = arith.constant 0 : i32
      %add3A_553 = vector.broadcast %add3A_552 : i32 to vector<16xi32>
      %add3A_554 = arith.addi %mul3A_533, %add3A_553 : vector<16xi32>
      %gather3A_555 = tpu.vector_load_idx %arg8[%add3A_554] : memref<80000xf32, #tpu.memory_space<vmem>>[vector<16xi32>], vector<16xf32>,
      %add3A_556 = arith.constant 4 : i32
      %add3A_557 = vector.broadcast %add3A_556 : i32 to vector<16xi32>
      %add3A_558 = arith.addi %mul3A_540, %add3A_557 : vector<16xi32>
      %gather3A_559 = tpu.vector_load_idx %arg8[%add3A_558] : memref<80000xf32, #tpu.memory_space<vmem>>[vector<16xi32>], vector<16xf32>,
      %add3A_560 = arith.constant 0 : i32
      %add3A_561 = vector.broadcast %add3A_560 : i32 to vector<16xi32>
      %add3A_562 = arith.addi %mul3A_547, %add3A_561 : vector<16xi32>
      %gather3A_563 = tpu.vector_load_idx %arg9[%add3A_562] : memref<32xf32, #tpu.memory_space<vmem>>[vector<16xi32>], vector<16xf32>,
      %add3A_564 = arith.addf %gather3A_555, %gather3A_559 : vector<16xf32>
      %add3A_565 = arith.addf %add3A_564, %gather3A_563 : vector<16xf32>
      %mul3A_566 = arith.constant 2.000000e-01 : f32
      %mul3A_567 = vector.broadcast %mul3A_566 : f32 to vector<16xf32>
      %mul3A_568 = arith.mulf %mul3A_567, %add3A_565 : vector<16xf32>
      %max3A_569 = arith.maximumf %add3A_565, %mul3A_568 : vector<16xf32>
      %mul3A_570 = arith.constant 2.000000e-01 : f32
      %mul3A_571 = vector.broadcast %mul3A_570 : f32 to vector<16xf32>
      %mul3A_572 = arith.mulf %mul3A_571, %gather3A_559 : vector<16xf32>
      %max3A_573 = arith.maximumf %gather3A_559, %mul3A_572 : vector<16xf32>
      %sub3A_574 = arith.subf %max3A_569, %max3A_573 : vector<16xf32>
      %exp3A_575 = math.exp %sub3A_574 : vector<16xf32>
      %broadcast_in_dim3A_576 = arith.constant 0 : i32
      %broadcast_in_dim3A_577 = vector.broadcast %broadcast_in_dim3A_576 : i32 to vector<16xi32>
      tpu.vector_store_idx %arg11[%add3A_551, %broadcast_in_dim3A_577], %exp3A_575 : memref<80x4xf32, #tpu.memory_space<vmem>>[vector<16xi32>, vector<16xi32>], vector<16xf32>,
      tpu.vector_store_idx %arg12[%add3A_551, %broadcast_in_dim3A_577], %exp3A_575 : memref<80x16xf32, #tpu.memory_space<vmem>>[vector<16xi32>, vector<16xi32>], vector<16xf32>,
      %add3A_578 = arith.constant 1 : i32
      %add3A_579 = vector.broadcast %add3A_578 : i32 to vector<16xi32>
      %add3A_580 = arith.addi %mul3A_533, %add3A_579 : vector<16xi32>
      %gather3A_581 = tpu.vector_load_idx %arg8[%add3A_580] : memref<80000xf32, #tpu.memory_space<vmem>>[vector<16xi32>], vector<16xf32>,
      %add3A_582 = arith.constant 5 : i32
      %add3A_583 = vector.broadcast %add3A_582 : i32 to vector<16xi32>
      %add3A_584 = arith.addi %mul3A_540, %add3A_583 : vector<16xi32>
      %gather3A_585 = tpu.vector_load_idx %arg8[%add3A_584] : memref<80000xf32, #tpu.memory_space<vmem>>[vector<16xi32>], vector<16xf32>,
      %add3A_586 = arith.constant 1 : i32
      %add3A_587 = vector.broadcast %add3A_586 : i32 to vector<16xi32>
      %add3A_588 = arith.addi %mul3A_547, %add3A_587 : vector<16xi32>
      %gather3A_589 = tpu.vector_load_idx %arg9[%add3A_588] : memref<32xf32, #tpu.memory_space<vmem>>[vector<16xi32>], vector<16xf32>,
      %add3A_590 = arith.addf %gather3A_581, %gather3A_585 : vector<16xf32>
      %add3A_591 = arith.addf %add3A_590, %gather3A_589 : vector<16xf32>
      %mul3A_592 = arith.constant 2.000000e-01 : f32
      %mul3A_593 = vector.broadcast %mul3A_592 : f32 to vector<16xf32>
      %mul3A_594 = arith.mulf %mul3A_593, %add3A_591 : vector<16xf32>
      %max3A_595 = arith.maximumf %add3A_591, %mul3A_594 : vector<16xf32>
      %mul3A_596 = arith.constant 2.000000e-01 : f32
      %mul3A_597 = vector.broadcast %mul3A_596 : f32 to vector<16xf32>
      %mul3A_598 = arith.mulf %mul3A_597, %gather3A_585 : vector<16xf32>
      %max3A_599 = arith.maximumf %gather3A_585, %mul3A_598 : vector<16xf32>
      %sub3A_600 = arith.subf %max3A_595, %max3A_599 : vector<16xf32>
      %exp3A_601 = math.exp %sub3A_600 : vector<16xf32>
      %broadcast_in_dim3A_602 = arith.constant 1 : i32
      %broadcast_in_dim3A_603 = vector.broadcast %broadcast_in_dim3A_602 : i32 to vector<16xi32>
      tpu.vector_store_idx %arg11[%add3A_551, %broadcast_in_dim3A_603], %exp3A_601 : memref<80x4xf32, #tpu.memory_space<vmem>>[vector<16xi32>, vector<16xi32>], vector<16xf32>,
      tpu.vector_store_idx %arg12[%add3A_551, %broadcast_in_dim3A_603], %exp3A_601 : memref<80x16xf32, #tpu.memory_space<vmem>>[vector<16xi32>, vector<16xi32>], vector<16xf32>,
      %add3A_604 = arith.constant 2 : i32
      %add3A_605 = vector.broadcast %add3A_604 : i32 to vector<16xi32>
      %add3A_606 = arith.addi %mul3A_533, %add3A_605 : vector<16xi32>
      %gather3A_607 = tpu.vector_load_idx %arg8[%add3A_606] : memref<80000xf32, #tpu.memory_space<vmem>>[vector<16xi32>], vector<16xf32>,
      %add3A_608 = arith.constant 6 : i32
      %add3A_609 = vector.broadcast %add3A_608 : i32 to vector<16xi32>
      %add3A_610 = arith.addi %mul3A_540, %add3A_609 : vector<16xi32>
      %gather3A_611 = tpu.vector_load_idx %arg8[%add3A_610] : memref<80000xf32, #tpu.memory_space<vmem>>[vector<16xi32>], vector<16xf32>,
      %add3A_612 = arith.constant 2 : i32
      %add3A_613 = vector.broadcast %add3A_612 : i32 to vector<16xi32>
      %add3A_614 = arith.addi %mul3A_547, %add3A_613 : vector<16xi32>
      %gather3A_615 = tpu.vector_load_idx %arg9[%add3A_614] : memref<32xf32, #tpu.memory_space<vmem>>[vector<16xi32>], vector<16xf32>,
      %add3A_616 = arith.addf %gather3A_607, %gather3A_611 : vector<16xf32>
      %add3A_617 = arith.addf %add3A_616, %gather3A_615 : vector<16xf32>
      %mul3A_618 = arith.constant 2.000000e-01 : f32
      %mul3A_619 = vector.broadcast %mul3A_618 : f32 to vector<16xf32>
      %mul3A_620 = arith.mulf %mul3A_619, %add3A_617 : vector<16xf32>
      %max3A_621 = arith.maximumf %add3A_617, %mul3A_620 : vector<16xf32>
      %mul3A_622 = arith.constant 2.000000e-01 : f32
      %mul3A_623 = vector.broadcast %mul3A_622 : f32 to vector<16xf32>
      %mul3A_624 = arith.mulf %mul3A_623, %gather3A_611 : vector<16xf32>
      %max3A_625 = arith.maximumf %gather3A_611, %mul3A_624 : vector<16xf32>
      %sub3A_626 = arith.subf %max3A_621, %max3A_625 : vector<16xf32>
      %exp3A_627 = math.exp %sub3A_626 : vector<16xf32>
      %broadcast_in_dim3A_628 = arith.constant 2 : i32
      %broadcast_in_dim3A_629 = vector.broadcast %broadcast_in_dim3A_628 : i32 to vector<16xi32>
      tpu.vector_store_idx %arg11[%add3A_551, %broadcast_in_dim3A_629], %exp3A_627 : memref<80x4xf32, #tpu.memory_space<vmem>>[vector<16xi32>, vector<16xi32>], vector<16xf32>,
      tpu.vector_store_idx %arg12[%add3A_551, %broadcast_in_dim3A_629], %exp3A_627 : memref<80x16xf32, #tpu.memory_space<vmem>>[vector<16xi32>, vector<16xi32>], vector<16xf32>,
      %add3A_630 = arith.constant 3 : i32
      %add3A_631 = vector.broadcast %add3A_630 : i32 to vector<16xi32>
      %add3A_632 = arith.addi %mul3A_533, %add3A_631 : vector<16xi32>
      %gather3A_633 = tpu.vector_load_idx %arg8[%add3A_632] : memref<80000xf32, #tpu.memory_space<vmem>>[vector<16xi32>], vector<16xf32>,
      %add3A_634 = arith.constant 7 : i32
      %add3A_635 = vector.broadcast %add3A_634 : i32 to vector<16xi32>
      %add3A_636 = arith.addi %mul3A_540, %add3A_635 : vector<16xi32>
      %gather3A_637 = tpu.vector_load_idx %arg8[%add3A_636] : memref<80000xf32, #tpu.memory_space<vmem>>[vector<16xi32>], vector<16xf32>,
      %add3A_638 = arith.constant 3 : i32
      %add3A_639 = vector.broadcast %add3A_638 : i32 to vector<16xi32>
      %add3A_640 = arith.addi %mul3A_547, %add3A_639 : vector<16xi32>
      %gather3A_641 = tpu.vector_load_idx %arg9[%add3A_640] : memref<32xf32, #tpu.memory_space<vmem>>[vector<16xi32>], vector<16xf32>,
      %add3A_642 = arith.addf %gather3A_633, %gather3A_637 : vector<16xf32>
      %add3A_643 = arith.addf %add3A_642, %gather3A_641 : vector<16xf32>
      %mul3A_644 = arith.constant 2.000000e-01 : f32
      %mul3A_645 = vector.broadcast %mul3A_644 : f32 to vector<16xf32>
      %mul3A_646 = arith.mulf %mul3A_645, %add3A_643 : vector<16xf32>
      %max3A_647 = arith.maximumf %add3A_643, %mul3A_646 : vector<16xf32>
      %mul3A_648 = arith.constant 2.000000e-01 : f32
      %mul3A_649 = vector.broadcast %mul3A_648 : f32 to vector<16xf32>
      %mul3A_650 = arith.mulf %mul3A_649, %gather3A_637 : vector<16xf32>
      %max3A_651 = arith.maximumf %gather3A_637, %mul3A_650 : vector<16xf32>
      %sub3A_652 = arith.subf %max3A_647, %max3A_651 : vector<16xf32>
      %exp3A_653 = math.exp %sub3A_652 : vector<16xf32>
      %broadcast_in_dim3A_654 = arith.constant 3 : i32
      %broadcast_in_dim3A_655 = vector.broadcast %broadcast_in_dim3A_654 : i32 to vector<16xi32>
      tpu.vector_store_idx %arg11[%add3A_551, %broadcast_in_dim3A_655], %exp3A_653 : memref<80x4xf32, #tpu.memory_space<vmem>>[vector<16xi32>, vector<16xi32>], vector<16xf32>,
      tpu.vector_store_idx %arg12[%add3A_551, %broadcast_in_dim3A_655], %exp3A_653 : memref<80x16xf32, #tpu.memory_space<vmem>>[vector<16xi32>, vector<16xi32>], vector<16xf32>,
      %run_scoped3A = arith.constant 1 : i32
      "tpu.region"() ({
        %run_scoped3A_658 = tpu.sem_alloc : memref<!tpu.dma_semaphore, #tpu.memory_space<semaphore_mem>>
        %dma_start3A = arith.constant 0 : i32
        %dma_start3A_659 = tpu.memref_slice %arg10[%run_scoped3A, %dma_start3A] : memref<3x80xi32, #tpu.memory_space<vmem>> -> memref<1x80xi32, #tpu.memory_space<vmem>>
        %dma_start3A_660 = tpu.memref_squeeze %dma_start3A_659 : memref<1x80xi32, #tpu.memory_space<vmem>> -> memref<80xi32, #tpu.memory_space<vmem>>
        %dma_start3A_661 = arith.constant 0 : i32
        %dma_start3A_662 = arith.constant 0 : i32
        %dma_start3A_663 = tpu.memref_slice %arg13[%dma_start3A_661, %dma_start3A_662] : memref<10000x16xf32, #tpu.memory_space<vmem_shared>> -> memref<10000x16xf32, #tpu.memory_space<vmem_shared>>
        tpu.enqueue_indirect_dma source(%arg12 : memref<80x16xf32, #tpu.memory_space<vmem>>) target(%dma_start3A_663 : memref<10000x16xf32, #tpu.memory_space<vmem_shared>>) offsets(%dma_start3A_660 : memref<80xi32, #tpu.memory_space<vmem>>) semaphore(%run_scoped3A_658 : memref<!tpu.dma_semaphore, #tpu.memory_space<semaphore_mem>>) {add = true}
        %dma_wait3A = arith.constant 0 : i32
        %dma_wait3A_664 = tpu.memref_slice %arg10[%run_scoped3A, %dma_wait3A] : memref<3x80xi32, #tpu.memory_space<vmem>> -> memref<1x80xi32, #tpu.memory_space<vmem>>
        %dma_wait3A_665 = tpu.memref_squeeze %dma_wait3A_664 : memref<1x80xi32, #tpu.memory_space<vmem>> -> memref<80xi32, #tpu.memory_space<vmem>>
        %dma_wait3A_666 = arith.constant 0 : i32
        %dma_wait3A_667 = arith.constant 0 : i32
        %dma_wait3A_668 = tpu.memref_slice %arg13[%dma_wait3A_666, %dma_wait3A_667] : memref<10000x16xf32, #tpu.memory_space<vmem_shared>> -> memref<10000x16xf32, #tpu.memory_space<vmem_shared>>
        tpu.wait_indirect_dma semaphore(%run_scoped3A_658 : memref<!tpu.dma_semaphore, #tpu.memory_space<semaphore_mem>>) src(%arg12 : memref<80x16xf32, #tpu.memory_space<vmem>>) dst(%dma_wait3A_668 : memref<10000x16xf32, #tpu.memory_space<vmem_shared>>)
        tpu.yield
      }) : () -> ()
      %mul3A_656 = arith.constant 80 : i32
      %mul3A_657 = arith.muli %add3A_17, %mul3A_656 : i32
      "tpu.region"() ({
        %run_scoped3A_658 = tpu.sem_alloc : memref<!tpu.dma_semaphore, #tpu.memory_space<semaphore_mem>>
        %dma_start3A = arith.constant 0 : i32
        %dma_start3A_659 = tpu.memref_slice %arg6[%mul3A_657, %dma_start3A] : memref<320000x4xf32, #tpu.memory_space<hbm>> -> memref<80x4xf32, #tpu.memory_space<hbm>>
        %dma_start3A_660 = arith.constant 0 : i32
        %dma_start3A_661 = tpu.memref_slice %arg6[%mul3A_657, %dma_start3A_660] : memref<320000x4xf32, #tpu.memory_space<hbm>> -> memref<80x4xf32, #tpu.memory_space<hbm>>
        tpu.enqueue_dma source(%arg11 : memref<80x4xf32, #tpu.memory_space<vmem>>) target(%dma_start3A_661 : memref<80x4xf32, #tpu.memory_space<hbm>>) target_semaphore(%run_scoped3A_658 : memref<!tpu.dma_semaphore, #tpu.memory_space<semaphore_mem>>)
        %dma_wait3A = arith.constant 0 : i32
        %dma_wait3A_662 = tpu.memref_slice %arg6[%mul3A_657, %dma_wait3A] : memref<320000x4xf32, #tpu.memory_space<hbm>> -> memref<80x4xf32, #tpu.memory_space<hbm>>
        %dma_wait3A_663 = arith.constant 0 : i32
        %dma_wait3A_664 = tpu.memref_slice %arg6[%mul3A_657, %dma_wait3A_663] : memref<320000x4xf32, #tpu.memory_space<hbm>> -> memref<80x4xf32, #tpu.memory_space<hbm>>
        tpu.wait_dma2 semaphore(%run_scoped3A_658 : memref<!tpu.dma_semaphore, #tpu.memory_space<semaphore_mem>>) src(%arg11 : memref<80x4xf32, #tpu.memory_space<vmem>>) dst(%dma_wait3A_664 : memref<80x4xf32, #tpu.memory_space<hbm>>)
        tpu.yield
      }) : () -> ()
    }
    %scan3A_9 = arith.constant 125 : i32
    %barrier3A_10 = arith.constant 0 : index
    tpu.barrier barrier_id(%barrier3A_10)
    %eq3A_11 = arith.constant 0 : i32
    %eq3A_12 = arith.cmpi eq, %arg1, %eq3A_11 : i32
    %convert_element_type3A_13 = arith.extui %eq3A_12 : i1 to i32
    %cond3A_14 = arith.constant 0 : i32
    %cond3A_15 = arith.cmpi ne, %convert_element_type3A_13, %cond3A_14 : i32
    scf.if %cond3A_15 {
      %mul3A_16 = arith.constant 10000 : i32
      %mul3A_17 = arith.muli %arg0, %mul3A_16 : i32
      "tpu.region"() ({
        %run_scoped3A = tpu.sem_alloc : memref<!tpu.dma_semaphore, #tpu.memory_space<semaphore_mem>>
        %dma_start3A = arith.constant 0 : i32
        %dma_start3A_18 = tpu.memref_slice %arg7[%mul3A_17, %dma_start3A] : memref<20000x16xf32, #tpu.memory_space<hbm>> -> memref<10000x16xf32, #tpu.memory_space<hbm>>
        tpu.enqueue_dma source(%arg13 : memref<10000x16xf32, #tpu.memory_space<vmem_shared>>) target(%dma_start3A_18 : memref<10000x16xf32, #tpu.memory_space<hbm>>) target_semaphore(%run_scoped3A : memref<!tpu.dma_semaphore, #tpu.memory_space<semaphore_mem>>)
        %dma_wait3A = arith.constant 0 : i32
        %dma_wait3A_19 = tpu.memref_slice %arg7[%mul3A_17, %dma_wait3A] : memref<20000x16xf32, #tpu.memory_space<hbm>> -> memref<10000x16xf32, #tpu.memory_space<hbm>>
        tpu.wait_dma2 semaphore(%run_scoped3A : memref<!tpu.dma_semaphore, #tpu.memory_space<semaphore_mem>>) src(%arg13 : memref<10000x16xf32, #tpu.memory_space<vmem_shared>>) dst(%dma_wait3A_19 : memref<10000x16xf32, #tpu.memory_space<hbm>>)
        tpu.yield
      }) : () -> ()
    } else {
    }
    return
  }
}

#map = affine_map<(d0, d1) -> (0, 0, 0)>
#map1 = affine_map<(d0, d1) -> (0, 0)>
module attributes {stable_mosaic.version = 14 : i64} {
  func.func @_pass2_body(%arg0: i32, %arg1: i32, %arg2: memref<4000x2x80xi32, #tpu.memory_space<hbm>>, %arg3: memref<320000x4xf32, #tpu.memory_space<hbm>>, %arg4: memref<10000x16xf32, #tpu.memory_space<hbm>>, %arg5: memref<10000x16xf32, #tpu.memory_space<hbm>>, %arg6: memref<10000x128xf32, #tpu.memory_space<hbm>>, %arg7: memref<10000x128xf32, #tpu.memory_space<hbm>>, %arg8: memref<320000x4xf32, #tpu.memory_space<hbm>>, %arg9: memref<20000x128xf32, #tpu.memory_space<hbm>>, %arg10: memref<2x80xi32, #tpu.memory_space<vmem>>, %arg11: memref<2x80xi32, #tpu.memory_space<vmem>>, %arg12: memref<80x4xf32, #tpu.memory_space<vmem>>, %arg13: memref<80x4xf32, #tpu.memory_space<vmem>>, %arg14: memref<80x16xf32, #tpu.memory_space<vmem>>, %arg15: memref<80x16xf32, #tpu.memory_space<vmem>>, %arg16: memref<80x16xf32, #tpu.memory_space<vmem>>, %arg17: memref<80x16xf32, #tpu.memory_space<vmem>>, %arg18: memref<80x128xf32, #tpu.memory_space<vmem>>, %arg19: memref<80x128xf32, #tpu.memory_space<vmem>>, %arg20: memref<80x4xf32, #tpu.memory_space<vmem>>, %arg21: memref<!tpu.dma_semaphore, #tpu.memory_space<semaphore_mem>>, %arg22: memref<!tpu.dma_semaphore, #tpu.memory_space<semaphore_mem>>, %arg23: memref<10000x128xf32, #tpu.memory_space<vmem_shared>>) attributes {dimension_semantics = [#tpu.dimension_semantics<core_parallel>, #tpu.dimension_semantics<subcore_parallel>], iteration_bounds = array<i64: 2, 16>, scalar_prefetch = 0 : i64, scratch_operands = 14 : i64, tpu.core_type = #tpu.core_type<sc_vector_subcore>, window_params = [{transform_indices = #map}, {transform_indices = #map1}, {transform_indices = #map1}, {transform_indices = #map1}, {transform_indices = #map1}, {transform_indices = #map1}, {transform_indices = #map1}, {transform_indices = #map1}]} {
    %mul3A = arith.constant 2 : i32
    %mul3A_0 = arith.muli %arg1, %mul3A : i32
    %add3A = arith.addi %mul3A_0, %arg0 : i32
    %mul3A_1 = arith.constant 625 : i32
    %mul3A_2 = arith.muli %arg1, %mul3A_1 : i32
    %mul3A_3 = arith.constant 625 : i32
    %mul3A_4 = arith.muli %arg1, %mul3A_3 : i32
    "tpu.region"() ({
      %run_scoped3A_82 = tpu.sem_alloc : memref<!tpu.dma_semaphore, #tpu.memory_space<semaphore_mem>>
      %dma_start3A_83 = arith.constant 0 : i32
      %dma_start3A_84 = tpu.memref_slice %arg23[%mul3A_4, %dma_start3A_83] : memref<10000x128xf32, #tpu.memory_space<vmem_shared>> -> memref<625x128xf32, #tpu.memory_space<vmem_shared>>
      %dma_start3A_85 = arith.constant 0 : i32
      %dma_start3A_86 = tpu.memref_slice %arg7[%mul3A_2, %dma_start3A_85] : memref<10000x128xf32, #tpu.memory_space<hbm>> -> memref<625x128xf32, #tpu.memory_space<hbm>>
      tpu.enqueue_dma source(%dma_start3A_86 : memref<625x128xf32, #tpu.memory_space<hbm>>) target(%dma_start3A_84 : memref<625x128xf32, #tpu.memory_space<vmem_shared>>) target_semaphore(%run_scoped3A_82 : memref<!tpu.dma_semaphore, #tpu.memory_space<semaphore_mem>>)
      %dma_wait3A_87 = arith.constant 0 : i32
      %dma_wait3A_88 = tpu.memref_slice %arg23[%mul3A_4, %dma_wait3A_87] : memref<10000x128xf32, #tpu.memory_space<vmem_shared>> -> memref<625x128xf32, #tpu.memory_space<vmem_shared>>
      %dma_wait3A_89 = arith.constant 0 : i32
      %dma_wait3A_90 = tpu.memref_slice %arg7[%mul3A_2, %dma_wait3A_89] : memref<10000x128xf32, #tpu.memory_space<hbm>> -> memref<625x128xf32, #tpu.memory_space<hbm>>
      tpu.wait_dma2 semaphore(%run_scoped3A_82 : memref<!tpu.dma_semaphore, #tpu.memory_space<semaphore_mem>>) src(%dma_wait3A_90 : memref<625x128xf32, #tpu.memory_space<hbm>>) dst(%dma_wait3A_88 : memref<625x128xf32, #tpu.memory_space<vmem_shared>>)
      tpu.yield
    }) : () -> ()
    %barrier3A = arith.constant 0 : index
    tpu.barrier barrier_id(%barrier3A)
    %mul3A_5 = arith.constant 125 : i32
    %mul3A_6 = arith.muli %add3A, %mul3A_5 : i32
    %add3A_7 = arith.constant 0 : i32
    %add3A_8 = arith.addi %mul3A_6, %add3A_7 : i32
    "tpu.region"() ({
      %run_scoped3A_82 = tpu.sem_alloc : memref<!tpu.dma_semaphore, #tpu.memory_space<semaphore_mem>>
      %dma_start3A_83 = arith.constant 0 : i32
      %dma_start3A_84 = arith.constant 0 : i32
      %dma_start3A_85 = tpu.memref_slice %arg2[%add3A_8, %dma_start3A_83, %dma_start3A_84] : memref<4000x2x80xi32, #tpu.memory_space<hbm>> -> memref<1x2x80xi32, #tpu.memory_space<hbm>>
      %dma_start3A_86 = tpu.memref_squeeze %dma_start3A_85 : memref<1x2x80xi32, #tpu.memory_space<hbm>> -> memref<2x80xi32, #tpu.memory_space<hbm>>
      %dma_start3A_87 = arith.constant 0 : i32
      %dma_start3A_88 = arith.constant 0 : i32
      %dma_start3A_89 = tpu.memref_slice %arg2[%add3A_8, %dma_start3A_87, %dma_start3A_88] : memref<4000x2x80xi32, #tpu.memory_space<hbm>> -> memref<1x2x80xi32, #tpu.memory_space<hbm>>
      %dma_start3A_90 = tpu.memref_squeeze %dma_start3A_89 : memref<1x2x80xi32, #tpu.memory_space<hbm>> -> memref<2x80xi32, #tpu.memory_space<hbm>>
      tpu.enqueue_dma source(%dma_start3A_90 : memref<2x80xi32, #tpu.memory_space<hbm>>) target(%arg10 : memref<2x80xi32, #tpu.memory_space<vmem>>) target_semaphore(%run_scoped3A_82 : memref<!tpu.dma_semaphore, #tpu.memory_space<semaphore_mem>>)
      %dma_wait3A_91 = arith.constant 0 : i32
      %dma_wait3A_92 = arith.constant 0 : i32
      %dma_wait3A_93 = tpu.memref_slice %arg2[%add3A_8, %dma_wait3A_91, %dma_wait3A_92] : memref<4000x2x80xi32, #tpu.memory_space<hbm>> -> memref<1x2x80xi32, #tpu.memory_space<hbm>>
      %dma_wait3A_94 = tpu.memref_squeeze %dma_wait3A_93 : memref<1x2x80xi32, #tpu.memory_space<hbm>> -> memref<2x80xi32, #tpu.memory_space<hbm>>
      %dma_wait3A_95 = arith.constant 0 : i32
      %dma_wait3A_96 = arith.constant 0 : i32
      %dma_wait3A_97 = tpu.memref_slice %arg2[%add3A_8, %dma_wait3A_95, %dma_wait3A_96] : memref<4000x2x80xi32, #tpu.memory_space<hbm>> -> memref<1x2x80xi32, #tpu.memory_space<hbm>>
      %dma_wait3A_98 = tpu.memref_squeeze %dma_wait3A_97 : memref<1x2x80xi32, #tpu.memory_space<hbm>> -> memref<2x80xi32, #tpu.memory_space<hbm>>
      tpu.wait_dma2 semaphore(%run_scoped3A_82 : memref<!tpu.dma_semaphore, #tpu.memory_space<semaphore_mem>>) src(%dma_wait3A_98 : memref<2x80xi32, #tpu.memory_space<hbm>>) dst(%arg10 : memref<2x80xi32, #tpu.memory_space<vmem>>)
      tpu.yield
    }) : () -> ()
    %mul3A_9 = arith.constant 80 : i32
    %mul3A_10 = arith.muli %add3A_8, %mul3A_9 : i32
    %dma_start3A = arith.constant 0 : i32
    %dma_start3A_11 = tpu.memref_slice %arg3[%mul3A_10, %dma_start3A] : memref<320000x4xf32, #tpu.memory_space<hbm>> -> memref<80x4xf32, #tpu.memory_space<hbm>>
    %dma_start3A_12 = arith.constant 0 : i32
    %dma_start3A_13 = tpu.memref_slice %arg3[%mul3A_10, %dma_start3A_12] : memref<320000x4xf32, #tpu.memory_space<hbm>> -> memref<80x4xf32, #tpu.memory_space<hbm>>
    tpu.enqueue_dma source(%dma_start3A_13 : memref<80x4xf32, #tpu.memory_space<hbm>>) target(%arg12 : memref<80x4xf32, #tpu.memory_space<vmem>>) target_semaphore(%arg21 : memref<!tpu.dma_semaphore, #tpu.memory_space<semaphore_mem>>)
    %dma_start3A_14 = arith.constant 1 : i32
    %dma_start3A_15 = arith.constant 0 : i32
    %dma_start3A_16 = tpu.memref_slice %arg10[%dma_start3A_14, %dma_start3A_15] : memref<2x80xi32, #tpu.memory_space<vmem>> -> memref<1x80xi32, #tpu.memory_space<vmem>>
    %dma_start3A_17 = tpu.memref_squeeze %dma_start3A_16 : memref<1x80xi32, #tpu.memory_space<vmem>> -> memref<80xi32, #tpu.memory_space<vmem>>
    %dma_start3A_18 = arith.constant 0 : i32
    %dma_start3A_19 = arith.constant 0 : i32
    %dma_start3A_20 = tpu.memref_slice %arg4[%dma_start3A_18, %dma_start3A_19] : memref<10000x16xf32, #tpu.memory_space<hbm>> -> memref<10000x16xf32, #tpu.memory_space<hbm>>
    tpu.enqueue_indirect_dma source(%dma_start3A_20 : memref<10000x16xf32, #tpu.memory_space<hbm>>) target(%arg14 : memref<80x16xf32, #tpu.memory_space<vmem>>) offsets(%dma_start3A_17 : memref<80xi32, #tpu.memory_space<vmem>>) semaphore(%arg21 : memref<!tpu.dma_semaphore, #tpu.memory_space<semaphore_mem>>)
    %dma_start3A_21 = arith.constant 1 : i32
    %dma_start3A_22 = arith.constant 0 : i32
    %dma_start3A_23 = tpu.memref_slice %arg10[%dma_start3A_21, %dma_start3A_22] : memref<2x80xi32, #tpu.memory_space<vmem>> -> memref<1x80xi32, #tpu.memory_space<vmem>>
    %dma_start3A_24 = tpu.memref_squeeze %dma_start3A_23 : memref<1x80xi32, #tpu.memory_space<vmem>> -> memref<80xi32, #tpu.memory_space<vmem>>
    %dma_start3A_25 = arith.constant 0 : i32
    %dma_start3A_26 = arith.constant 0 : i32
    %dma_start3A_27 = tpu.memref_slice %arg5[%dma_start3A_25, %dma_start3A_26] : memref<10000x16xf32, #tpu.memory_space<hbm>> -> memref<10000x16xf32, #tpu.memory_space<hbm>>
    tpu.enqueue_indirect_dma source(%dma_start3A_27 : memref<10000x16xf32, #tpu.memory_space<hbm>>) target(%arg16 : memref<80x16xf32, #tpu.memory_space<vmem>>) offsets(%dma_start3A_24 : memref<80xi32, #tpu.memory_space<vmem>>) semaphore(%arg21 : memref<!tpu.dma_semaphore, #tpu.memory_space<semaphore_mem>>)
    %dma_start3A_28 = arith.constant 0 : i32
    %dma_start3A_29 = arith.constant 0 : i32
    %dma_start3A_30 = tpu.memref_slice %arg10[%dma_start3A_28, %dma_start3A_29] : memref<2x80xi32, #tpu.memory_space<vmem>> -> memref<1x80xi32, #tpu.memory_space<vmem>>
    %dma_start3A_31 = tpu.memref_squeeze %dma_start3A_30 : memref<1x80xi32, #tpu.memory_space<vmem>> -> memref<80xi32, #tpu.memory_space<vmem>>
    %dma_start3A_32 = arith.constant 0 : i32
    %dma_start3A_33 = arith.constant 0 : i32
    %dma_start3A_34 = tpu.memref_slice %arg6[%dma_start3A_32, %dma_start3A_33] : memref<10000x128xf32, #tpu.memory_space<hbm>> -> memref<10000x128xf32, #tpu.memory_space<hbm>>
    tpu.enqueue_indirect_dma source(%dma_start3A_34 : memref<10000x128xf32, #tpu.memory_space<hbm>>) target(%arg18 : memref<80x128xf32, #tpu.memory_space<vmem>>) offsets(%dma_start3A_31 : memref<80xi32, #tpu.memory_space<vmem>>) semaphore(%arg21 : memref<!tpu.dma_semaphore, #tpu.memory_space<semaphore_mem>>)
    %scan3A = arith.constant 0 : i32
    %scan3A_35 = arith.constant 0 : i32
    %scan3A_36 = arith.constant 62 : i32
    %scan3A_37 = arith.addi %scan3A_35, %scan3A_36 : i32
    %scan3A_38 = arith.constant 1 : i32
    scf.for %scan3A_82 = %scan3A_35 to %scan3A_37 step %scan3A_38  : i32 {
      %mul3A_83 = arith.constant 2 : i32
      %mul3A_84 = arith.muli %mul3A_83, %scan3A_82 : i32
      %add3A_85 = arith.constant 0 : i32
      %add3A_86 = arith.addi %mul3A_84, %add3A_85 : i32
      %add3A_87 = arith.constant 1 : i32
      %add3A_88 = arith.addi %add3A_86, %add3A_87 : i32
      %add3A_89 = arith.addi %mul3A_6, %add3A_88 : i32
      "tpu.region"() ({
        %run_scoped3A_231 = tpu.sem_alloc : memref<!tpu.dma_semaphore, #tpu.memory_space<semaphore_mem>>
        %dma_start3A_232 = arith.constant 0 : i32
        %dma_start3A_233 = arith.constant 0 : i32
        %dma_start3A_234 = tpu.memref_slice %arg2[%add3A_89, %dma_start3A_232, %dma_start3A_233] : memref<4000x2x80xi32, #tpu.memory_space<hbm>> -> memref<1x2x80xi32, #tpu.memory_space<hbm>>
        %dma_start3A_235 = tpu.memref_squeeze %dma_start3A_234 : memref<1x2x80xi32, #tpu.memory_space<hbm>> -> memref<2x80xi32, #tpu.memory_space<hbm>>
        %dma_start3A_236 = arith.constant 0 : i32
        %dma_start3A_237 = arith.constant 0 : i32
        %dma_start3A_238 = tpu.memref_slice %arg2[%add3A_89, %dma_start3A_236, %dma_start3A_237] : memref<4000x2x80xi32, #tpu.memory_space<hbm>> -> memref<1x2x80xi32, #tpu.memory_space<hbm>>
        %dma_start3A_239 = tpu.memref_squeeze %dma_start3A_238 : memref<1x2x80xi32, #tpu.memory_space<hbm>> -> memref<2x80xi32, #tpu.memory_space<hbm>>
        tpu.enqueue_dma source(%dma_start3A_239 : memref<2x80xi32, #tpu.memory_space<hbm>>) target(%arg11 : memref<2x80xi32, #tpu.memory_space<vmem>>) target_semaphore(%run_scoped3A_231 : memref<!tpu.dma_semaphore, #tpu.memory_space<semaphore_mem>>)
        %dma_wait3A_240 = arith.constant 0 : i32
        %dma_wait3A_241 = arith.constant 0 : i32
        %dma_wait3A_242 = tpu.memref_slice %arg2[%add3A_89, %dma_wait3A_240, %dma_wait3A_241] : memref<4000x2x80xi32, #tpu.memory_space<hbm>> -> memref<1x2x80xi32, #tpu.memory_space<hbm>>
        %dma_wait3A_243 = tpu.memref_squeeze %dma_wait3A_242 : memref<1x2x80xi32, #tpu.memory_space<hbm>> -> memref<2x80xi32, #tpu.memory_space<hbm>>
        %dma_wait3A_244 = arith.constant 0 : i32
        %dma_wait3A_245 = arith.constant 0 : i32
        %dma_wait3A_246 = tpu.memref_slice %arg2[%add3A_89, %dma_wait3A_244, %dma_wait3A_245] : memref<4000x2x80xi32, #tpu.memory_space<hbm>> -> memref<1x2x80xi32, #tpu.memory_space<hbm>>
        %dma_wait3A_247 = tpu.memref_squeeze %dma_wait3A_246 : memref<1x2x80xi32, #tpu.memory_space<hbm>> -> memref<2x80xi32, #tpu.memory_space<hbm>>
        tpu.wait_dma2 semaphore(%run_scoped3A_231 : memref<!tpu.dma_semaphore, #tpu.memory_space<semaphore_mem>>) src(%dma_wait3A_247 : memref<2x80xi32, #tpu.memory_space<hbm>>) dst(%arg11 : memref<2x80xi32, #tpu.memory_space<vmem>>)
        tpu.yield
      }) : () -> ()
      %mul3A_90 = arith.constant 80 : i32
      %mul3A_91 = arith.muli %add3A_89, %mul3A_90 : i32
      %dma_start3A_92 = arith.constant 0 : i32
      %dma_start3A_93 = tpu.memref_slice %arg3[%mul3A_91, %dma_start3A_92] : memref<320000x4xf32, #tpu.memory_space<hbm>> -> memref<80x4xf32, #tpu.memory_space<hbm>>
      %dma_start3A_94 = arith.constant 0 : i32
      %dma_start3A_95 = tpu.memref_slice %arg3[%mul3A_91, %dma_start3A_94] : memref<320000x4xf32, #tpu.memory_space<hbm>> -> memref<80x4xf32, #tpu.memory_space<hbm>>
      tpu.enqueue_dma source(%dma_start3A_95 : memref<80x4xf32, #tpu.memory_space<hbm>>) target(%arg13 : memref<80x4xf32, #tpu.memory_space<vmem>>) target_semaphore(%arg22 : memref<!tpu.dma_semaphore, #tpu.memory_space<semaphore_mem>>)
      %dma_start3A_96 = arith.constant 1 : i32
      %dma_start3A_97 = arith.constant 0 : i32
      %dma_start3A_98 = tpu.memref_slice %arg11[%dma_start3A_96, %dma_start3A_97] : memref<2x80xi32, #tpu.memory_space<vmem>> -> memref<1x80xi32, #tpu.memory_space<vmem>>
      %dma_start3A_99 = tpu.memref_squeeze %dma_start3A_98 : memref<1x80xi32, #tpu.memory_space<vmem>> -> memref<80xi32, #tpu.memory_space<vmem>>
      %dma_start3A_100 = arith.constant 0 : i32
      %dma_start3A_101 = arith.constant 0 : i32
      %dma_start3A_102 = tpu.memref_slice %arg4[%dma_start3A_100, %dma_start3A_101] : memref<10000x16xf32, #tpu.memory_space<hbm>> -> memref<10000x16xf32, #tpu.memory_space<hbm>>
      tpu.enqueue_indirect_dma source(%dma_start3A_102 : memref<10000x16xf32, #tpu.memory_space<hbm>>) target(%arg15 : memref<80x16xf32, #tpu.memory_space<vmem>>) offsets(%dma_start3A_99 : memref<80xi32, #tpu.memory_space<vmem>>) semaphore(%arg22 : memref<!tpu.dma_semaphore, #tpu.memory_space<semaphore_mem>>)
      %dma_start3A_103 = arith.constant 1 : i32
      %dma_start3A_104 = arith.constant 0 : i32
      %dma_start3A_105 = tpu.memref_slice %arg11[%dma_start3A_103, %dma_start3A_104] : memref<2x80xi32, #tpu.memory_space<vmem>> -> memref<1x80xi32, #tpu.memory_space<vmem>>
      %dma_start3A_106 = tpu.memref_squeeze %dma_start3A_105 : memref<1x80xi32, #tpu.memory_space<vmem>> -> memref<80xi32, #tpu.memory_space<vmem>>
      %dma_start3A_107 = arith.constant 0 : i32
      %dma_start3A_108 = arith.constant 0 : i32
      %dma_start3A_109 = tpu.memref_slice %arg5[%dma_start3A_107, %dma_start3A_108] : memref<10000x16xf32, #tpu.memory_space<hbm>> -> memref<10000x16xf32, #tpu.memory_space<hbm>>
      tpu.enqueue_indirect_dma source(%dma_start3A_109 : memref<10000x16xf32, #tpu.memory_space<hbm>>) target(%arg17 : memref<80x16xf32, #tpu.memory_space<vmem>>) offsets(%dma_start3A_106 : memref<80xi32, #tpu.memory_space<vmem>>) semaphore(%arg22 : memref<!tpu.dma_semaphore, #tpu.memory_space<semaphore_mem>>)
      %dma_start3A_110 = arith.constant 0 : i32
      %dma_start3A_111 = arith.constant 0 : i32
      %dma_start3A_112 = tpu.memref_slice %arg11[%dma_start3A_110, %dma_start3A_111] : memref<2x80xi32, #tpu.memory_space<vmem>> -> memref<1x80xi32, #tpu.memory_space<vmem>>
      %dma_start3A_113 = tpu.memref_squeeze %dma_start3A_112 : memref<1x80xi32, #tpu.memory_space<vmem>> -> memref<80xi32, #tpu.memory_space<vmem>>
      %dma_start3A_114 = arith.constant 0 : i32
      %dma_start3A_115 = arith.constant 0 : i32
      %dma_start3A_116 = tpu.memref_slice %arg6[%dma_start3A_114, %dma_start3A_115] : memref<10000x128xf32, #tpu.memory_space<hbm>> -> memref<10000x128xf32, #tpu.memory_space<hbm>>
      tpu.enqueue_indirect_dma source(%dma_start3A_116 : memref<10000x128xf32, #tpu.memory_space<hbm>>) target(%arg19 : memref<80x128xf32, #tpu.memory_space<vmem>>) offsets(%dma_start3A_113 : memref<80xi32, #tpu.memory_space<vmem>>) semaphore(%arg22 : memref<!tpu.dma_semaphore, #tpu.memory_space<semaphore_mem>>)
      %add3A_117 = arith.addi %mul3A_6, %add3A_86 : i32
      %dma_wait3A_118 = arith.constant 0 : i32
      %dma_wait3A_119 = arith.constant 0 : i32
      %dma_wait3A_120 = tpu.memref_slice %arg3[%dma_wait3A_118, %dma_wait3A_119] : memref<320000x4xf32, #tpu.memory_space<hbm>> -> memref<80x4xf32, #tpu.memory_space<hbm>>
      %dma_wait3A_121 = arith.constant 0 : i32
      %dma_wait3A_122 = arith.constant 0 : i32
      %dma_wait3A_123 = tpu.memref_slice %arg3[%dma_wait3A_121, %dma_wait3A_122] : memref<320000x4xf32, #tpu.memory_space<hbm>> -> memref<80x4xf32, #tpu.memory_space<hbm>>
      tpu.wait_dma2 semaphore(%arg21 : memref<!tpu.dma_semaphore, #tpu.memory_space<semaphore_mem>>) src(%dma_wait3A_123 : memref<80x4xf32, #tpu.memory_space<hbm>>) dst(%arg12 : memref<80x4xf32, #tpu.memory_space<vmem>>)
      %dma_wait3A_124 = arith.constant 0 : i32
      %dma_wait3A_125 = arith.constant 0 : i32
      %dma_wait3A_126 = tpu.memref_slice %arg4[%dma_wait3A_124, %dma_wait3A_125] : memref<10000x16xf32, #tpu.memory_space<hbm>> -> memref<80x16xf32, #tpu.memory_space<hbm>>
      %dma_wait3A_127 = arith.constant 0 : i32
      %dma_wait3A_128 = arith.constant 0 : i32
      %dma_wait3A_129 = tpu.memref_slice %arg4[%dma_wait3A_127, %dma_wait3A_128] : memref<10000x16xf32, #tpu.memory_space<hbm>> -> memref<80x16xf32, #tpu.memory_space<hbm>>
      tpu.wait_dma2 semaphore(%arg21 : memref<!tpu.dma_semaphore, #tpu.memory_space<semaphore_mem>>) src(%dma_wait3A_129 : memref<80x16xf32, #tpu.memory_space<hbm>>) dst(%arg14 : memref<80x16xf32, #tpu.memory_space<vmem>>)
      %dma_wait3A_130 = arith.constant 0 : i32
      %dma_wait3A_131 = arith.constant 0 : i32
      %dma_wait3A_132 = tpu.memref_slice %arg5[%dma_wait3A_130, %dma_wait3A_131] : memref<10000x16xf32, #tpu.memory_space<hbm>> -> memref<80x16xf32, #tpu.memory_space<hbm>>
      %dma_wait3A_133 = arith.constant 0 : i32
      %dma_wait3A_134 = arith.constant 0 : i32
      %dma_wait3A_135 = tpu.memref_slice %arg5[%dma_wait3A_133, %dma_wait3A_134] : memref<10000x16xf32, #tpu.memory_space<hbm>> -> memref<80x16xf32, #tpu.memory_space<hbm>>
      tpu.wait_dma2 semaphore(%arg21 : memref<!tpu.dma_semaphore, #tpu.memory_space<semaphore_mem>>) src(%dma_wait3A_135 : memref<80x16xf32, #tpu.memory_space<hbm>>) dst(%arg16 : memref<80x16xf32, #tpu.memory_space<vmem>>)
      %dma_wait3A_136 = arith.constant 0 : i32
      %dma_wait3A_137 = arith.constant 0 : i32
      %dma_wait3A_138 = tpu.memref_slice %arg6[%dma_wait3A_136, %dma_wait3A_137] : memref<10000x128xf32, #tpu.memory_space<hbm>> -> memref<80x128xf32, #tpu.memory_space<hbm>>
      %dma_wait3A_139 = arith.constant 0 : i32
      %dma_wait3A_140 = arith.constant 0 : i32
      %dma_wait3A_141 = tpu.memref_slice %arg6[%dma_wait3A_139, %dma_wait3A_140] : memref<10000x128xf32, #tpu.memory_space<hbm>> -> memref<80x128xf32, #tpu.memory_space<hbm>>
      tpu.wait_dma2 semaphore(%arg21 : memref<!tpu.dma_semaphore, #tpu.memory_space<semaphore_mem>>) src(%dma_wait3A_141 : memref<80x128xf32, #tpu.memory_space<hbm>>) dst(%arg18 : memref<80x128xf32, #tpu.memory_space<vmem>>)
      %scan3A_142 = arith.constant 0 : i32
      %scan3A_143 = arith.constant 0 : i32
      %scan3A_144 = arith.constant 20 : i32
      %scan3A_145 = arith.addi %scan3A_143, %scan3A_144 : i32
      %scan3A_146 = arith.constant 1 : i32
      scf.for %scan3A_231 = %scan3A_143 to %scan3A_145 step %scan3A_146  : i32 {
        %mul3A_232 = arith.constant 16 : i32
        %mul3A_233 = arith.muli %scan3A_231, %mul3A_232 : i32
        %iota3A = tpu.iota {dimensions = array<i32: 0>} : vector<16xi32>
        %add3A_234 = vector.broadcast %mul3A_233 : i32 to vector<16xi32>
        %add3A_235 = arith.addi %add3A_234, %iota3A : vector<16xi32>
        %shift_right_logical3A = arith.constant 2 : i32
        %shift_right_logical3A_236 = vector.broadcast %shift_right_logical3A : i32 to vector<16xi32>
        %shift_right_logical3A_237 = arith.shrui %add3A_235, %shift_right_logical3A_236 : vector<16xi32>
        %and3A = arith.constant 3 : i32
        %and3A_238 = vector.broadcast %and3A : i32 to vector<16xi32>
        %and3A_239 = arith.andi %add3A_235, %and3A_238 : vector<16xi32>
        %gather3A = tpu.vector_load_idx %arg12[%shift_right_logical3A_237, %and3A_239] : memref<80x4xf32, #tpu.memory_space<vmem>>[vector<16xi32>, vector<16xi32>], vector<16xf32>,
        %gather3A_240 = tpu.vector_load_idx %arg14[%shift_right_logical3A_237, %and3A_239] : memref<80x16xf32, #tpu.memory_space<vmem>>[vector<16xi32>, vector<16xi32>], vector<16xf32>,
        %gather3A_241 = tpu.vector_load_idx %arg16[%shift_right_logical3A_237, %and3A_239] : memref<80x16xf32, #tpu.memory_space<vmem>>[vector<16xi32>, vector<16xi32>], vector<16xf32>,
        %add3A_242 = arith.addf %gather3A_240, %gather3A_241 : vector<16xf32>
        %max3A = arith.constant 9.99999971E-10 : f32
        %max3A_243 = vector.broadcast %max3A : f32 to vector<16xf32>
        %max3A_244 = arith.maximumf %add3A_242, %max3A_243 : vector<16xf32>
        %div3A = arith.divf %gather3A, %max3A_244 : vector<16xf32>
        tpu.vector_store_idx %arg20[%shift_right_logical3A_237, %and3A_239], %div3A : memref<80x4xf32, #tpu.memory_space<vmem>>[vector<16xi32>, vector<16xi32>], vector<16xf32>,
      }
      %scan3A_147 = arith.constant 20 : i32
      %mul3A_148 = arith.constant 80 : i32
      %mul3A_149 = arith.muli %add3A_117, %mul3A_148 : i32
      "tpu.region"() ({
        %run_scoped3A_231 = tpu.sem_alloc : memref<!tpu.dma_semaphore, #tpu.memory_space<semaphore_mem>>
        %dma_start3A_232 = arith.constant 0 : i32
        %dma_start3A_233 = tpu.memref_slice %arg8[%mul3A_149, %dma_start3A_232] : memref<320000x4xf32, #tpu.memory_space<hbm>> -> memref<80x4xf32, #tpu.memory_space<hbm>>
        %dma_start3A_234 = arith.constant 0 : i32
        %dma_start3A_235 = tpu.memref_slice %arg8[%mul3A_149, %dma_start3A_234] : memref<320000x4xf32, #tpu.memory_space<hbm>> -> memref<80x4xf32, #tpu.memory_space<hbm>>
        tpu.enqueue_dma source(%arg20 : memref<80x4xf32, #tpu.memory_space<vmem>>) target(%dma_start3A_235 : memref<80x4xf32, #tpu.memory_space<hbm>>) target_semaphore(%run_scoped3A_231 : memref<!tpu.dma_semaphore, #tpu.memory_space<semaphore_mem>>)
        %dma_wait3A_236 = arith.constant 0 : i32
        %dma_wait3A_237 = tpu.memref_slice %arg8[%mul3A_149, %dma_wait3A_236] : memref<320000x4xf32, #tpu.memory_space<hbm>> -> memref<80x4xf32, #tpu.memory_space<hbm>>
        %dma_wait3A_238 = arith.constant 0 : i32
        %dma_wait3A_239 = tpu.memref_slice %arg8[%mul3A_149, %dma_wait3A_238] : memref<320000x4xf32, #tpu.memory_space<hbm>> -> memref<80x4xf32, #tpu.memory_space<hbm>>
        tpu.wait_dma2 semaphore(%run_scoped3A_231 : memref<!tpu.dma_semaphore, #tpu.memory_space<semaphore_mem>>) src(%arg20 : memref<80x4xf32, #tpu.memory_space<vmem>>) dst(%dma_wait3A_239 : memref<80x4xf32, #tpu.memory_space<hbm>>)
        tpu.yield
      }) : () -> ()
      %scan3A_150 = arith.constant 0 : i32
      %scan3A_151 = arith.constant 0 : i32
      %scan3A_152 = arith.constant 80 : i32
      %scan3A_153 = arith.addi %scan3A_151, %scan3A_152 : i32
      %scan3A_154 = arith.constant 1 : i32
      scf.for %scan3A_231 = %scan3A_151 to %scan3A_153 step %scan3A_154  : i32 {
        %broadcast_in_dim3A = arith.constant 0 : i32
        %broadcast_in_dim3A_232 = vector.broadcast %broadcast_in_dim3A : i32 to vector<16xi32>
        %add3A_233 = vector.broadcast %scan3A_231 : i32 to vector<16xi32>
        %add3A_234 = arith.addi %broadcast_in_dim3A_232, %add3A_233 : vector<16xi32>
        %broadcast_in_dim3A_235 = arith.constant 0 : i32
        %broadcast_in_dim3A_236 = vector.broadcast %broadcast_in_dim3A_235 : i32 to vector<16xi32>
        %gather3A = tpu.vector_load_idx %arg20[%add3A_234, %broadcast_in_dim3A_236] : memref<80x4xf32, #tpu.memory_space<vmem>>[vector<16xi32>, vector<16xi32>], vector<16xf32>,
        %get3A = arith.index_cast %scan3A_231 : i32 to index
        %get3A_237 = arith.constant 0 : index
        %get3A_238 = tpu.vector_load %arg18[%get3A, %get3A_237] {strides = array<i32>} : memref<80x128xf32, #tpu.memory_space<vmem>>, vector<16xf32>,
        %mul3A_239 = arith.mulf %get3A_238, %gather3A : vector<16xf32>
        %swap3A = arith.index_cast %scan3A_231 : i32 to index
        %swap3A_240 = arith.constant 0 : index
        %swap3A_241 = tpu.vector_load %arg18[%swap3A, %swap3A_240] {strides = array<i32>} : memref<80x128xf32, #tpu.memory_space<vmem>>, vector<16xf32>,
        tpu.vector_store %arg18[%swap3A, %swap3A_240], %mul3A_239 {strides = array<i32>} : memref<80x128xf32, #tpu.memory_space<vmem>>, vector<16xf32>,
        %get3A_242 = arith.index_cast %scan3A_231 : i32 to index
        %get3A_243 = arith.constant 16 : index
        %get3A_244 = tpu.vector_load %arg18[%get3A_242, %get3A_243] {strides = array<i32>} : memref<80x128xf32, #tpu.memory_space<vmem>>, vector<16xf32>,
        %mul3A_245 = arith.mulf %get3A_244, %gather3A : vector<16xf32>
        %swap3A_246 = arith.index_cast %scan3A_231 : i32 to index
        %swap3A_247 = arith.constant 16 : index
        %swap3A_248 = tpu.vector_load %arg18[%swap3A_246, %swap3A_247] {strides = array<i32>} : memref<80x128xf32, #tpu.memory_space<vmem>>, vector<16xf32>,
        tpu.vector_store %arg18[%swap3A_246, %swap3A_247], %mul3A_245 {strides = array<i32>} : memref<80x128xf32, #tpu.memory_space<vmem>>, vector<16xf32>,
        %broadcast_in_dim3A_249 = arith.constant 0 : i32
        %broadcast_in_dim3A_250 = vector.broadcast %broadcast_in_dim3A_249 : i32 to vector<16xi32>
        %add3A_251 = vector.broadcast %scan3A_231 : i32 to vector<16xi32>
        %add3A_252 = arith.addi %broadcast_in_dim3A_250, %add3A_251 : vector<16xi32>
        %broadcast_in_dim3A_253 = arith.constant 1 : i32
        %broadcast_in_dim3A_254 = vector.broadcast %broadcast_in_dim3A_253 : i32 to vector<16xi32>
        %gather3A_255 = tpu.vector_load_idx %arg20[%add3A_252, %broadcast_in_dim3A_254] : memref<80x4xf32, #tpu.memory_space<vmem>>[vector<16xi32>, vector<16xi32>], vector<16xf32>,
        %get3A_256 = arith.index_cast %scan3A_231 : i32 to index
        %get3A_257 = arith.constant 32 : index
        %get3A_258 = tpu.vector_load %arg18[%get3A_256, %get3A_257] {strides = array<i32>} : memref<80x128xf32, #tpu.memory_space<vmem>>, vector<16xf32>,
        %mul3A_259 = arith.mulf %get3A_258, %gather3A_255 : vector<16xf32>
        %swap3A_260 = arith.index_cast %scan3A_231 : i32 to index
        %swap3A_261 = arith.constant 32 : index
        %swap3A_262 = tpu.vector_load %arg18[%swap3A_260, %swap3A_261] {strides = array<i32>} : memref<80x128xf32, #tpu.memory_space<vmem>>, vector<16xf32>,
        tpu.vector_store %arg18[%swap3A_260, %swap3A_261], %mul3A_259 {strides = array<i32>} : memref<80x128xf32, #tpu.memory_space<vmem>>, vector<16xf32>,
        %get3A_263 = arith.index_cast %scan3A_231 : i32 to index
        %get3A_264 = arith.constant 48 : index
        %get3A_265 = tpu.vector_load %arg18[%get3A_263, %get3A_264] {strides = array<i32>} : memref<80x128xf32, #tpu.memory_space<vmem>>, vector<16xf32>,
        %mul3A_266 = arith.mulf %get3A_265, %gather3A_255 : vector<16xf32>
        %swap3A_267 = arith.index_cast %scan3A_231 : i32 to index
        %swap3A_268 = arith.constant 48 : index
        %swap3A_269 = tpu.vector_load %arg18[%swap3A_267, %swap3A_268] {strides = array<i32>} : memref<80x128xf32, #tpu.memory_space<vmem>>, vector<16xf32>,
        tpu.vector_store %arg18[%swap3A_267, %swap3A_268], %mul3A_266 {strides = array<i32>} : memref<80x128xf32, #tpu.memory_space<vmem>>, vector<16xf32>,
        %broadcast_in_dim3A_270 = arith.constant 0 : i32
        %broadcast_in_dim3A_271 = vector.broadcast %broadcast_in_dim3A_270 : i32 to vector<16xi32>
        %add3A_272 = vector.broadcast %scan3A_231 : i32 to vector<16xi32>
        %add3A_273 = arith.addi %broadcast_in_dim3A_271, %add3A_272 : vector<16xi32>
        %broadcast_in_dim3A_274 = arith.constant 2 : i32
        %broadcast_in_dim3A_275 = vector.broadcast %broadcast_in_dim3A_274 : i32 to vector<16xi32>
        %gather3A_276 = tpu.vector_load_idx %arg20[%add3A_273, %broadcast_in_dim3A_275] : memref<80x4xf32, #tpu.memory_space<vmem>>[vector<16xi32>, vector<16xi32>], vector<16xf32>,
        %get3A_277 = arith.index_cast %scan3A_231 : i32 to index
        %get3A_278 = arith.constant 64 : index
        %get3A_279 = tpu.vector_load %arg18[%get3A_277, %get3A_278] {strides = array<i32>} : memref<80x128xf32, #tpu.memory_space<vmem>>, vector<16xf32>,
        %mul3A_280 = arith.mulf %get3A_279, %gather3A_276 : vector<16xf32>
        %swap3A_281 = arith.index_cast %scan3A_231 : i32 to index
        %swap3A_282 = arith.constant 64 : index
        %swap3A_283 = tpu.vector_load %arg18[%swap3A_281, %swap3A_282] {strides = array<i32>} : memref<80x128xf32, #tpu.memory_space<vmem>>, vector<16xf32>,
        tpu.vector_store %arg18[%swap3A_281, %swap3A_282], %mul3A_280 {strides = array<i32>} : memref<80x128xf32, #tpu.memory_space<vmem>>, vector<16xf32>,
        %get3A_284 = arith.index_cast %scan3A_231 : i32 to index
        %get3A_285 = arith.constant 80 : index
        %get3A_286 = tpu.vector_load %arg18[%get3A_284, %get3A_285] {strides = array<i32>} : memref<80x128xf32, #tpu.memory_space<vmem>>, vector<16xf32>,
        %mul3A_287 = arith.mulf %get3A_286, %gather3A_276 : vector<16xf32>
        %swap3A_288 = arith.index_cast %scan3A_231 : i32 to index
        %swap3A_289 = arith.constant 80 : index
        %swap3A_290 = tpu.vector_load %arg18[%swap3A_288, %swap3A_289] {strides = array<i32>} : memref<80x128xf32, #tpu.memory_space<vmem>>, vector<16xf32>,
        tpu.vector_store %arg18[%swap3A_288, %swap3A_289], %mul3A_287 {strides = array<i32>} : memref<80x128xf32, #tpu.memory_space<vmem>>, vector<16xf32>,
        %broadcast_in_dim3A_291 = arith.constant 0 : i32
        %broadcast_in_dim3A_292 = vector.broadcast %broadcast_in_dim3A_291 : i32 to vector<16xi32>
        %add3A_293 = vector.broadcast %scan3A_231 : i32 to vector<16xi32>
        %add3A_294 = arith.addi %broadcast_in_dim3A_292, %add3A_293 : vector<16xi32>
        %broadcast_in_dim3A_295 = arith.constant 3 : i32
        %broadcast_in_dim3A_296 = vector.broadcast %broadcast_in_dim3A_295 : i32 to vector<16xi32>
        %gather3A_297 = tpu.vector_load_idx %arg20[%add3A_294, %broadcast_in_dim3A_296] : memref<80x4xf32, #tpu.memory_space<vmem>>[vector<16xi32>, vector<16xi32>], vector<16xf32>,
        %get3A_298 = arith.index_cast %scan3A_231 : i32 to index
        %get3A_299 = arith.constant 96 : index
        %get3A_300 = tpu.vector_load %arg18[%get3A_298, %get3A_299] {strides = array<i32>} : memref<80x128xf32, #tpu.memory_space<vmem>>, vector<16xf32>,
        %mul3A_301 = arith.mulf %get3A_300, %gather3A_297 : vector<16xf32>
        %swap3A_302 = arith.index_cast %scan3A_231 : i32 to index
        %swap3A_303 = arith.constant 96 : index
        %swap3A_304 = tpu.vector_load %arg18[%swap3A_302, %swap3A_303] {strides = array<i32>} : memref<80x128xf32, #tpu.memory_space<vmem>>, vector<16xf32>,
        tpu.vector_store %arg18[%swap3A_302, %swap3A_303], %mul3A_301 {strides = array<i32>} : memref<80x128xf32, #tpu.memory_space<vmem>>, vector<16xf32>,
        %get3A_305 = arith.index_cast %scan3A_231 : i32 to index
        %get3A_306 = arith.constant 112 : index
        %get3A_307 = tpu.vector_load %arg18[%get3A_305, %get3A_306] {strides = array<i32>} : memref<80x128xf32, #tpu.memory_space<vmem>>, vector<16xf32>,
        %mul3A_308 = arith.mulf %get3A_307, %gather3A_297 : vector<16xf32>
        %swap3A_309 = arith.index_cast %scan3A_231 : i32 to index
        %swap3A_310 = arith.constant 112 : index
        %swap3A_311 = tpu.vector_load %arg18[%swap3A_309, %swap3A_310] {strides = array<i32>} : memref<80x128xf32, #tpu.memory_space<vmem>>, vector<16xf32>,
        tpu.vector_store %arg18[%swap3A_309, %swap3A_310], %mul3A_308 {strides = array<i32>} : memref<80x128xf32, #tpu.memory_space<vmem>>, vector<16xf32>,
      }
      %scan3A_155 = arith.constant 80 : i32
      %run_scoped3A_156 = arith.constant 1 : i32
      "tpu.region"() ({
        %run_scoped3A_231 = tpu.sem_alloc : memref<!tpu.dma_semaphore, #tpu.memory_space<semaphore_mem>>
        %dma_start3A_232 = arith.constant 0 : i32
        %dma_start3A_233 = tpu.memref_slice %arg10[%run_scoped3A_156, %dma_start3A_232] : memref<2x80xi32, #tpu.memory_space<vmem>> -> memref<1x80xi32, #tpu.memory_space<vmem>>
        %dma_start3A_234 = tpu.memref_squeeze %dma_start3A_233 : memref<1x80xi32, #tpu.memory_space<vmem>> -> memref<80xi32, #tpu.memory_space<vmem>>
        %dma_start3A_235 = arith.constant 0 : i32
        %dma_start3A_236 = arith.constant 0 : i32
        %dma_start3A_237 = tpu.memref_slice %arg23[%dma_start3A_235, %dma_start3A_236] : memref<10000x128xf32, #tpu.memory_space<vmem_shared>> -> memref<10000x128xf32, #tpu.memory_space<vmem_shared>>
        tpu.enqueue_indirect_dma source(%arg18 : memref<80x128xf32, #tpu.memory_space<vmem>>) target(%dma_start3A_237 : memref<10000x128xf32, #tpu.memory_space<vmem_shared>>) offsets(%dma_start3A_234 : memref<80xi32, #tpu.memory_space<vmem>>) semaphore(%run_scoped3A_231 : memref<!tpu.dma_semaphore, #tpu.memory_space<semaphore_mem>>) {add = true}
        %dma_wait3A_238 = arith.constant 0 : i32
        %dma_wait3A_239 = tpu.memref_slice %arg10[%run_scoped3A_156, %dma_wait3A_238] : memref<2x80xi32, #tpu.memory_space<vmem>> -> memref<1x80xi32, #tpu.memory_space<vmem>>
        %dma_wait3A_240 = tpu.memref_squeeze %dma_wait3A_239 : memref<1x80xi32, #tpu.memory_space<vmem>> -> memref<80xi32, #tpu.memory_space<vmem>>
        %dma_wait3A_241 = arith.constant 0 : i32
        %dma_wait3A_242 = arith.constant 0 : i32
        %dma_wait3A_243 = tpu.memref_slice %arg23[%dma_wait3A_241, %dma_wait3A_242] : memref<10000x128xf32, #tpu.memory_space<vmem_shared>> -> memref<10000x128xf32, #tpu.memory_space<vmem_shared>>
        tpu.wait_indirect_dma semaphore(%run_scoped3A_231 : memref<!tpu.dma_semaphore, #tpu.memory_space<semaphore_mem>>) src(%arg18 : memref<80x128xf32, #tpu.memory_space<vmem>>) dst(%dma_wait3A_243 : memref<10000x128xf32, #tpu.memory_space<vmem_shared>>)
        tpu.yield
      }) : () -> ()
      %mul3A_157 = arith.constant 2 : i32
      %mul3A_158 = arith.muli %mul3A_157, %scan3A_82 : i32
      %add3A_159 = arith.constant 1 : i32
      %add3A_160 = arith.addi %mul3A_158, %add3A_159 : i32
      %add3A_161 = arith.constant 1 : i32
      %add3A_162 = arith.addi %add3A_160, %add3A_161 : i32
      %add3A_163 = arith.addi %mul3A_6, %add3A_162 : i32
      "tpu.region"() ({
        %run_scoped3A_231 = tpu.sem_alloc : memref<!tpu.dma_semaphore, #tpu.memory_space<semaphore_mem>>
        %dma_start3A_232 = arith.constant 0 : i32
        %dma_start3A_233 = arith.constant 0 : i32
        %dma_start3A_234 = tpu.memref_slice %arg2[%add3A_163, %dma_start3A_232, %dma_start3A_233] : memref<4000x2x80xi32, #tpu.memory_space<hbm>> -> memref<1x2x80xi32, #tpu.memory_space<hbm>>
        %dma_start3A_235 = tpu.memref_squeeze %dma_start3A_234 : memref<1x2x80xi32, #tpu.memory_space<hbm>> -> memref<2x80xi32, #tpu.memory_space<hbm>>
        %dma_start3A_236 = arith.constant 0 : i32
        %dma_start3A_237 = arith.constant 0 : i32
        %dma_start3A_238 = tpu.memref_slice %arg2[%add3A_163, %dma_start3A_236, %dma_start3A_237] : memref<4000x2x80xi32, #tpu.memory_space<hbm>> -> memref<1x2x80xi32, #tpu.memory_space<hbm>>
        %dma_start3A_239 = tpu.memref_squeeze %dma_start3A_238 : memref<1x2x80xi32, #tpu.memory_space<hbm>> -> memref<2x80xi32, #tpu.memory_space<hbm>>
        tpu.enqueue_dma source(%dma_start3A_239 : memref<2x80xi32, #tpu.memory_space<hbm>>) target(%arg10 : memref<2x80xi32, #tpu.memory_space<vmem>>) target_semaphore(%run_scoped3A_231 : memref<!tpu.dma_semaphore, #tpu.memory_space<semaphore_mem>>)
        %dma_wait3A_240 = arith.constant 0 : i32
        %dma_wait3A_241 = arith.constant 0 : i32
        %dma_wait3A_242 = tpu.memref_slice %arg2[%add3A_163, %dma_wait3A_240, %dma_wait3A_241] : memref<4000x2x80xi32, #tpu.memory_space<hbm>> -> memref<1x2x80xi32, #tpu.memory_space<hbm>>
        %dma_wait3A_243 = tpu.memref_squeeze %dma_wait3A_242 : memref<1x2x80xi32, #tpu.memory_space<hbm>> -> memref<2x80xi32, #tpu.memory_space<hbm>>
        %dma_wait3A_244 = arith.constant 0 : i32
        %dma_wait3A_245 = arith.constant 0 : i32
        %dma_wait3A_246 = tpu.memref_slice %arg2[%add3A_163, %dma_wait3A_244, %dma_wait3A_245] : memref<4000x2x80xi32, #tpu.memory_space<hbm>> -> memref<1x2x80xi32, #tpu.memory_space<hbm>>
        %dma_wait3A_247 = tpu.memref_squeeze %dma_wait3A_246 : memref<1x2x80xi32, #tpu.memory_space<hbm>> -> memref<2x80xi32, #tpu.memory_space<hbm>>
        tpu.wait_dma2 semaphore(%run_scoped3A_231 : memref<!tpu.dma_semaphore, #tpu.memory_space<semaphore_mem>>) src(%dma_wait3A_247 : memref<2x80xi32, #tpu.memory_space<hbm>>) dst(%arg10 : memref<2x80xi32, #tpu.memory_space<vmem>>)
        tpu.yield
      }) : () -> ()
      %mul3A_164 = arith.constant 80 : i32
      %mul3A_165 = arith.muli %add3A_163, %mul3A_164 : i32
      %dma_start3A_166 = arith.constant 0 : i32
      %dma_start3A_167 = tpu.memref_slice %arg3[%mul3A_165, %dma_start3A_166] : memref<320000x4xf32, #tpu.memory_space<hbm>> -> memref<80x4xf32, #tpu.memory_space<hbm>>
      %dma_start3A_168 = arith.constant 0 : i32
      %dma_start3A_169 = tpu.memref_slice %arg3[%mul3A_165, %dma_start3A_168] : memref<320000x4xf32, #tpu.memory_space<hbm>> -> memref<80x4xf32, #tpu.memory_space<hbm>>
      tpu.enqueue_dma source(%dma_start3A_169 : memref<80x4xf32, #tpu.memory_space<hbm>>) target(%arg12 : memref<80x4xf32, #tpu.memory_space<vmem>>) target_semaphore(%arg21 : memref<!tpu.dma_semaphore, #tpu.memory_space<semaphore_mem>>)
      %dma_start3A_170 = arith.constant 1 : i32
      %dma_start3A_171 = arith.constant 0 : i32
      %dma_start3A_172 = tpu.memref_slice %arg10[%dma_start3A_170, %dma_start3A_171] : memref<2x80xi32, #tpu.memory_space<vmem>> -> memref<1x80xi32, #tpu.memory_space<vmem>>
      %dma_start3A_173 = tpu.memref_squeeze %dma_start3A_172 : memref<1x80xi32, #tpu.memory_space<vmem>> -> memref<80xi32, #tpu.memory_space<vmem>>
      %dma_start3A_174 = arith.constant 0 : i32
      %dma_start3A_175 = arith.constant 0 : i32
      %dma_start3A_176 = tpu.memref_slice %arg4[%dma_start3A_174, %dma_start3A_175] : memref<10000x16xf32, #tpu.memory_space<hbm>> -> memref<10000x16xf32, #tpu.memory_space<hbm>>
      tpu.enqueue_indirect_dma source(%dma_start3A_176 : memref<10000x16xf32, #tpu.memory_space<hbm>>) target(%arg14 : memref<80x16xf32, #tpu.memory_space<vmem>>) offsets(%dma_start3A_173 : memref<80xi32, #tpu.memory_space<vmem>>) semaphore(%arg21 : memref<!tpu.dma_semaphore, #tpu.memory_space<semaphore_mem>>)
      %dma_start3A_177 = arith.constant 1 : i32
      %dma_start3A_178 = arith.constant 0 : i32
      %dma_start3A_179 = tpu.memref_slice %arg10[%dma_start3A_177, %dma_start3A_178] : memref<2x80xi32, #tpu.memory_space<vmem>> -> memref<1x80xi32, #tpu.memory_space<vmem>>
      %dma_start3A_180 = tpu.memref_squeeze %dma_start3A_179 : memref<1x80xi32, #tpu.memory_space<vmem>> -> memref<80xi32, #tpu.memory_space<vmem>>
      %dma_start3A_181 = arith.constant 0 : i32
      %dma_start3A_182 = arith.constant 0 : i32
      %dma_start3A_183 = tpu.memref_slice %arg5[%dma_start3A_181, %dma_start3A_182] : memref<10000x16xf32, #tpu.memory_space<hbm>> -> memref<10000x16xf32, #tpu.memory_space<hbm>>
      tpu.enqueue_indirect_dma source(%dma_start3A_183 : memref<10000x16xf32, #tpu.memory_space<hbm>>) target(%arg16 : memref<80x16xf32, #tpu.memory_space<vmem>>) offsets(%dma_start3A_180 : memref<80xi32, #tpu.memory_space<vmem>>) semaphore(%arg21 : memref<!tpu.dma_semaphore, #tpu.memory_space<semaphore_mem>>)
      %dma_start3A_184 = arith.constant 0 : i32
      %dma_start3A_185 = arith.constant 0 : i32
      %dma_start3A_186 = tpu.memref_slice %arg10[%dma_start3A_184, %dma_start3A_185] : memref<2x80xi32, #tpu.memory_space<vmem>> -> memref<1x80xi32, #tpu.memory_space<vmem>>
      %dma_start3A_187 = tpu.memref_squeeze %dma_start3A_186 : memref<1x80xi32, #tpu.memory_space<vmem>> -> memref<80xi32, #tpu.memory_space<vmem>>
      %dma_start3A_188 = arith.constant 0 : i32
      %dma_start3A_189 = arith.constant 0 : i32
      %dma_start3A_190 = tpu.memref_slice %arg6[%dma_start3A_188, %dma_start3A_189] : memref<10000x128xf32, #tpu.memory_space<hbm>> -> memref<10000x128xf32, #tpu.memory_space<hbm>>
      tpu.enqueue_indirect_dma source(%dma_start3A_190 : memref<10000x128xf32, #tpu.memory_space<hbm>>) target(%arg18 : memref<80x128xf32, #tpu.memory_space<vmem>>) offsets(%dma_start3A_187 : memref<80xi32, #tpu.memory_space<vmem>>) semaphore(%arg21 : memref<!tpu.dma_semaphore, #tpu.memory_space<semaphore_mem>>)
      %add3A_191 = arith.addi %mul3A_6, %add3A_160 : i32
      %dma_wait3A_192 = arith.constant 0 : i32
      %dma_wait3A_193 = arith.constant 0 : i32
      %dma_wait3A_194 = tpu.memref_slice %arg3[%dma_wait3A_192, %dma_wait3A_193] : memref<320000x4xf32, #tpu.memory_space<hbm>> -> memref<80x4xf32, #tpu.memory_space<hbm>>
      %dma_wait3A_195 = arith.constant 0 : i32
      %dma_wait3A_196 = arith.constant 0 : i32
      %dma_wait3A_197 = tpu.memref_slice %arg3[%dma_wait3A_195, %dma_wait3A_196] : memref<320000x4xf32, #tpu.memory_space<hbm>> -> memref<80x4xf32, #tpu.memory_space<hbm>>
      tpu.wait_dma2 semaphore(%arg22 : memref<!tpu.dma_semaphore, #tpu.memory_space<semaphore_mem>>) src(%dma_wait3A_197 : memref<80x4xf32, #tpu.memory_space<hbm>>) dst(%arg13 : memref<80x4xf32, #tpu.memory_space<vmem>>)
      %dma_wait3A_198 = arith.constant 0 : i32
      %dma_wait3A_199 = arith.constant 0 : i32
      %dma_wait3A_200 = tpu.memref_slice %arg4[%dma_wait3A_198, %dma_wait3A_199] : memref<10000x16xf32, #tpu.memory_space<hbm>> -> memref<80x16xf32, #tpu.memory_space<hbm>>
      %dma_wait3A_201 = arith.constant 0 : i32
      %dma_wait3A_202 = arith.constant 0 : i32
      %dma_wait3A_203 = tpu.memref_slice %arg4[%dma_wait3A_201, %dma_wait3A_202] : memref<10000x16xf32, #tpu.memory_space<hbm>> -> memref<80x16xf32, #tpu.memory_space<hbm>>
      tpu.wait_dma2 semaphore(%arg22 : memref<!tpu.dma_semaphore, #tpu.memory_space<semaphore_mem>>) src(%dma_wait3A_203 : memref<80x16xf32, #tpu.memory_space<hbm>>) dst(%arg15 : memref<80x16xf32, #tpu.memory_space<vmem>>)
      %dma_wait3A_204 = arith.constant 0 : i32
      %dma_wait3A_205 = arith.constant 0 : i32
      %dma_wait3A_206 = tpu.memref_slice %arg5[%dma_wait3A_204, %dma_wait3A_205] : memref<10000x16xf32, #tpu.memory_space<hbm>> -> memref<80x16xf32, #tpu.memory_space<hbm>>
      %dma_wait3A_207 = arith.constant 0 : i32
      %dma_wait3A_208 = arith.constant 0 : i32
      %dma_wait3A_209 = tpu.memref_slice %arg5[%dma_wait3A_207, %dma_wait3A_208] : memref<10000x16xf32, #tpu.memory_space<hbm>> -> memref<80x16xf32, #tpu.memory_space<hbm>>
      tpu.wait_dma2 semaphore(%arg22 : memref<!tpu.dma_semaphore, #tpu.memory_space<semaphore_mem>>) src(%dma_wait3A_209 : memref<80x16xf32, #tpu.memory_space<hbm>>) dst(%arg17 : memref<80x16xf32, #tpu.memory_space<vmem>>)
      %dma_wait3A_210 = arith.constant 0 : i32
      %dma_wait3A_211 = arith.constant 0 : i32
      %dma_wait3A_212 = tpu.memref_slice %arg6[%dma_wait3A_210, %dma_wait3A_211] : memref<10000x128xf32, #tpu.memory_space<hbm>> -> memref<80x128xf32, #tpu.memory_space<hbm>>
      %dma_wait3A_213 = arith.constant 0 : i32
      %dma_wait3A_214 = arith.constant 0 : i32
      %dma_wait3A_215 = tpu.memref_slice %arg6[%dma_wait3A_213, %dma_wait3A_214] : memref<10000x128xf32, #tpu.memory_space<hbm>> -> memref<80x128xf32, #tpu.memory_space<hbm>>
      tpu.wait_dma2 semaphore(%arg22 : memref<!tpu.dma_semaphore, #tpu.memory_space<semaphore_mem>>) src(%dma_wait3A_215 : memref<80x128xf32, #tpu.memory_space<hbm>>) dst(%arg19 : memref<80x128xf32, #tpu.memory_space<vmem>>)
      %scan3A_216 = arith.constant 0 : i32
      %scan3A_217 = arith.constant 0 : i32
      %scan3A_218 = arith.constant 20 : i32
      %scan3A_219 = arith.addi %scan3A_217, %scan3A_218 : i32
      %scan3A_220 = arith.constant 1 : i32
      scf.for %scan3A_231 = %scan3A_217 to %scan3A_219 step %scan3A_220  : i32 {
        %mul3A_232 = arith.constant 16 : i32
        %mul3A_233 = arith.muli %scan3A_231, %mul3A_232 : i32
        %iota3A = tpu.iota {dimensions = array<i32: 0>} : vector<16xi32>
        %add3A_234 = vector.broadcast %mul3A_233 : i32 to vector<16xi32>
        %add3A_235 = arith.addi %add3A_234, %iota3A : vector<16xi32>
        %shift_right_logical3A = arith.constant 2 : i32
        %shift_right_logical3A_236 = vector.broadcast %shift_right_logical3A : i32 to vector<16xi32>
        %shift_right_logical3A_237 = arith.shrui %add3A_235, %shift_right_logical3A_236 : vector<16xi32>
        %and3A = arith.constant 3 : i32
        %and3A_238 = vector.broadcast %and3A : i32 to vector<16xi32>
        %and3A_239 = arith.andi %add3A_235, %and3A_238 : vector<16xi32>
        %gather3A = tpu.vector_load_idx %arg13[%shift_right_logical3A_237, %and3A_239] : memref<80x4xf32, #tpu.memory_space<vmem>>[vector<16xi32>, vector<16xi32>], vector<16xf32>,
        %gather3A_240 = tpu.vector_load_idx %arg15[%shift_right_logical3A_237, %and3A_239] : memref<80x16xf32, #tpu.memory_space<vmem>>[vector<16xi32>, vector<16xi32>], vector<16xf32>,
        %gather3A_241 = tpu.vector_load_idx %arg17[%shift_right_logical3A_237, %and3A_239] : memref<80x16xf32, #tpu.memory_space<vmem>>[vector<16xi32>, vector<16xi32>], vector<16xf32>,
        %add3A_242 = arith.addf %gather3A_240, %gather3A_241 : vector<16xf32>
        %max3A = arith.constant 9.99999971E-10 : f32
        %max3A_243 = vector.broadcast %max3A : f32 to vector<16xf32>
        %max3A_244 = arith.maximumf %add3A_242, %max3A_243 : vector<16xf32>
        %div3A = arith.divf %gather3A, %max3A_244 : vector<16xf32>
        tpu.vector_store_idx %arg20[%shift_right_logical3A_237, %and3A_239], %div3A : memref<80x4xf32, #tpu.memory_space<vmem>>[vector<16xi32>, vector<16xi32>], vector<16xf32>,
      }
      %scan3A_221 = arith.constant 20 : i32
      %mul3A_222 = arith.constant 80 : i32
      %mul3A_223 = arith.muli %add3A_191, %mul3A_222 : i32
      "tpu.region"() ({
        %run_scoped3A_231 = tpu.sem_alloc : memref<!tpu.dma_semaphore, #tpu.memory_space<semaphore_mem>>
        %dma_start3A_232 = arith.constant 0 : i32
        %dma_start3A_233 = tpu.memref_slice %arg8[%mul3A_223, %dma_start3A_232] : memref<320000x4xf32, #tpu.memory_space<hbm>> -> memref<80x4xf32, #tpu.memory_space<hbm>>
        %dma_start3A_234 = arith.constant 0 : i32
        %dma_start3A_235 = tpu.memref_slice %arg8[%mul3A_223, %dma_start3A_234] : memref<320000x4xf32, #tpu.memory_space<hbm>> -> memref<80x4xf32, #tpu.memory_space<hbm>>
        tpu.enqueue_dma source(%arg20 : memref<80x4xf32, #tpu.memory_space<vmem>>) target(%dma_start3A_235 : memref<80x4xf32, #tpu.memory_space<hbm>>) target_semaphore(%run_scoped3A_231 : memref<!tpu.dma_semaphore, #tpu.memory_space<semaphore_mem>>)
        %dma_wait3A_236 = arith.constant 0 : i32
        %dma_wait3A_237 = tpu.memref_slice %arg8[%mul3A_223, %dma_wait3A_236] : memref<320000x4xf32, #tpu.memory_space<hbm>> -> memref<80x4xf32, #tpu.memory_space<hbm>>
        %dma_wait3A_238 = arith.constant 0 : i32
        %dma_wait3A_239 = tpu.memref_slice %arg8[%mul3A_223, %dma_wait3A_238] : memref<320000x4xf32, #tpu.memory_space<hbm>> -> memref<80x4xf32, #tpu.memory_space<hbm>>
        tpu.wait_dma2 semaphore(%run_scoped3A_231 : memref<!tpu.dma_semaphore, #tpu.memory_space<semaphore_mem>>) src(%arg20 : memref<80x4xf32, #tpu.memory_space<vmem>>) dst(%dma_wait3A_239 : memref<80x4xf32, #tpu.memory_space<hbm>>)
        tpu.yield
      }) : () -> ()
      %scan3A_224 = arith.constant 0 : i32
      %scan3A_225 = arith.constant 0 : i32
      %scan3A_226 = arith.constant 80 : i32
      %scan3A_227 = arith.addi %scan3A_225, %scan3A_226 : i32
      %scan3A_228 = arith.constant 1 : i32
      scf.for %scan3A_231 = %scan3A_225 to %scan3A_227 step %scan3A_228  : i32 {
        %broadcast_in_dim3A = arith.constant 0 : i32
        %broadcast_in_dim3A_232 = vector.broadcast %broadcast_in_dim3A : i32 to vector<16xi32>
        %add3A_233 = vector.broadcast %scan3A_231 : i32 to vector<16xi32>
        %add3A_234 = arith.addi %broadcast_in_dim3A_232, %add3A_233 : vector<16xi32>
        %broadcast_in_dim3A_235 = arith.constant 0 : i32
        %broadcast_in_dim3A_236 = vector.broadcast %broadcast_in_dim3A_235 : i32 to vector<16xi32>
        %gather3A = tpu.vector_load_idx %arg20[%add3A_234, %broadcast_in_dim3A_236] : memref<80x4xf32, #tpu.memory_space<vmem>>[vector<16xi32>, vector<16xi32>], vector<16xf32>,
        %get3A = arith.index_cast %scan3A_231 : i32 to index
        %get3A_237 = arith.constant 0 : index
        %get3A_238 = tpu.vector_load %arg19[%get3A, %get3A_237] {strides = array<i32>} : memref<80x128xf32, #tpu.memory_space<vmem>>, vector<16xf32>,
        %mul3A_239 = arith.mulf %get3A_238, %gather3A : vector<16xf32>
        %swap3A = arith.index_cast %scan3A_231 : i32 to index
        %swap3A_240 = arith.constant 0 : index
        %swap3A_241 = tpu.vector_load %arg19[%swap3A, %swap3A_240] {strides = array<i32>} : memref<80x128xf32, #tpu.memory_space<vmem>>, vector<16xf32>,
        tpu.vector_store %arg19[%swap3A, %swap3A_240], %mul3A_239 {strides = array<i32>} : memref<80x128xf32, #tpu.memory_space<vmem>>, vector<16xf32>,
        %get3A_242 = arith.index_cast %scan3A_231 : i32 to index
        %get3A_243 = arith.constant 16 : index
        %get3A_244 = tpu.vector_load %arg19[%get3A_242, %get3A_243] {strides = array<i32>} : memref<80x128xf32, #tpu.memory_space<vmem>>, vector<16xf32>,
        %mul3A_245 = arith.mulf %get3A_244, %gather3A : vector<16xf32>
        %swap3A_246 = arith.index_cast %scan3A_231 : i32 to index
        %swap3A_247 = arith.constant 16 : index
        %swap3A_248 = tpu.vector_load %arg19[%swap3A_246, %swap3A_247] {strides = array<i32>} : memref<80x128xf32, #tpu.memory_space<vmem>>, vector<16xf32>,
        tpu.vector_store %arg19[%swap3A_246, %swap3A_247], %mul3A_245 {strides = array<i32>} : memref<80x128xf32, #tpu.memory_space<vmem>>, vector<16xf32>,
        %broadcast_in_dim3A_249 = arith.constant 0 : i32
        %broadcast_in_dim3A_250 = vector.broadcast %broadcast_in_dim3A_249 : i32 to vector<16xi32>
        %add3A_251 = vector.broadcast %scan3A_231 : i32 to vector<16xi32>
        %add3A_252 = arith.addi %broadcast_in_dim3A_250, %add3A_251 : vector<16xi32>
        %broadcast_in_dim3A_253 = arith.constant 1 : i32
        %broadcast_in_dim3A_254 = vector.broadcast %broadcast_in_dim3A_253 : i32 to vector<16xi32>
        %gather3A_255 = tpu.vector_load_idx %arg20[%add3A_252, %broadcast_in_dim3A_254] : memref<80x4xf32, #tpu.memory_space<vmem>>[vector<16xi32>, vector<16xi32>], vector<16xf32>,
        %get3A_256 = arith.index_cast %scan3A_231 : i32 to index
        %get3A_257 = arith.constant 32 : index
        %get3A_258 = tpu.vector_load %arg19[%get3A_256, %get3A_257] {strides = array<i32>} : memref<80x128xf32, #tpu.memory_space<vmem>>, vector<16xf32>,
        %mul3A_259 = arith.mulf %get3A_258, %gather3A_255 : vector<16xf32>
        %swap3A_260 = arith.index_cast %scan3A_231 : i32 to index
        %swap3A_261 = arith.constant 32 : index
        %swap3A_262 = tpu.vector_load %arg19[%swap3A_260, %swap3A_261] {strides = array<i32>} : memref<80x128xf32, #tpu.memory_space<vmem>>, vector<16xf32>,
        tpu.vector_store %arg19[%swap3A_260, %swap3A_261], %mul3A_259 {strides = array<i32>} : memref<80x128xf32, #tpu.memory_space<vmem>>, vector<16xf32>,
        %get3A_263 = arith.index_cast %scan3A_231 : i32 to index
        %get3A_264 = arith.constant 48 : index
        %get3A_265 = tpu.vector_load %arg19[%get3A_263, %get3A_264] {strides = array<i32>} : memref<80x128xf32, #tpu.memory_space<vmem>>, vector<16xf32>,
        %mul3A_266 = arith.mulf %get3A_265, %gather3A_255 : vector<16xf32>
        %swap3A_267 = arith.index_cast %scan3A_231 : i32 to index
        %swap3A_268 = arith.constant 48 : index
        %swap3A_269 = tpu.vector_load %arg19[%swap3A_267, %swap3A_268] {strides = array<i32>} : memref<80x128xf32, #tpu.memory_space<vmem>>, vector<16xf32>,
        tpu.vector_store %arg19[%swap3A_267, %swap3A_268], %mul3A_266 {strides = array<i32>} : memref<80x128xf32, #tpu.memory_space<vmem>>, vector<16xf32>,
        %broadcast_in_dim3A_270 = arith.constant 0 : i32
        %broadcast_in_dim3A_271 = vector.broadcast %broadcast_in_dim3A_270 : i32 to vector<16xi32>
        %add3A_272 = vector.broadcast %scan3A_231 : i32 to vector<16xi32>
        %add3A_273 = arith.addi %broadcast_in_dim3A_271, %add3A_272 : vector<16xi32>
        %broadcast_in_dim3A_274 = arith.constant 2 : i32
        %broadcast_in_dim3A_275 = vector.broadcast %broadcast_in_dim3A_274 : i32 to vector<16xi32>
        %gather3A_276 = tpu.vector_load_idx %arg20[%add3A_273, %broadcast_in_dim3A_275] : memref<80x4xf32, #tpu.memory_space<vmem>>[vector<16xi32>, vector<16xi32>], vector<16xf32>,
        %get3A_277 = arith.index_cast %scan3A_231 : i32 to index
        %get3A_278 = arith.constant 64 : index
        %get3A_279 = tpu.vector_load %arg19[%get3A_277, %get3A_278] {strides = array<i32>} : memref<80x128xf32, #tpu.memory_space<vmem>>, vector<16xf32>,
        %mul3A_280 = arith.mulf %get3A_279, %gather3A_276 : vector<16xf32>
        %swap3A_281 = arith.index_cast %scan3A_231 : i32 to index
        %swap3A_282 = arith.constant 64 : index
        %swap3A_283 = tpu.vector_load %arg19[%swap3A_281, %swap3A_282] {strides = array<i32>} : memref<80x128xf32, #tpu.memory_space<vmem>>, vector<16xf32>,
        tpu.vector_store %arg19[%swap3A_281, %swap3A_282], %mul3A_280 {strides = array<i32>} : memref<80x128xf32, #tpu.memory_space<vmem>>, vector<16xf32>,
        %get3A_284 = arith.index_cast %scan3A_231 : i32 to index
        %get3A_285 = arith.constant 80 : index
        %get3A_286 = tpu.vector_load %arg19[%get3A_284, %get3A_285] {strides = array<i32>} : memref<80x128xf32, #tpu.memory_space<vmem>>, vector<16xf32>,
        %mul3A_287 = arith.mulf %get3A_286, %gather3A_276 : vector<16xf32>
        %swap3A_288 = arith.index_cast %scan3A_231 : i32 to index
        %swap3A_289 = arith.constant 80 : index
        %swap3A_290 = tpu.vector_load %arg19[%swap3A_288, %swap3A_289] {strides = array<i32>} : memref<80x128xf32, #tpu.memory_space<vmem>>, vector<16xf32>,
        tpu.vector_store %arg19[%swap3A_288, %swap3A_289], %mul3A_287 {strides = array<i32>} : memref<80x128xf32, #tpu.memory_space<vmem>>, vector<16xf32>,
        %broadcast_in_dim3A_291 = arith.constant 0 : i32
        %broadcast_in_dim3A_292 = vector.broadcast %broadcast_in_dim3A_291 : i32 to vector<16xi32>
        %add3A_293 = vector.broadcast %scan3A_231 : i32 to vector<16xi32>
        %add3A_294 = arith.addi %broadcast_in_dim3A_292, %add3A_293 : vector<16xi32>
        %broadcast_in_dim3A_295 = arith.constant 3 : i32
        %broadcast_in_dim3A_296 = vector.broadcast %broadcast_in_dim3A_295 : i32 to vector<16xi32>
        %gather3A_297 = tpu.vector_load_idx %arg20[%add3A_294, %broadcast_in_dim3A_296] : memref<80x4xf32, #tpu.memory_space<vmem>>[vector<16xi32>, vector<16xi32>], vector<16xf32>,
        %get3A_298 = arith.index_cast %scan3A_231 : i32 to index
        %get3A_299 = arith.constant 96 : index
        %get3A_300 = tpu.vector_load %arg19[%get3A_298, %get3A_299] {strides = array<i32>} : memref<80x128xf32, #tpu.memory_space<vmem>>, vector<16xf32>,
        %mul3A_301 = arith.mulf %get3A_300, %gather3A_297 : vector<16xf32>
        %swap3A_302 = arith.index_cast %scan3A_231 : i32 to index
        %swap3A_303 = arith.constant 96 : index
        %swap3A_304 = tpu.vector_load %arg19[%swap3A_302, %swap3A_303] {strides = array<i32>} : memref<80x128xf32, #tpu.memory_space<vmem>>, vector<16xf32>,
        tpu.vector_store %arg19[%swap3A_302, %swap3A_303], %mul3A_301 {strides = array<i32>} : memref<80x128xf32, #tpu.memory_space<vmem>>, vector<16xf32>,
        %get3A_305 = arith.index_cast %scan3A_231 : i32 to index
        %get3A_306 = arith.constant 112 : index
        %get3A_307 = tpu.vector_load %arg19[%get3A_305, %get3A_306] {strides = array<i32>} : memref<80x128xf32, #tpu.memory_space<vmem>>, vector<16xf32>,
        %mul3A_308 = arith.mulf %get3A_307, %gather3A_297 : vector<16xf32>
        %swap3A_309 = arith.index_cast %scan3A_231 : i32 to index
        %swap3A_310 = arith.constant 112 : index
        %swap3A_311 = tpu.vector_load %arg19[%swap3A_309, %swap3A_310] {strides = array<i32>} : memref<80x128xf32, #tpu.memory_space<vmem>>, vector<16xf32>,
        tpu.vector_store %arg19[%swap3A_309, %swap3A_310], %mul3A_308 {strides = array<i32>} : memref<80x128xf32, #tpu.memory_space<vmem>>, vector<16xf32>,
      }
      %scan3A_229 = arith.constant 80 : i32
      %run_scoped3A_230 = arith.constant 1 : i32
      "tpu.region"() ({
        %run_scoped3A_231 = tpu.sem_alloc : memref<!tpu.dma_semaphore, #tpu.memory_space<semaphore_mem>>
        %dma_start3A_232 = arith.constant 0 : i32
        %dma_start3A_233 = tpu.memref_slice %arg11[%run_scoped3A_230, %dma_start3A_232] : memref<2x80xi32, #tpu.memory_space<vmem>> -> memref<1x80xi32, #tpu.memory_space<vmem>>
        %dma_start3A_234 = tpu.memref_squeeze %dma_start3A_233 : memref<1x80xi32, #tpu.memory_space<vmem>> -> memref<80xi32, #tpu.memory_space<vmem>>
        %dma_start3A_235 = arith.constant 0 : i32
        %dma_start3A_236 = arith.constant 0 : i32
        %dma_start3A_237 = tpu.memref_slice %arg23[%dma_start3A_235, %dma_start3A_236] : memref<10000x128xf32, #tpu.memory_space<vmem_shared>> -> memref<10000x128xf32, #tpu.memory_space<vmem_shared>>
        tpu.enqueue_indirect_dma source(%arg19 : memref<80x128xf32, #tpu.memory_space<vmem>>) target(%dma_start3A_237 : memref<10000x128xf32, #tpu.memory_space<vmem_shared>>) offsets(%dma_start3A_234 : memref<80xi32, #tpu.memory_space<vmem>>) semaphore(%run_scoped3A_231 : memref<!tpu.dma_semaphore, #tpu.memory_space<semaphore_mem>>) {add = true}
        %dma_wait3A_238 = arith.constant 0 : i32
        %dma_wait3A_239 = tpu.memref_slice %arg11[%run_scoped3A_230, %dma_wait3A_238] : memref<2x80xi32, #tpu.memory_space<vmem>> -> memref<1x80xi32, #tpu.memory_space<vmem>>
        %dma_wait3A_240 = tpu.memref_squeeze %dma_wait3A_239 : memref<1x80xi32, #tpu.memory_space<vmem>> -> memref<80xi32, #tpu.memory_space<vmem>>
        %dma_wait3A_241 = arith.constant 0 : i32
        %dma_wait3A_242 = arith.constant 0 : i32
        %dma_wait3A_243 = tpu.memref_slice %arg23[%dma_wait3A_241, %dma_wait3A_242] : memref<10000x128xf32, #tpu.memory_space<vmem_shared>> -> memref<10000x128xf32, #tpu.memory_space<vmem_shared>>
        tpu.wait_indirect_dma semaphore(%run_scoped3A_231 : memref<!tpu.dma_semaphore, #tpu.memory_space<semaphore_mem>>) src(%arg19 : memref<80x128xf32, #tpu.memory_space<vmem>>) dst(%dma_wait3A_243 : memref<10000x128xf32, #tpu.memory_space<vmem_shared>>)
        tpu.yield
      }) : () -> ()
    }
    %scan3A_39 = arith.constant 62 : i32
    %add3A_40 = arith.constant 124 : i32
    %add3A_41 = arith.addi %mul3A_6, %add3A_40 : i32
    %dma_wait3A = arith.constant 0 : i32
    %dma_wait3A_42 = arith.constant 0 : i32
    %dma_wait3A_43 = tpu.memref_slice %arg3[%dma_wait3A, %dma_wait3A_42] : memref<320000x4xf32, #tpu.memory_space<hbm>> -> memref<80x4xf32, #tpu.memory_space<hbm>>
    %dma_wait3A_44 = arith.constant 0 : i32
    %dma_wait3A_45 = arith.constant 0 : i32
    %dma_wait3A_46 = tpu.memref_slice %arg3[%dma_wait3A_44, %dma_wait3A_45] : memref<320000x4xf32, #tpu.memory_space<hbm>> -> memref<80x4xf32, #tpu.memory_space<hbm>>
    tpu.wait_dma2 semaphore(%arg21 : memref<!tpu.dma_semaphore, #tpu.memory_space<semaphore_mem>>) src(%dma_wait3A_46 : memref<80x4xf32, #tpu.memory_space<hbm>>) dst(%arg12 : memref<80x4xf32, #tpu.memory_space<vmem>>)
    %dma_wait3A_47 = arith.constant 0 : i32
    %dma_wait3A_48 = arith.constant 0 : i32
    %dma_wait3A_49 = tpu.memref_slice %arg4[%dma_wait3A_47, %dma_wait3A_48] : memref<10000x16xf32, #tpu.memory_space<hbm>> -> memref<80x16xf32, #tpu.memory_space<hbm>>
    %dma_wait3A_50 = arith.constant 0 : i32
    %dma_wait3A_51 = arith.constant 0 : i32
    %dma_wait3A_52 = tpu.memref_slice %arg4[%dma_wait3A_50, %dma_wait3A_51] : memref<10000x16xf32, #tpu.memory_space<hbm>> -> memref<80x16xf32, #tpu.memory_space<hbm>>
    tpu.wait_dma2 semaphore(%arg21 : memref<!tpu.dma_semaphore, #tpu.memory_space<semaphore_mem>>) src(%dma_wait3A_52 : memref<80x16xf32, #tpu.memory_space<hbm>>) dst(%arg14 : memref<80x16xf32, #tpu.memory_space<vmem>>)
    %dma_wait3A_53 = arith.constant 0 : i32
    %dma_wait3A_54 = arith.constant 0 : i32
    %dma_wait3A_55 = tpu.memref_slice %arg5[%dma_wait3A_53, %dma_wait3A_54] : memref<10000x16xf32, #tpu.memory_space<hbm>> -> memref<80x16xf32, #tpu.memory_space<hbm>>
    %dma_wait3A_56 = arith.constant 0 : i32
    %dma_wait3A_57 = arith.constant 0 : i32
    %dma_wait3A_58 = tpu.memref_slice %arg5[%dma_wait3A_56, %dma_wait3A_57] : memref<10000x16xf32, #tpu.memory_space<hbm>> -> memref<80x16xf32, #tpu.memory_space<hbm>>
    tpu.wait_dma2 semaphore(%arg21 : memref<!tpu.dma_semaphore, #tpu.memory_space<semaphore_mem>>) src(%dma_wait3A_58 : memref<80x16xf32, #tpu.memory_space<hbm>>) dst(%arg16 : memref<80x16xf32, #tpu.memory_space<vmem>>)
    %dma_wait3A_59 = arith.constant 0 : i32
    %dma_wait3A_60 = arith.constant 0 : i32
    %dma_wait3A_61 = tpu.memref_slice %arg6[%dma_wait3A_59, %dma_wait3A_60] : memref<10000x128xf32, #tpu.memory_space<hbm>> -> memref<80x128xf32, #tpu.memory_space<hbm>>
    %dma_wait3A_62 = arith.constant 0 : i32
    %dma_wait3A_63 = arith.constant 0 : i32
    %dma_wait3A_64 = tpu.memref_slice %arg6[%dma_wait3A_62, %dma_wait3A_63] : memref<10000x128xf32, #tpu.memory_space<hbm>> -> memref<80x128xf32, #tpu.memory_space<hbm>>
    tpu.wait_dma2 semaphore(%arg21 : memref<!tpu.dma_semaphore, #tpu.memory_space<semaphore_mem>>) src(%dma_wait3A_64 : memref<80x128xf32, #tpu.memory_space<hbm>>) dst(%arg18 : memref<80x128xf32, #tpu.memory_space<vmem>>)
    %scan3A_65 = arith.constant 0 : i32
    %scan3A_66 = arith.constant 0 : i32
    %scan3A_67 = arith.constant 20 : i32
    %scan3A_68 = arith.addi %scan3A_66, %scan3A_67 : i32
    %scan3A_69 = arith.constant 1 : i32
    scf.for %scan3A_82 = %scan3A_66 to %scan3A_68 step %scan3A_69  : i32 {
      %mul3A_83 = arith.constant 16 : i32
      %mul3A_84 = arith.muli %scan3A_82, %mul3A_83 : i32
      %iota3A = tpu.iota {dimensions = array<i32: 0>} : vector<16xi32>
      %add3A_85 = vector.broadcast %mul3A_84 : i32 to vector<16xi32>
      %add3A_86 = arith.addi %add3A_85, %iota3A : vector<16xi32>
      %shift_right_logical3A = arith.constant 2 : i32
      %shift_right_logical3A_87 = vector.broadcast %shift_right_logical3A : i32 to vector<16xi32>
      %shift_right_logical3A_88 = arith.shrui %add3A_86, %shift_right_logical3A_87 : vector<16xi32>
      %and3A = arith.constant 3 : i32
      %and3A_89 = vector.broadcast %and3A : i32 to vector<16xi32>
      %and3A_90 = arith.andi %add3A_86, %and3A_89 : vector<16xi32>
      %gather3A = tpu.vector_load_idx %arg12[%shift_right_logical3A_88, %and3A_90] : memref<80x4xf32, #tpu.memory_space<vmem>>[vector<16xi32>, vector<16xi32>], vector<16xf32>,
      %gather3A_91 = tpu.vector_load_idx %arg14[%shift_right_logical3A_88, %and3A_90] : memref<80x16xf32, #tpu.memory_space<vmem>>[vector<16xi32>, vector<16xi32>], vector<16xf32>,
      %gather3A_92 = tpu.vector_load_idx %arg16[%shift_right_logical3A_88, %and3A_90] : memref<80x16xf32, #tpu.memory_space<vmem>>[vector<16xi32>, vector<16xi32>], vector<16xf32>,
      %add3A_93 = arith.addf %gather3A_91, %gather3A_92 : vector<16xf32>
      %max3A = arith.constant 9.99999971E-10 : f32
      %max3A_94 = vector.broadcast %max3A : f32 to vector<16xf32>
      %max3A_95 = arith.maximumf %add3A_93, %max3A_94 : vector<16xf32>
      %div3A = arith.divf %gather3A, %max3A_95 : vector<16xf32>
      tpu.vector_store_idx %arg20[%shift_right_logical3A_88, %and3A_90], %div3A : memref<80x4xf32, #tpu.memory_space<vmem>>[vector<16xi32>, vector<16xi32>], vector<16xf32>,
    }
    %scan3A_70 = arith.constant 20 : i32
    %mul3A_71 = arith.constant 80 : i32
    %mul3A_72 = arith.muli %add3A_41, %mul3A_71 : i32
    "tpu.region"() ({
      %run_scoped3A_82 = tpu.sem_alloc : memref<!tpu.dma_semaphore, #tpu.memory_space<semaphore_mem>>
      %dma_start3A_83 = arith.constant 0 : i32
      %dma_start3A_84 = tpu.memref_slice %arg8[%mul3A_72, %dma_start3A_83] : memref<320000x4xf32, #tpu.memory_space<hbm>> -> memref<80x4xf32, #tpu.memory_space<hbm>>
      %dma_start3A_85 = arith.constant 0 : i32
      %dma_start3A_86 = tpu.memref_slice %arg8[%mul3A_72, %dma_start3A_85] : memref<320000x4xf32, #tpu.memory_space<hbm>> -> memref<80x4xf32, #tpu.memory_space<hbm>>
      tpu.enqueue_dma source(%arg20 : memref<80x4xf32, #tpu.memory_space<vmem>>) target(%dma_start3A_86 : memref<80x4xf32, #tpu.memory_space<hbm>>) target_semaphore(%run_scoped3A_82 : memref<!tpu.dma_semaphore, #tpu.memory_space<semaphore_mem>>)
      %dma_wait3A_87 = arith.constant 0 : i32
      %dma_wait3A_88 = tpu.memref_slice %arg8[%mul3A_72, %dma_wait3A_87] : memref<320000x4xf32, #tpu.memory_space<hbm>> -> memref<80x4xf32, #tpu.memory_space<hbm>>
      %dma_wait3A_89 = arith.constant 0 : i32
      %dma_wait3A_90 = tpu.memref_slice %arg8[%mul3A_72, %dma_wait3A_89] : memref<320000x4xf32, #tpu.memory_space<hbm>> -> memref<80x4xf32, #tpu.memory_space<hbm>>
      tpu.wait_dma2 semaphore(%run_scoped3A_82 : memref<!tpu.dma_semaphore, #tpu.memory_space<semaphore_mem>>) src(%arg20 : memref<80x4xf32, #tpu.memory_space<vmem>>) dst(%dma_wait3A_90 : memref<80x4xf32, #tpu.memory_space<hbm>>)
      tpu.yield
    }) : () -> ()
    %scan3A_73 = arith.constant 0 : i32
    %scan3A_74 = arith.constant 0 : i32
    %scan3A_75 = arith.constant 80 : i32
    %scan3A_76 = arith.addi %scan3A_74, %scan3A_75 : i32
    %scan3A_77 = arith.constant 1 : i32
    scf.for %scan3A_82 = %scan3A_74 to %scan3A_76 step %scan3A_77  : i32 {
      %broadcast_in_dim3A = arith.constant 0 : i32
      %broadcast_in_dim3A_83 = vector.broadcast %broadcast_in_dim3A : i32 to vector<16xi32>
      %add3A_84 = vector.broadcast %scan3A_82 : i32 to vector<16xi32>
      %add3A_85 = arith.addi %broadcast_in_dim3A_83, %add3A_84 : vector<16xi32>
      %broadcast_in_dim3A_86 = arith.constant 0 : i32
      %broadcast_in_dim3A_87 = vector.broadcast %broadcast_in_dim3A_86 : i32 to vector<16xi32>
      %gather3A = tpu.vector_load_idx %arg20[%add3A_85, %broadcast_in_dim3A_87] : memref<80x4xf32, #tpu.memory_space<vmem>>[vector<16xi32>, vector<16xi32>], vector<16xf32>,
      %get3A = arith.index_cast %scan3A_82 : i32 to index
      %get3A_88 = arith.constant 0 : index
      %get3A_89 = tpu.vector_load %arg18[%get3A, %get3A_88] {strides = array<i32>} : memref<80x128xf32, #tpu.memory_space<vmem>>, vector<16xf32>,
      %mul3A_90 = arith.mulf %get3A_89, %gather3A : vector<16xf32>
      %swap3A = arith.index_cast %scan3A_82 : i32 to index
      %swap3A_91 = arith.constant 0 : index
      %swap3A_92 = tpu.vector_load %arg18[%swap3A, %swap3A_91] {strides = array<i32>} : memref<80x128xf32, #tpu.memory_space<vmem>>, vector<16xf32>,
      tpu.vector_store %arg18[%swap3A, %swap3A_91], %mul3A_90 {strides = array<i32>} : memref<80x128xf32, #tpu.memory_space<vmem>>, vector<16xf32>,
      %get3A_93 = arith.index_cast %scan3A_82 : i32 to index
      %get3A_94 = arith.constant 16 : index
      %get3A_95 = tpu.vector_load %arg18[%get3A_93, %get3A_94] {strides = array<i32>} : memref<80x128xf32, #tpu.memory_space<vmem>>, vector<16xf32>,
      %mul3A_96 = arith.mulf %get3A_95, %gather3A : vector<16xf32>
      %swap3A_97 = arith.index_cast %scan3A_82 : i32 to index
      %swap3A_98 = arith.constant 16 : index
      %swap3A_99 = tpu.vector_load %arg18[%swap3A_97, %swap3A_98] {strides = array<i32>} : memref<80x128xf32, #tpu.memory_space<vmem>>, vector<16xf32>,
      tpu.vector_store %arg18[%swap3A_97, %swap3A_98], %mul3A_96 {strides = array<i32>} : memref<80x128xf32, #tpu.memory_space<vmem>>, vector<16xf32>,
      %broadcast_in_dim3A_100 = arith.constant 0 : i32
      %broadcast_in_dim3A_101 = vector.broadcast %broadcast_in_dim3A_100 : i32 to vector<16xi32>
      %add3A_102 = vector.broadcast %scan3A_82 : i32 to vector<16xi32>
      %add3A_103 = arith.addi %broadcast_in_dim3A_101, %add3A_102 : vector<16xi32>
      %broadcast_in_dim3A_104 = arith.constant 1 : i32
      %broadcast_in_dim3A_105 = vector.broadcast %broadcast_in_dim3A_104 : i32 to vector<16xi32>
      %gather3A_106 = tpu.vector_load_idx %arg20[%add3A_103, %broadcast_in_dim3A_105] : memref<80x4xf32, #tpu.memory_space<vmem>>[vector<16xi32>, vector<16xi32>], vector<16xf32>,
      %get3A_107 = arith.index_cast %scan3A_82 : i32 to index
      %get3A_108 = arith.constant 32 : index
      %get3A_109 = tpu.vector_load %arg18[%get3A_107, %get3A_108] {strides = array<i32>} : memref<80x128xf32, #tpu.memory_space<vmem>>, vector<16xf32>,
      %mul3A_110 = arith.mulf %get3A_109, %gather3A_106 : vector<16xf32>
      %swap3A_111 = arith.index_cast %scan3A_82 : i32 to index
      %swap3A_112 = arith.constant 32 : index
      %swap3A_113 = tpu.vector_load %arg18[%swap3A_111, %swap3A_112] {strides = array<i32>} : memref<80x128xf32, #tpu.memory_space<vmem>>, vector<16xf32>,
      tpu.vector_store %arg18[%swap3A_111, %swap3A_112], %mul3A_110 {strides = array<i32>} : memref<80x128xf32, #tpu.memory_space<vmem>>, vector<16xf32>,
      %get3A_114 = arith.index_cast %scan3A_82 : i32 to index
      %get3A_115 = arith.constant 48 : index
      %get3A_116 = tpu.vector_load %arg18[%get3A_114, %get3A_115] {strides = array<i32>} : memref<80x128xf32, #tpu.memory_space<vmem>>, vector<16xf32>,
      %mul3A_117 = arith.mulf %get3A_116, %gather3A_106 : vector<16xf32>
      %swap3A_118 = arith.index_cast %scan3A_82 : i32 to index
      %swap3A_119 = arith.constant 48 : index
      %swap3A_120 = tpu.vector_load %arg18[%swap3A_118, %swap3A_119] {strides = array<i32>} : memref<80x128xf32, #tpu.memory_space<vmem>>, vector<16xf32>,
      tpu.vector_store %arg18[%swap3A_118, %swap3A_119], %mul3A_117 {strides = array<i32>} : memref<80x128xf32, #tpu.memory_space<vmem>>, vector<16xf32>,
      %broadcast_in_dim3A_121 = arith.constant 0 : i32
      %broadcast_in_dim3A_122 = vector.broadcast %broadcast_in_dim3A_121 : i32 to vector<16xi32>
      %add3A_123 = vector.broadcast %scan3A_82 : i32 to vector<16xi32>
      %add3A_124 = arith.addi %broadcast_in_dim3A_122, %add3A_123 : vector<16xi32>
      %broadcast_in_dim3A_125 = arith.constant 2 : i32
      %broadcast_in_dim3A_126 = vector.broadcast %broadcast_in_dim3A_125 : i32 to vector<16xi32>
      %gather3A_127 = tpu.vector_load_idx %arg20[%add3A_124, %broadcast_in_dim3A_126] : memref<80x4xf32, #tpu.memory_space<vmem>>[vector<16xi32>, vector<16xi32>], vector<16xf32>,
      %get3A_128 = arith.index_cast %scan3A_82 : i32 to index
      %get3A_129 = arith.constant 64 : index
      %get3A_130 = tpu.vector_load %arg18[%get3A_128, %get3A_129] {strides = array<i32>} : memref<80x128xf32, #tpu.memory_space<vmem>>, vector<16xf32>,
      %mul3A_131 = arith.mulf %get3A_130, %gather3A_127 : vector<16xf32>
      %swap3A_132 = arith.index_cast %scan3A_82 : i32 to index
      %swap3A_133 = arith.constant 64 : index
      %swap3A_134 = tpu.vector_load %arg18[%swap3A_132, %swap3A_133] {strides = array<i32>} : memref<80x128xf32, #tpu.memory_space<vmem>>, vector<16xf32>,
      tpu.vector_store %arg18[%swap3A_132, %swap3A_133], %mul3A_131 {strides = array<i32>} : memref<80x128xf32, #tpu.memory_space<vmem>>, vector<16xf32>,
      %get3A_135 = arith.index_cast %scan3A_82 : i32 to index
      %get3A_136 = arith.constant 80 : index
      %get3A_137 = tpu.vector_load %arg18[%get3A_135, %get3A_136] {strides = array<i32>} : memref<80x128xf32, #tpu.memory_space<vmem>>, vector<16xf32>,
      %mul3A_138 = arith.mulf %get3A_137, %gather3A_127 : vector<16xf32>
      %swap3A_139 = arith.index_cast %scan3A_82 : i32 to index
      %swap3A_140 = arith.constant 80 : index
      %swap3A_141 = tpu.vector_load %arg18[%swap3A_139, %swap3A_140] {strides = array<i32>} : memref<80x128xf32, #tpu.memory_space<vmem>>, vector<16xf32>,
      tpu.vector_store %arg18[%swap3A_139, %swap3A_140], %mul3A_138 {strides = array<i32>} : memref<80x128xf32, #tpu.memory_space<vmem>>, vector<16xf32>,
      %broadcast_in_dim3A_142 = arith.constant 0 : i32
      %broadcast_in_dim3A_143 = vector.broadcast %broadcast_in_dim3A_142 : i32 to vector<16xi32>
      %add3A_144 = vector.broadcast %scan3A_82 : i32 to vector<16xi32>
      %add3A_145 = arith.addi %broadcast_in_dim3A_143, %add3A_144 : vector<16xi32>
      %broadcast_in_dim3A_146 = arith.constant 3 : i32
      %broadcast_in_dim3A_147 = vector.broadcast %broadcast_in_dim3A_146 : i32 to vector<16xi32>
      %gather3A_148 = tpu.vector_load_idx %arg20[%add3A_145, %broadcast_in_dim3A_147] : memref<80x4xf32, #tpu.memory_space<vmem>>[vector<16xi32>, vector<16xi32>], vector<16xf32>,
      %get3A_149 = arith.index_cast %scan3A_82 : i32 to index
      %get3A_150 = arith.constant 96 : index
      %get3A_151 = tpu.vector_load %arg18[%get3A_149, %get3A_150] {strides = array<i32>} : memref<80x128xf32, #tpu.memory_space<vmem>>, vector<16xf32>,
      %mul3A_152 = arith.mulf %get3A_151, %gather3A_148 : vector<16xf32>
      %swap3A_153 = arith.index_cast %scan3A_82 : i32 to index
      %swap3A_154 = arith.constant 96 : index
      %swap3A_155 = tpu.vector_load %arg18[%swap3A_153, %swap3A_154] {strides = array<i32>} : memref<80x128xf32, #tpu.memory_space<vmem>>, vector<16xf32>,
      tpu.vector_store %arg18[%swap3A_153, %swap3A_154], %mul3A_152 {strides = array<i32>} : memref<80x128xf32, #tpu.memory_space<vmem>>, vector<16xf32>,
      %get3A_156 = arith.index_cast %scan3A_82 : i32 to index
      %get3A_157 = arith.constant 112 : index
      %get3A_158 = tpu.vector_load %arg18[%get3A_156, %get3A_157] {strides = array<i32>} : memref<80x128xf32, #tpu.memory_space<vmem>>, vector<16xf32>,
      %mul3A_159 = arith.mulf %get3A_158, %gather3A_148 : vector<16xf32>
      %swap3A_160 = arith.index_cast %scan3A_82 : i32 to index
      %swap3A_161 = arith.constant 112 : index
      %swap3A_162 = tpu.vector_load %arg18[%swap3A_160, %swap3A_161] {strides = array<i32>} : memref<80x128xf32, #tpu.memory_space<vmem>>, vector<16xf32>,
      tpu.vector_store %arg18[%swap3A_160, %swap3A_161], %mul3A_159 {strides = array<i32>} : memref<80x128xf32, #tpu.memory_space<vmem>>, vector<16xf32>,
    }
    %scan3A_78 = arith.constant 80 : i32
    %run_scoped3A = arith.constant 1 : i32
    "tpu.region"() ({
      %run_scoped3A_82 = tpu.sem_alloc : memref<!tpu.dma_semaphore, #tpu.memory_space<semaphore_mem>>
      %dma_start3A_83 = arith.constant 0 : i32
      %dma_start3A_84 = tpu.memref_slice %arg10[%run_scoped3A, %dma_start3A_83] : memref<2x80xi32, #tpu.memory_space<vmem>> -> memref<1x80xi32, #tpu.memory_space<vmem>>
      %dma_start3A_85 = tpu.memref_squeeze %dma_start3A_84 : memref<1x80xi32, #tpu.memory_space<vmem>> -> memref<80xi32, #tpu.memory_space<vmem>>
      %dma_start3A_86 = arith.constant 0 : i32
      %dma_start3A_87 = arith.constant 0 : i32
      %dma_start3A_88 = tpu.memref_slice %arg23[%dma_start3A_86, %dma_start3A_87] : memref<10000x128xf32, #tpu.memory_space<vmem_shared>> -> memref<10000x128xf32, #tpu.memory_space<vmem_shared>>
      tpu.enqueue_indirect_dma source(%arg18 : memref<80x128xf32, #tpu.memory_space<vmem>>) target(%dma_start3A_88 : memref<10000x128xf32, #tpu.memory_space<vmem_shared>>) offsets(%dma_start3A_85 : memref<80xi32, #tpu.memory_space<vmem>>) semaphore(%run_scoped3A_82 : memref<!tpu.dma_semaphore, #tpu.memory_space<semaphore_mem>>) {add = true}
      %dma_wait3A_89 = arith.constant 0 : i32
      %dma_wait3A_90 = tpu.memref_slice %arg10[%run_scoped3A, %dma_wait3A_89] : memref<2x80xi32, #tpu.memory_space<vmem>> -> memref<1x80xi32, #tpu.memory_space<vmem>>
      %dma_wait3A_91 = tpu.memref_squeeze %dma_wait3A_90 : memref<1x80xi32, #tpu.memory_space<vmem>> -> memref<80xi32, #tpu.memory_space<vmem>>
      %dma_wait3A_92 = arith.constant 0 : i32
      %dma_wait3A_93 = arith.constant 0 : i32
      %dma_wait3A_94 = tpu.memref_slice %arg23[%dma_wait3A_92, %dma_wait3A_93] : memref<10000x128xf32, #tpu.memory_space<vmem_shared>> -> memref<10000x128xf32, #tpu.memory_space<vmem_shared>>
      tpu.wait_indirect_dma semaphore(%run_scoped3A_82 : memref<!tpu.dma_semaphore, #tpu.memory_space<semaphore_mem>>) src(%arg18 : memref<80x128xf32, #tpu.memory_space<vmem>>) dst(%dma_wait3A_94 : memref<10000x128xf32, #tpu.memory_space<vmem_shared>>)
      tpu.yield
    }) : () -> ()
    %barrier3A_79 = arith.constant 0 : index
    tpu.barrier barrier_id(%barrier3A_79)
    %eq3A = arith.constant 0 : i32
    %eq3A_80 = arith.cmpi eq, %arg1, %eq3A : i32
    %convert_element_type3A = arith.extui %eq3A_80 : i1 to i32
    %cond3A = arith.constant 0 : i32
    %cond3A_81 = arith.cmpi ne, %convert_element_type3A, %cond3A : i32
    scf.if %cond3A_81 {
      %mul3A_82 = arith.constant 10000 : i32
      %mul3A_83 = arith.muli %arg0, %mul3A_82 : i32
      "tpu.region"() ({
        %run_scoped3A_84 = tpu.sem_alloc : memref<!tpu.dma_semaphore, #tpu.memory_space<semaphore_mem>>
        %dma_start3A_85 = arith.constant 0 : i32
        %dma_start3A_86 = tpu.memref_slice %arg9[%mul3A_83, %dma_start3A_85] : memref<20000x128xf32, #tpu.memory_space<hbm>> -> memref<10000x128xf32, #tpu.memory_space<hbm>>
        tpu.enqueue_dma source(%arg23 : memref<10000x128xf32, #tpu.memory_space<vmem_shared>>) target(%dma_start3A_86 : memref<10000x128xf32, #tpu.memory_space<hbm>>) target_semaphore(%run_scoped3A_84 : memref<!tpu.dma_semaphore, #tpu.memory_space<semaphore_mem>>)
        %dma_wait3A_87 = arith.constant 0 : i32
        %dma_wait3A_88 = tpu.memref_slice %arg9[%mul3A_83, %dma_wait3A_87] : memref<20000x128xf32, #tpu.memory_space<hbm>> -> memref<10000x128xf32, #tpu.memory_space<hbm>>
        tpu.wait_dma2 semaphore(%run_scoped3A_84 : memref<!tpu.dma_semaphore, #tpu.memory_space<semaphore_mem>>) src(%arg23 : memref<10000x128xf32, #tpu.memory_space<vmem_shared>>) dst(%dma_wait3A_88 : memref<10000x128xf32, #tpu.memory_space<hbm>>)
        tpu.yield
      }) : () -> ()
    } else {
    }
    return
  }
}

module attributes {stable_mosaic.version = 14 : i64} {
  func.func @_dense_body(%arg0: i32, %arg1: memref<1000x128xf32, #tpu.memory_space<vmem>>, %arg2: memref<128x128xf32, #tpu.memory_space<vmem>>, %arg3: memref<128x8xf32, #tpu.memory_space<vmem>>, %arg4: memref<8x16xf32, #tpu.memory_space<vmem>>, %arg5: memref<16x64xf32, #tpu.memory_space<vmem>>, %arg6: memref<64x4xf32, #tpu.memory_space<vmem>>, %arg7: memref<1000x128xf32, #tpu.memory_space<vmem>>, %arg8: memref<1000x8xf32, #tpu.memory_space<vmem>>, %arg9: memref<8x4xf32, #tpu.memory_space<vmem>>) attributes {dimension_semantics = [#tpu.dimension_semantics<arbitrary>], iteration_bounds = array<i64: 10>, scalar_prefetch = 0 : i64, scratch_operands = 0 : i64, tpu.core_type = #tpu.core_type<tc>, window_params = [{transform_indices = @transform_0, window_bounds = array<i64: 1000, 128>}, {pipeline_mode = #tpu.pipeline_mode<synchronous>, transform_indices = @transform_1, window_bounds = array<i64: 128, 128>}, {pipeline_mode = #tpu.pipeline_mode<synchronous>, transform_indices = @transform_2, window_bounds = array<i64: 128, 8>}, {pipeline_mode = #tpu.pipeline_mode<synchronous>, transform_indices = @transform_3, window_bounds = array<i64: 8, 16>}, {pipeline_mode = #tpu.pipeline_mode<synchronous>, transform_indices = @transform_4, window_bounds = array<i64: 16, 64>}, {pipeline_mode = #tpu.pipeline_mode<synchronous>, transform_indices = @transform_5, window_bounds = array<i64: 64, 4>}, {transform_indices = @transform_6, window_bounds = array<i64: 1000, 128>}, {transform_indices = @transform_7, window_bounds = array<i64: 1000, 8>}, {pipeline_mode = #tpu.pipeline_mode<synchronous>, transform_indices = @transform_8, window_bounds = array<i64: 8, 4>}]} {
    %get3A = arith.constant 0 : index
    %get3A_0 = arith.constant 0 : index
    %get3A_1 = vector.load %arg1[%get3A, %get3A_0] : memref<1000x128xf32, #tpu.memory_space<vmem>>, vector<1000x128xf32>
    %get3A_2 = arith.constant 0 : index
    %get3A_3 = arith.constant 0 : index
    %get3A_4 = vector.load %arg2[%get3A_2, %get3A_3] : memref<128x128xf32, #tpu.memory_space<vmem>>, vector<128x128xf32>
    %dot_general3A = arith.constant dense<0.000000e+00> : vector<1000x128xf32>
    %dot_general3A_5 = tpu.matmul %get3A_1, %get3A_4, %dot_general3A {dimension_numbers = #tpu.dot_dimension_numbers<[1], [0], [0], [1], [0, 0, 1, 1], [], []>, transpose_lhs_hint = false} : vector<1000x128xf32>, vector<128x128xf32>, vector<1000x128xf32> -> vector<1000x128xf32>
    %swap3A = arith.constant 0 : index
    %swap3A_6 = arith.constant 0 : index
    %swap3A_7 = vector.load %arg7[%swap3A, %swap3A_6] : memref<1000x128xf32, #tpu.memory_space<vmem>>, vector<1000x128xf32>
    tpu.vector_store %arg7[%swap3A, %swap3A_6], %dot_general3A_5 {strides = array<i32>} : memref<1000x128xf32, #tpu.memory_space<vmem>>, vector<1000x128xf32>,
    %get3A_8 = arith.constant 0 : index
    %get3A_9 = arith.constant 0 : index
    %get3A_10 = vector.load %arg3[%get3A_8, %get3A_9] : memref<128x8xf32, #tpu.memory_space<vmem>>, vector<128x8xf32>
    %dot_general3A_11 = arith.constant dense<0.000000e+00> : vector<1000x8xf32>
    %dot_general3A_12 = tpu.matmul %dot_general3A_5, %get3A_10, %dot_general3A_11 {dimension_numbers = #tpu.dot_dimension_numbers<[1], [0], [0], [1], [0, 0, 1, 1], [], []>, transpose_lhs_hint = false} : vector<1000x128xf32>, vector<128x8xf32>, vector<1000x8xf32> -> vector<1000x8xf32>
    %swap3A_13 = arith.constant 0 : index
    %swap3A_14 = arith.constant 0 : index
    %swap3A_15 = vector.load %arg8[%swap3A_13, %swap3A_14] : memref<1000x8xf32, #tpu.memory_space<vmem>>, vector<1000x8xf32>
    tpu.vector_store %arg8[%swap3A_13, %swap3A_14], %dot_general3A_12 {strides = array<i32>} : memref<1000x8xf32, #tpu.memory_space<vmem>>, vector<1000x8xf32>,
    %eq3A = arith.constant 0 : i32
    %eq3A_16 = arith.cmpi eq, %arg0, %eq3A : i32
    %convert_element_type3A = arith.extui %eq3A_16 : i1 to i32
    %cond3A = arith.constant 0 : i32
    %cond3A_17 = arith.cmpi ne, %convert_element_type3A, %cond3A : i32
    scf.if %cond3A_17 {
      %get3A_18 = arith.constant 0 : index
      %get3A_19 = arith.constant 0 : index
      %get3A_20 = vector.load %arg4[%get3A_18, %get3A_19] : memref<8x16xf32, #tpu.memory_space<vmem>>, vector<8x16xf32>
      %get3A_21 = arith.constant 0 : index
      %get3A_22 = arith.constant 0 : index
      %get3A_23 = vector.load %arg5[%get3A_21, %get3A_22] : memref<16x64xf32, #tpu.memory_space<vmem>>, vector<16x64xf32>
      %dot_general3A_24 = arith.constant dense<0.000000e+00> : vector<8x64xf32>
      %dot_general3A_25 = tpu.matmul %get3A_20, %get3A_23, %dot_general3A_24 {dimension_numbers = #tpu.dot_dimension_numbers<[1], [0], [0], [1], [0, 0, 1, 1], [], []>, transpose_lhs_hint = false} : vector<8x16xf32>, vector<16x64xf32>, vector<8x64xf32> -> vector<8x64xf32>
      %get3A_26 = arith.constant 0 : index
      %get3A_27 = arith.constant 0 : index
      %get3A_28 = vector.load %arg6[%get3A_26, %get3A_27] : memref<64x4xf32, #tpu.memory_space<vmem>>, vector<64x4xf32>
      %dot_general3A_29 = arith.constant dense<0.000000e+00> : vector<8x4xf32>
      %dot_general3A_30 = tpu.matmul %dot_general3A_25, %get3A_28, %dot_general3A_29 {dimension_numbers = #tpu.dot_dimension_numbers<[1], [0], [0], [1], [0, 0, 1, 1], [], []>, transpose_lhs_hint = false} : vector<8x64xf32>, vector<64x4xf32>, vector<8x4xf32> -> vector<8x4xf32>
      %swap3A_31 = arith.constant 0 : index
      %swap3A_32 = arith.constant 0 : index
      %swap3A_33 = vector.load %arg9[%swap3A_31, %swap3A_32] : memref<8x4xf32, #tpu.memory_space<vmem>>, vector<8x4xf32>
      tpu.vector_store %arg9[%swap3A_31, %swap3A_32], %dot_general3A_30 {strides = array<i32>} : memref<8x4xf32, #tpu.memory_space<vmem>>, vector<8x4xf32>,
    } else {
    }
    return
  }
  func.func @transform_0(%arg0: i32) -> (i32, i32) {
    %c0_i32 = arith.constant 0 : i32
    %c0_i32_0 = arith.constant 0 : i32
    return %arg0, %c0_i32 : i32, i32
  }
  func.func @transform_1(%arg0: i32) -> (i32, i32) {
    %c0_i32 = arith.constant 0 : i32
    %c0_i32_0 = arith.constant 0 : i32
    %c0_i32_1 = arith.constant 0 : i32
    return %c0_i32, %c0_i32_0 : i32, i32
  }
  func.func @transform_2(%arg0: i32) -> (i32, i32) {
    %c0_i32 = arith.constant 0 : i32
    %c0_i32_0 = arith.constant 0 : i32
    %c0_i32_1 = arith.constant 0 : i32
    return %c0_i32, %c0_i32_0 : i32, i32
  }
  func.func @transform_3(%arg0: i32) -> (i32, i32) {
    %c0_i32 = arith.constant 0 : i32
    %c0_i32_0 = arith.constant 0 : i32
    %c0_i32_1 = arith.constant 0 : i32
    return %c0_i32, %c0_i32_0 : i32, i32
  }
  func.func @transform_4(%arg0: i32) -> (i32, i32) {
    %c0_i32 = arith.constant 0 : i32
    %c0_i32_0 = arith.constant 0 : i32
    %c0_i32_1 = arith.constant 0 : i32
    return %c0_i32, %c0_i32_0 : i32, i32
  }
  func.func @transform_5(%arg0: i32) -> (i32, i32) {
    %c0_i32 = arith.constant 0 : i32
    %c0_i32_0 = arith.constant 0 : i32
    %c0_i32_1 = arith.constant 0 : i32
    return %c0_i32, %c0_i32_0 : i32, i32
  }
  func.func @transform_6(%arg0: i32) -> (i32, i32) {
    %c0_i32 = arith.constant 0 : i32
    %c0_i32_0 = arith.constant 0 : i32
    return %arg0, %c0_i32 : i32, i32
  }
  func.func @transform_7(%arg0: i32) -> (i32, i32) {
    %c0_i32 = arith.constant 0 : i32
    %c0_i32_0 = arith.constant 0 : i32
    return %arg0, %c0_i32 : i32, i32
  }
  func.func @transform_8(%arg0: i32) -> (i32, i32) {
    %c0_i32 = arith.constant 0 : i32
    %c0_i32_0 = arith.constant 0 : i32
    %c0_i32_1 = arith.constant 0 : i32
    return %c0_i32, %c0_i32_0 : i32, i32
  }
}

module attributes {stable_mosaic.version = 14 : i64} {
  func.func @_combine_body(%arg0: i32, %arg1: memref<1000x128xf32, #tpu.memory_space<vmem>>, %arg2: memref<1000x128xf32, #tpu.memory_space<vmem>>, %arg3: memref<1000x128xf32, #tpu.memory_space<vmem>>) attributes {dimension_semantics = [#tpu.dimension_semantics<arbitrary>], iteration_bounds = array<i64: 10>, scalar_prefetch = 0 : i64, scratch_operands = 0 : i64, tpu.core_type = #tpu.core_type<tc>, window_params = [{transform_indices = @transform_0, window_bounds = array<i64: 1000, 128>}, {transform_indices = @transform_1, window_bounds = array<i64: 1000, 128>}, {transform_indices = @transform_2, window_bounds = array<i64: 1000, 128>}]} {
    %get3A = arith.constant 0 : index
    %get3A_0 = arith.constant 0 : index
    %get3A_1 = vector.load %arg1[%get3A, %get3A_0] : memref<1000x128xf32, #tpu.memory_space<vmem>>, vector<1000x128xf32>
    %get3A_2 = arith.constant 0 : index
    %get3A_3 = arith.constant 0 : index
    %get3A_4 = vector.load %arg2[%get3A_2, %get3A_3] : memref<1000x128xf32, #tpu.memory_space<vmem>>, vector<1000x128xf32>
    %add3A = arith.addf %get3A_1, %get3A_4 : vector<1000x128xf32>
    %swap3A = arith.constant 0 : index
    %swap3A_5 = arith.constant 0 : index
    %swap3A_6 = vector.load %arg3[%swap3A, %swap3A_5] : memref<1000x128xf32, #tpu.memory_space<vmem>>, vector<1000x128xf32>
    tpu.vector_store %arg3[%swap3A, %swap3A_5], %add3A {strides = array<i32>} : memref<1000x128xf32, #tpu.memory_space<vmem>>, vector<1000x128xf32>,
    return
  }
  func.func @transform_0(%arg0: i32) -> (i32, i32) {
    %c0_i32 = arith.constant 0 : i32
    %c0_i32_0 = arith.constant 0 : i32
    return %arg0, %c0_i32 : i32, i32
  }
  func.func @transform_1(%arg0: i32) -> (i32, i32) {
    %c0_i32 = arith.constant 0 : i32
    %c0_i32_0 = arith.constant 0 : i32
    return %arg0, %c0_i32 : i32, i32
  }
  func.func @transform_2(%arg0: i32) -> (i32, i32) {
    %c0_i32 = arith.constant 0 : i32
    %c0_i32_0 = arith.constant 0 : i32
    return %arg0, %c0_i32 : i32, i32
  }
}

</mosaic_0001>

<sc_bundles>
// kernel: kernel.6.cloned.1.call-start
scs
__scs_entry_jumppad:
0x0: {  	(pc) =	sbr.rel $0x88, $3  }
0x1: {  	(tag) =	ssettag $0x0;
	lr =	simm.s32 $0x1  }
0x2: {  	[smem:$0x3F98] =	sst lr;
	_ =	strace $0xD0000000  }
0x3: {  	_ = 	snop  }
0x4: {  	_ = 	snop  }
0x5: {  	_ = 	snop  }
0x6: {  	_ = 	snop  }
0x7: {  	_ = 	snop  }
__scs_overlays_trampoline_lowered:
0x8: {  	[smem:$0x3FA7] =	sst s0  }
0x9: {  	[smem:$0x3FA8] =	sst s1  }
0xa: {  	[smem:$0x3FA9] =	sst s2  }
0xb: {  	[smem:$0x3FAA] =	sst s3  }
0xc: {  	[smem:$0x3FAB] =	sst s4  }
0xd: {  	[smem:$0x3FAC] =	sst s5  }
0xe: {  	[smem:$0x3FAD] =	sst s6  }
0xf: {  	[smem:$0x3FAE] =	sst s7  }
0x10: {  	[smem:$0x3FAF] =	sst s8  }
0x11: {  	[smem:$0x3FB0] =	sst s9;
	s0 =	simm.s32 @!p0 $0x0  }
0x12: {  	s1 =	sld [smem:$0x3F96];
	s0 =	simm.s32 @p0 $0x1  }
0x13: {  	[smem:$0x3FB1] =	sst s0;
	s0 =	simm.s32 @!p1 $0x0  }
0x14: {  	s2 =	sld [smem:$0x3F95];
	s0 =	simm.s32 @p1 $0x1  }
0x15: {  	[smem:$0x3FB2] =	sst s0;
	s0 =	simm.s32 @!p2 $0x0  }
0x16: {  	s3 =	sld [smem:$0x3FDB];
	s0 =	simm.s32 @p2 $0x1  }
0x17: {  	s4 =	simm.s32 $0x1BF5;
	[smem:$0x3FB4] =	sst s0  }
0x18: {  	s0 =	sld [smem:$0x3F97];
	_ =	swait.ge [sflag:s4], $0x0  }
0x19: {  	s7 =	sld [smem:$0x3F98]  }
0x1a: {  	s8 =	sadd.s32 $0xFFFFE003, lr  }
0x1b: {  	s9 =	sadd.s32 $0xFFFFFEF7, lr;
	s5 =	simm.s32 $0xFFFFFFFF;
	p2 =	slt.u32 s8, $0xFFFFF086  }
0x1c: {  	p1 =	slt.u32 s9, $0xF7A;
	s5 =	simm.s32 @!p2 $0x0  }
0x1d: {  	s5 =	simm.s32 @p1 $0x1;
	p0 =	seq.s32 s7, s2  }
0x1e: {  	s7 =	smul.u32 @!p0 $0xF7A, s2;
	p2 =	seq.s32 @!p0 s5, $0x0  }
0x1f: {  	s9 =	smul.u32 $0xF7A, s1;
	s8 =	simm.s32 @!p0 $0x1BF5;
	p2 =	por !p2, p0  }
0x20: {  	[sflag:s8] =	ssyncset.s32 @!p0 $0xFFFFF086;
	s6 =	sadd.s32 @!p0 s3, s7;
	s7 =	simm.s32 @!p0 $0x108  }
0x21: {  	s3 =	sadd.s32 s3, s9;
	s6 =	sadd.s32 @!p0 $0x88, s6;
	s7 =	simm.s32 @p2 $0x1082  }
0x22: {  	[simem:s7], [sflag:s8] =	dma.local @!p0 [hbm:s6], $0xF7A  }
0x23: {  	s9 =	sor.u32 $0xD0000000, s2;
	s6 =	simm.s32 $0x108;
	_ =	swait.ge @!p0 [sflag:s8], $0x0  }
0x24: {  	s3 =	sadd.s32 $0x88, s3;
	s6 =	simm.s32 @!p1 $0x1082;
	[sflag:s4] =	ssyncset.s32 $0xFFFFF086  }
0x25: {  	[simem:s6], [sflag:s4] =	dma.local [hbm:s3], $0xF7A  }
0x26: {  	[smem:$0x3F98] =	sst s1;
	(tag) =	ssettag s2;
	_ =	strace s9  }
0x27: {  	s1 =	sld [smem:$0x3FA8]  }
0x28: {  	s2 =	sld [smem:$0x3FA9]  }
0x29: {  	s4 =	sld [smem:$0x3FAB]  }
0x2a: {  	p0 =	seq.s32 s5, $0x0;
	s5 =	sld [smem:$0x3FAC]  }
0x2b: {  	s6 =	sld [smem:$0x3FAD]  }
0x2c: {  	s7 =	sld [smem:$0x3FAE]  }
0x2d: {  	s3 =	simm.s32 $0x108;
	s8 =	sld [smem:$0x3FAF]  }
0x2e: {  	s3 =	simm.s32 @!p0 $0x1082;
	s9 =	sld [smem:$0x3FB0]  }
0x2f: {  	lr =	sadd.s32 s0, s3;
	s0 =	sld [smem:$0x3FA7]  }
0x30: {  	s3 =	sld [smem:$0x3FAA]  }
0x31: {  	[smem:$0x3FB3] =	sst s10  }
0x32: {  	s10 =	sld [smem:$0x3FB1];
	_ =	sdelay $0x3  }
0x33: {  	p0 =	seq.s32 s10, $0x1;
	s10 =	sld [smem:$0x3FB3];
	_ =	sdelay $0x3  }
0x34: {  	[smem:$0x3FB3] =	sst s10  }
0x35: {  	s10 =	sld [smem:$0x3FB2];
	_ =	sdelay $0x3  }
0x36: {  	p1 =	seq.s32 s10, $0x1;
	s10 =	sld [smem:$0x3FB3];
	_ =	sdelay $0x3  }
0x37: {  	[smem:$0x3FB3] =	sst s10  }
0x38: {  	s10 =	sld [smem:$0x3FB4]  }
0x39: {  	_ = 	snop;
	(pc) =	sbr.ind lr, $3  }
0x3a: {  	_ = 	snop  }
0x3b: {  	_ = 	snop  }
0x3c: {  	p2 =	seq.s32 s10, $0x1;
	s10 =	sld [smem:$0x3FB3]  }
0x3d: {  	_ =	shalt  }
0x3e: {  	_ =	shalt  }
0x3f: {  	_ =	shalt  }
0x40: {  	_ =	shalt  }
0x41: {  	_ =	shalt  }
0x42: {  	_ =	shalt  }
0x43: {  	_ =	shalt  }
0x44: {  	_ =	shalt  }
0x45: {  	_ =	shalt  }
0x46: {  	_ =	shalt  }
0x47: {  	_ =	shalt  }
0x48: {  	_ =	shalt  }
0x49: {  	_ =	shalt  }
0x4a: {  	_ =	shalt  }
0x4b: {  	_ =	shalt  }
0x4c: {  	_ =	shalt  }
0x4d: {  	_ =	shalt  }
0x4e: {  	_ =	shalt  }
0x4f: {  	_ =	shalt  }
0x50: {  	_ =	shalt  }
0x51: {  	_ =	shalt  }
0x52: {  	_ =	shalt  }
0x53: {  	_ =	shalt  }
0x54: {  	_ =	shalt  }
0x55: {  	_ =	shalt  }
0x56: {  	_ =	shalt  }
0x57: {  	_ =	shalt  }
0x58: {  	_ =	shalt  }
0x59: {  	_ =	shalt  }
0x5a: {  	_ =	shalt  }
0x5b: {  	_ =	shalt  }
0x5c: {  	_ =	shalt  }
0x5d: {  	_ =	shalt  }
0x5e: {  	_ =	shalt  }
0x5f: {  	_ =	shalt  }
0x60: {  	_ =	shalt  }
0x61: {  	_ =	shalt  }
0x62: {  	_ =	shalt  }
0x63: {  	_ =	shalt  }
0x64: {  	_ =	shalt  }
0x65: {  	_ =	shalt  }
0x66: {  	_ =	shalt  }
0x67: {  	_ =	shalt  }
0x68: {  	_ =	shalt  }
0x69: {  	_ =	shalt  }
0x6a: {  	_ =	shalt  }
0x6b: {  	_ =	shalt  }
0x6c: {  	_ =	shalt  }
0x6d: {  	_ =	shalt  }
0x6e: {  	_ =	shalt  }
0x6f: {  	_ =	shalt  }
0x70: {  	_ =	shalt  }
0x71: {  	_ =	shalt  }
0x72: {  	_ =	shalt  }
0x73: {  	_ =	shalt  }
0x74: {  	_ =	shalt  }
0x75: {  	_ =	shalt  }
0x76: {  	_ =	shalt  }
0x77: {  	_ =	shalt  }
0x78: {  	_ =	shalt  }
0x79: {  	_ =	shalt  }
0x7a: {  	_ =	shalt  }
0x7b: {  	_ =	shalt  }
0x7c: {  	_ =	shalt  }
0x7d: {  	_ =	shalt  }
0x7e: {  	_ =	shalt  }
0x7f: {  	_ =	shalt  }
0x80: {  	_ =	shalt  }
0x81: {  	_ =	shalt  }
0x82: {  	_ =	shalt  }
0x83: {  	_ =	shalt  }
0x84: {  	_ =	shalt  }
0x85: {  	_ =	shalt  }
0x86: {  	_ =	shalt  }
0x87: {  	_ =	shalt  }
.Lfunc_end0:
.L_simem_size_0:
called_computation_lowered:
.L_overlay_start_0:
0x88: {  	s2 =	sld [smem:$0x3FD9]  }
0x89: {  	s3 =	sld [smem:$0x3FFE];
	_ =	sdelay $0x1  }
0x8a: {  	s1 =	srdreg.scid  }
0x8b: {  	s0 =	sand.u32 $0x1, s1  }
0x8c: {  	s14 =	sshll.u32 s0, $0xA;
	s2 =	sadd.s32 s3, s2  }
0x8d: {  	s2 =	sadd.s32 s2, s14  }
0x8e: {  	[smem:$0x3FBF] =	sst s2  }
0x8f: {  	_ = 	snop  }
0x90: {  	s2 =	sld [smem:$0x3FD0];
	_ =	sdelay $0x2  }
0x91: {  	s15 =	simm.s32 $0xA;
	s4 =	simm.s32 $0x10  }
0x92: {  	[smem:s4], [sflag:s15] =	dma.local [hbm:s2], $0x1  }
0x93: {  	_ =	swait.eq [sflag:s15], $0x1  }
0x94: {  	[sflag:s15] =	ssyncset.done $0x0  }
0x95: {  	[sflag:s15] =	ssyncadd.s32 $0xFFFFFFFF  }
0x96: {  	s16 =	sld [smem:$0x10];
	(tm) =	ssettm $0x1  }
0x97: {  	s17 =	sld [smem:$0x3FFB];
	_ =	sdelay $0x3  }
0x98: {  	_ =	strace s17  }
0x99: {  	s3 =	sld [smem:$0x3FFC];
	_ =	sdelay $0x3  }
0x9a: {  	_ =	strace s3  }
0x9b: {  	s3 =	sld [smem:$0x3FFD];
	_ =	sdelay $0x3  }
0x9c: {  	_ =	strace s3  }
0x9d: {  	_ =	strace $0x8FFFFFFF  }
0x9e: {  	s18 =	sld [smem:$0x3FDB];
	_ =	sdelay $0x1  }
0x9f: {  	s19 =	simm.s32 $_scs_section_size  }
0xa0: {  	s5 =	simm.s32 $_size__tile_overlayer_lowered;
	s6 =	simm.s32 $_tile_overlayer_lowered  }
0xa1: {  	s22 =	simm.s32 $0x1BFF;
	s21 =	sshll.u32 s6, $0x1;
	s3 =	sadd.s32 s19, s18  }
0xa2: {  	s7 =	simm.s32 $0x0;
	s20 =	sshll.u32 s5, $0x1;
	s5 =	sadd.s32 s21, s3  }
0xa3: {  	[timem:s7], [sflag:s22] =	dma.local [hbm:s5], s20  }
0xa4: {  	_ =	swait.ge [sflag:s22], s20  }
0xa5: {  	s4 =	ssub.s32 $0x0, s20;
	[sflag:s22] =	ssyncset.done $0x0  }
0xa6: {  	[sflag:s22] =	ssyncadd.s32 s4;
	_ =	sdelay $0x1  }
0xa7: {  	s23 =	simm.s32 $0x1B8B  }
0xa8: {  	_ =	swait.ge [sflag:s23], $0x1  }
0xa9: {  	[sflag:s23] =	ssyncset.done $0x0  }
0xaa: {  	s25 =	simm.s32 $0x1B8E;
	s24 =	sld [smem:$0x3FFE];
	[sflag:s23] =	ssyncadd.s32 $0xFFFFFFFF  }
0xab: {  	s26 =	simm.s32 $execute0_lowered;
	[smem:$0x3FD2] =	sst s25  }
0xac: {  	s5 =	sshll.u32 s26, $0x1;
	_ =	strace $0x80000046;
	[dreg:$0x1] =	wrdreg $0xFFFFFFFF  }
0xad: {  	s28 =	simm.s32 $_size_execute0_lowered;
	s3 =	sadd.s32 s3, s5;
	[dreg:$0x0] =	wrdreg $0x0  }
0xae: {  	s5 =	sshll.u32 s28, $0x1;
	[dreg:$0x2] =	wrdreg s3  }
0xaf: {  	[dreg:$0x3] =	wrdreg s5  }
0xb0: {  	[dreg:$0x4] =	wrdreg $0xC0  }
0xb1: {  	_ =	task [dreg:s7], $0x5FFFF  }
0xb2: {  	[dreg:$0x1] =	wrdreg $0xFFFFFFFF  }
0xb3: {  	[dreg:$0x0] =	wrdreg $0x60  }
0xb4: {  	[dreg:$0x2] =	wrdreg s16  }
0xb5: {  	[dreg:$0x3] =	wrdreg s24  }
0xb6: {  	[dreg:$0x4] =	wrdreg $0x141100  }
0xb7: {  	[dreg:$0x5] =	wrdreg $0x9  }
0xb8: {  	_ =	task.clear_ibuf [dreg:s7], $0x6FFFF;
	_ =	strace $0x90000046  }
0xb9: {  	s29 =	simm.s32 $0x9;
	_ =	strace $0x80000048  }
0xba: {  	_ =	swait.ge [sflag:s29], $0x1  }
0xbb: {  	[sflag:s29] =	ssyncadd.s32 $0xFFFFFFFF  }
0xbc: {  	_ =	strace $0x90000048  }
0xbd: {  	_ =	sfence  }
0xbe: {  	s30 =	sld [smem:$0x0];
	_ =	sdelay $0x2  }
0xbf: {  	s31 =	sshll.u32 s1, $0xD;
	s1 =	sshrl.u32 s1, $0x2  }
0xc0: {  	s3 =	sand.u32 $0x4000, s31;
	s1 =	sadd.s32 s1, s30  }
0xc1: {  	s0 =	sor.u32 s3, s0;
	s1 =	sshll.u32 s1, $0x11  }
0xc2: {  	s0 =	sor.u32 s1, s0  }
0xc3: {  	s0 =	sadd.s32 $0x8F2B, s0  }
0xc4: {  	[sflag:s0] =	ssyncadd.remote.s32 $0x1  }
0xc5: {  	_ =	sfence.sel $0xFFFF  }
0xc6: {  	[dreg:$0x0] =	wrdreg $0xFFFFFFFF;
	(pc) =	sbr.abs _section_cstart, $3  }
0xc7: {  	[dreg:$0x1] =	wrdreg $0xFFFFFFFF  }
0xc8: {  	_ =	task.clear_ibuf [dreg:s7], $0x2FFFF;
	_ =	strace $0x9FFFFFFF  }
0xc9: {  	(tm) =	ssettm $0x7FFFFFFF  }
tec
execute0_lowered:
.L_overlay_start_1:
0x0: {  	(tag) =	ssettag $0x1  }
0x1: {  	v1 =	vlaneseq.u32  }
0x2: {  	s8 =	rddreg [dreg:$0x0];
	v0 =	vmul.u32 $0x8, v1;
	v1 =	vmul.u32 $0x10, v1  }
0x3: {  	s6 =	rddreg [dreg:$0x1]  }
0x4: {  	s1 =	rddreg [dreg:$0x2];
	v2 =	vor.u32 $0x1, v0;
	v3 =	vor.u32 $0x1, v1  }
0x5: {  	s0 =	rddreg [dreg:$0x3];
	s2 =	simm.s32 $0x0;
	s10 =	stileid.u32;
	v4 =	vor.u32 $0x2, v0;
	v5 =	vor.u32 $0x2, v1;
	v6 =	vor.u32 $0x3, v0  }
0x6: {  	s4 =	srdreg.scid;
	s15 =	simm.s32 $0x13990;
	s16 =	simm.s32 $0x50;
	v7 =	vor.u32 $0x3, v1;
	v8 =	vor.u32 $0x80, v0;
	v9 =	vor.u32 $0x100, v1  }
0x7: {  	s17 =	simm.s32 $0x138F0;
	s18 =	simm.s32 $0x0;
	s7 =	smul.u32 $0x4E20, s10;
	v10 =	vor.u32 $0x81, v0;
	v11 =	vor.u32 $0x101, v1;
	v12 =	vor.u32 $0x82, v0  }
0x8: {  	[smem:$0x7FF] =	sst s2;
	s9 =	sand.u32 $0x1, s4;
	s14 =	smul.u32 $0x1D4C, s10;
	v13 =	vor.u32 $0x102, v1;
	v14 =	vor.u32 $0x83, v0;
	v15 =	vor.u32 $0x103, v1  }
0x9: {  	s3 =	sadd.s32 $0x2600, s6;
	s4 =	sadd.s32 $0x4E00, s6;
	s11 =	smul.u32 $0x4E20, s9;
	v16 =	vor.u32 $0x100, v0;
	v17 =	vor.u32 $0x200, v1;
	v18 =	vor.u32 $0x101, v0  }
0xa: {  	s5 =	sadd.s32 $0x5000, s6;
	p0 =	sne.s32 s10, $0x0;
	s13 =	smul.u32 $0x2710, s9;
	v19 =	vor.u32 $0x201, v1;
	v20 =	vor.u32 $0x102, v0;
	v21 =	vor.u32 $0x202, v1  }
0xb: {  	_ =	strace $0x80000047;
	s28 =	ssub.s32 $0x2, s9;
	s9 =	smul.u32 $0xEA6, s9;
	v22 =	vor.u32 $0x103, v0;
	v23 =	vor.u32 $0x203, v1;
	v24 =	vor.u32 $0x180, v0  }
0xc: {  	s10 =	sshrl.u32 @!p0 s1, $0x3;
	s12 =	sadd.s32 s7, s6;
	s29 =	sshrl.u32 s28, $0x1;
	v25 =	vor.u32 $0x300, v1;
	v26 =	vor.u32 $0x181, v0;
	v27 =	vor.u32 $0x301, v1  }
0xd: {  	s31 =	sadd.s32 s14, s8;
	v28 =	vor.u32 $0x182, v0;
	v29 =	vor.u32 $0x302, v1;
	v30 =	vor.u32 $0x183, v0;
	s14 =	simm.s32 $0x138A0;
	s6 =	sadd.s32 s11, s6  }
0xe: {  	v31 =	vor.u32 $0x303, v1;
	v32 =	vor.u32 $0x200, v0;
	v33 =	vor.u32 $0x400, v1;
	s7 =	ssub.s32 s28, s29;
	s30 =	sadd.s32 s13, s12;
	s9 =	sadd.s32 s9, s31  }
0xf: {  	v34 =	vor.u32 $0x201, v0;
	v35 =	vor.u32 $0x401, v1;
	v36 =	vor.u32 $0x202, v0;
	s11 =	simm.s32 $0x13C10;
	s12 =	simm.s32 $0x1;
	s13 =	simm.s32 $0x13880  }
0x10: {  	v37 =	vor.u32 $0x402, v1;
	v38 =	vor.u32 $0x203, v0;
	v39 =	vor.u32 $0x403, v1;
	s6 =	sadd.s32 $0xA000, s6;
	s7 =	smax.u32 s7, $0x1;
	s8 =	sadd.s32 $0x13E00, s30  }
.LBB2_1:
0x11: {  	s19 =	simm.s32 @!p0 $0x1C01  }
0x12: {  	[spmem:s10], [sflag:s19] =	dma.local @!p0 [hbm:s5], $0x4E20  }
0x13: {  	s19 =	simm.s32 @!p0 $0x1  }
0x14: {  	_ =	swait.ge @!p0 [sflag:s19], $0x4E20  }
0x15: {  	[sflag:s19] =	ssyncset.done @!p0 $0x0  }
0x16: {  	[sflag:s19] =	ssyncadd.s32 @!p0 $0xFFFFB1E0  }
0x17: {  	[tilespmem:s11], [sflag:$0x1] =	stream.linear.gather [hbm4b:s5+s2], $0x500, $0x38;
	[tilespmem:$0x16820] =	vst v63  }
0x18: {  	_ =	swait.ge [sflag:s12], $0x500  }
0x19: {  	[sflag:s12] =	ssyncset.done $0x0  }
0x1a: {  	[sflag:s12] =	ssyncadd.s32 $0xFFFFFB00  }
0x1b: {  	[tilespmem:s2], [sflag:$0x1] =	stream.linear.gather [hbm4b:s3+s2], $0x13880, $0x38;
	[tilespmem:$0x16820] =	vst v63  }
0x1c: {  	_ =	swait.ge [sflag:s12], $0x13880  }
0x1d: {  	[sflag:s12] =	ssyncset.done $0x0  }
0x1e: {  	[sflag:s12] =	ssyncadd.s32 $0xFFFEC780  }
0x1f: {  	[tilespmem:s13], [sflag:$0x1] =	stream.linear.gather [hbm4b:s4+s2], $0x20, $0x38;
	[tilespmem:$0x16820] =	vst v63  }
0x20: {  	_ =	swait.ge [sflag:s12], $0x20  }
0x21: {  	[sflag:s12] =	ssyncset.done $0x0  }
0x22: {  	[sflag:s12] =	ssyncadd.s32 $0xFFFFFFE0  }
0x23: {  	s20 =	simm.s32 $0x0;
	s19 =	smov.u32 s8;
	[bflag:$0x0] =	sbarrier.arrive $0xFFFF  }
.LBB2_2:
0x24: {  	s21 =	sadd.s32 s20, s9  }
0x25: {  	[tilespmem:s14], [sflag:$0x1] =	stream.linear.gather [hbm4b:s21+s2], $0xF0, $0x38;
	[tilespmem:$0x16820] =	vst v63  }
0x26: {  	_ =	swait.ge [sflag:s12], $0xF0  }
0x27: {  	[sflag:s12] =	ssyncset.done $0x0  }
0x28: {  	[sflag:s12] =	ssyncadd.s32 $0xFFFFFF10  }
0x29: {  	v40 =	vld [tilespmem:$0x138A0]  }
0x2a: {  	v41 =	vld [tilespmem:$0x138F0];
	_ =	sdelay $0x2  }
0x2b: {  	v42 =	vld [tilespmem:$0x13940];
	_ =	sdelay $0x1  }
0x2c: {  	v40 =	vshll.u32 v40, $0x3;
	v41 =	vshll.u32 v41, $0x3  }
0x2d: {  	v43 =	vor.u32 $0x4, v41;
	_ =	sdelay $0x1  }
0x2e: {  	v42 =	vshll.u32 v42, $0x2;
	_ =	sdelay $0x1  }
0x2f: {  	v44 =	vld.idx.msk [tilespmem:v40+s2+$0x0], $0xffff  }
0x30: {  	v43 =	vld.idx.msk [tilespmem:v43+s2+$0x0], $0xffff;
	_ =	sdelay $0x1  }
0x31: {  	v45 =	vld.idx.msk [tilespmem:v42+s13+$0x0], $0xffff;
	_ =	sdelay $0x2  }
0x32: {  	v44 =	vadd.f32 v43, v44;
	_ =	sdelay $0x1  }
0x33: {  	v44 =	vadd.f32 v45, v44;
	_ =	sdelay $0x1  }
0x34: {  	v46 =	vmul.f32 $2.000000030e-01, v43;
	v45 =	vmul.f32 $2.000000030e-01, v44;
	_ =	sdelay $0x1  }
0x35: {  	v43 =	vmax.f32 v43, v46;
	v44 =	vmax.f32 v44, v45  }
0x36: {  	v43 =	vsub.f32 v44, v43;
	_ =	sdelay $0x1  }
0x37: {  	v43 =	vmul.f32 $1.442695020e+00, v43;
	_ =	sdelay $0x1  }
0x38: {  	(erf) = vpow2.f32 v43;
	_ =	sdelay $0x6  }
0x39: {  	v54 =	vor.u32 $0x1, v40  }
0x3a: {  	v55 =	vor.u32 $0x5, v41  }
0x3b: {  	v56 =	vpop (erf)  }
0x3c: {  	v57 =	vor.u32 $0x1, v42;
	[tilespmem:v0+s15+$0x0] =	vst.idx.msk $0xffff, v56  }
0x3d: {  	[tilespmem:v1+s11+$0x0] =	vst.idx.msk $0xffff, v56  }
0x3e: {  	v43 =	vld.idx.msk [tilespmem:v54+s2+$0x0], $0xffff  }
0x3f: {  	v44 =	vld.idx.msk [tilespmem:v55+s2+$0x0], $0xffff;
	_ =	sdelay $0x1  }
0x40: {  	v45 =	vld.idx.msk [tilespmem:v57+s13+$0x0], $0xffff;
	_ =	sdelay $0x2  }
0x41: {  	v43 =	vadd.f32 v44, v43;
	_ =	sdelay $0x1  }
0x42: {  	v43 =	vadd.f32 v45, v43;
	_ =	sdelay $0x1  }
0x43: {  	v58 =	vmul.f32 $2.000000030e-01, v44;
	v45 =	vmul.f32 $2.000000030e-01, v43;
	_ =	sdelay $0x1  }
0x44: {  	v44 =	vmax.f32 v44, v58;
	v43 =	vmax.f32 v43, v45  }
0x45: {  	v43 =	vsub.f32 v43, v44;
	_ =	sdelay $0x1  }
0x46: {  	v43 =	vmul.f32 $1.442695020e+00, v43;
	_ =	sdelay $0x1  }
0x47: {  	(erf) = vpow2.f32 v43;
	_ =	sdelay $0x6  }
0x48: {  	v59 =	vor.u32 $0x2, v40  }
0x49: {  	v60 =	vor.u32 $0x6, v41  }
0x4a: {  	v61 =	vpop (erf)  }
0x4b: {  	v62 =	vor.u32 $0x2, v42;
	[tilespmem:v2+s15+$0x0] =	vst.idx.msk $0xffff, v61  }
0x4c: {  	[tilespmem:v3+s11+$0x0] =	vst.idx.msk $0xffff, v61  }
0x4d: {  	v43 =	vld.idx.msk [tilespmem:v59+s2+$0x0], $0xffff  }
0x4e: {  	v44 =	vld.idx.msk [tilespmem:v60+s2+$0x0], $0xffff;
	_ =	sdelay $0x1  }
0x4f: {  	v45 =	vld.idx.msk [tilespmem:v62+s13+$0x0], $0xffff;
	_ =	sdelay $0x2  }
0x50: {  	v43 =	vadd.f32 v44, v43;
	_ =	sdelay $0x1  }
0x51: {  	v43 =	vadd.f32 v45, v43;
	_ =	sdelay $0x1  }
0x52: {  	v63 =	vmul.f32 $2.000000030e-01, v44;
	v45 =	vmul.f32 $2.000000030e-01, v43;
	_ =	sdelay $0x1  }
0x53: {  	v44 =	vmax.f32 v44, v63;
	v43 =	vmax.f32 v43, v45  }
0x54: {  	v43 =	vsub.f32 v43, v44;
	_ =	sdelay $0x1  }
0x55: {  	v43 =	vmul.f32 $1.442695020e+00, v43;
	_ =	sdelay $0x1  }
0x56: {  	(erf) = vpow2.f32 v43;
	_ =	sdelay $0x6  }
0x57: {  	v40 =	vor.u32 $0x3, v40  }
0x58: {  	v41 =	vor.u32 $0x7, v41  }
0x59: {  	v43 =	vpop (erf)  }
0x5a: {  	v42 =	vor.u32 $0x3, v42;
	[tilespmem:v4+s15+$0x0] =	vst.idx.msk $0xffff, v43  }
0x5b: {  	[tilespmem:v5+s11+$0x0] =	vst.idx.msk $0xffff, v43  }
0x5c: {  	v40 =	vld.idx.msk [tilespmem:v40+s2+$0x0], $0xffff  }
0x5d: {  	v41 =	vld.idx.msk [tilespmem:v41+s2+$0x0], $0xffff;
	_ =	sdelay $0x1  }
0x5e: {  	v42 =	vld.idx.msk [tilespmem:v42+s13+$0x0], $0xffff;
	_ =	sdelay $0x2  }
0x5f: {  	v40 =	vadd.f32 v41, v40;
	_ =	sdelay $0x1  }
0x60: {  	v40 =	vadd.f32 v42, v40;
	_ =	sdelay $0x1  }
0x61: {  	v47 =	vmul.f32 $2.000000030e-01, v41;
	v42 =	vmul.f32 $2.000000030e-01, v40;
	_ =	sdelay $0x1  }
0x62: {  	v41 =	vmax.f32 v41, v47;
	v40 =	vmax.f32 v40, v42  }
0x63: {  	v40 =	vsub.f32 v40, v41;
	_ =	sdelay $0x1  }
0x64: {  	v40 =	vmul.f32 $1.442695020e+00, v40;
	_ =	sdelay $0x1  }
0x65: {  	(erf) = vpow2.f32 v40;
	_ =	sdelay $0x8  }
0x66: {  	v40 =	vpop (erf)  }
0x67: {  	[tilespmem:v6+s15+$0x0] =	vst.idx.msk $0xffff, v40  }
0x68: {  	[tilespmem:v7+s11+$0x0] =	vst.idx.msk $0xffff, v40  }
0x69: {  	v40 =	vld [tilespmem:$0x138B0]  }
0x6a: {  	v48 =	vld [tilespmem:$0x13900];
	_ =	sdelay $0x2  }
0x6b: {  	v49 =	vld [tilespmem:$0x13950];
	_ =	sdelay $0x1  }
0x6c: {  	v40 =	vshll.u32 v40, $0x3;
	v41 =	vshll.u32 v48, $0x3  }
0x6d: {  	v50 =	vor.u32 $0x4, v41;
	_ =	sdelay $0x1  }
0x6e: {  	v42 =	vshll.u32 v49, $0x2;
	_ =	sdelay $0x1  }
0x6f: {  	v51 =	vld.idx.msk [tilespmem:v40+s2+$0x0], $0xffff  }
0x70: {  	v43 =	vld.idx.msk [tilespmem:v50+s2+$0x0], $0xffff;
	_ =	sdelay $0x1  }
0x71: {  	v52 =	vld.idx.msk [tilespmem:v42+s13+$0x0], $0xffff;
	_ =	sdelay $0x2  }
0x72: {  	v44 =	vadd.f32 v43, v51;
	_ =	sdelay $0x1  }
0x73: {  	v44 =	vadd.f32 v52, v44;
	_ =	sdelay $0x1  }
0x74: {  	v53 =	vmul.f32 $2.000000030e-01, v43;
	v45 =	vmul.f32 $2.000000030e-01, v44;
	_ =	sdelay $0x1  }
0x75: {  	v43 =	vmax.f32 v43, v53;
	v44 =	vmax.f32 v44, v45  }
0x76: {  	v43 =	vsub.f32 v44, v43;
	_ =	sdelay $0x1  }
0x77: {  	v43 =	vmul.f32 $1.442695020e+00, v43;
	_ =	sdelay $0x1  }
0x78: {  	(erf) = vpow2.f32 v43;
	_ =	sdelay $0x6  }
0x79: {  	v54 =	vor.u32 $0x1, v40  }
0x7a: {  	v55 =	vor.u32 $0x5, v41  }
0x7b: {  	v56 =	vpop (erf)  }
0x7c: {  	v57 =	vor.u32 $0x1, v42;
	[tilespmem:v8+s15+$0x0] =	vst.idx.msk $0xffff, v56  }
0x7d: {  	[tilespmem:v9+s11+$0x0] =	vst.idx.msk $0xffff, v56  }
0x7e: {  	v43 =	vld.idx.msk [tilespmem:v54+s2+$0x0], $0xffff  }
0x7f: {  	v44 =	vld.idx.msk [tilespmem:v55+s2+$0x0], $0xffff;
	_ =	sdelay $0x1  }
0x80: {  	v45 =	vld.idx.msk [tilespmem:v57+s13+$0x0], $0xffff;
	_ =	sdelay $0x2  }
0x81: {  	v43 =	vadd.f32 v44, v43;
	_ =	sdelay $0x1  }
0x82: {  	v43 =	vadd.f32 v45, v43;
	_ =	sdelay $0x1  }
0x83: {  	v58 =	vmul.f32 $2.000000030e-01, v44;
	v45 =	vmul.f32 $2.000000030e-01, v43;
	_ =	sdelay $0x1  }
0x84: {  	v44 =	vmax.f32 v44, v58;
	v43 =	vmax.f32 v43, v45  }
0x85: {  	v43 =	vsub.f32 v43, v44;
	_ =	sdelay $0x1  }
0x86: {  	v43 =	vmul.f32 $1.442695020e+00, v43;
	_ =	sdelay $0x1  }
0x87: {  	(erf) = vpow2.f32 v43;
	_ =	sdelay $0x6  }
0x88: {  	v59 =	vor.u32 $0x2, v40  }
0x89: {  	v60 =	vor.u32 $0x6, v41  }
0x8a: {  	v61 =	vpop (erf)  }
0x8b: {  	v62 =	vor.u32 $0x2, v42;
	[tilespmem:v10+s15+$0x0] =	vst.idx.msk $0xffff, v61  }
0x8c: {  	[tilespmem:v11+s11+$0x0] =	vst.idx.msk $0xffff, v61  }
0x8d: {  	v43 =	vld.idx.msk [tilespmem:v59+s2+$0x0], $0xffff  }
0x8e: {  	v44 =	vld.idx.msk [tilespmem:v60+s2+$0x0], $0xffff;
	_ =	sdelay $0x1  }
0x8f: {  	v45 =	vld.idx.msk [tilespmem:v62+s13+$0x0], $0xffff;
	_ =	sdelay $0x2  }
0x90: {  	v43 =	vadd.f32 v44, v43;
	_ =	sdelay $0x1  }
0x91: {  	v43 =	vadd.f32 v45, v43;
	_ =	sdelay $0x1  }
0x92: {  	v63 =	vmul.f32 $2.000000030e-01, v44;
	v45 =	vmul.f32 $2.000000030e-01, v43;
	_ =	sdelay $0x1  }
0x93: {  	v44 =	vmax.f32 v44, v63;
	v43 =	vmax.f32 v43, v45  }
0x94: {  	v43 =	vsub.f32 v43, v44;
	_ =	sdelay $0x1  }
0x95: {  	v43 =	vmul.f32 $1.442695020e+00, v43;
	_ =	sdelay $0x1  }
0x96: {  	(erf) = vpow2.f32 v43;
	_ =	sdelay $0x6  }
0x97: {  	v40 =	vor.u32 $0x3, v40  }
0x98: {  	v41 =	vor.u32 $0x7, v41  }
0x99: {  	v43 =	vpop (erf)  }
0x9a: {  	v42 =	vor.u32 $0x3, v42;
	[tilespmem:v12+s15+$0x0] =	vst.idx.msk $0xffff, v43  }
0x9b: {  	[tilespmem:v13+s11+$0x0] =	vst.idx.msk $0xffff, v43  }
0x9c: {  	v40 =	vld.idx.msk [tilespmem:v40+s2+$0x0], $0xffff  }
0x9d: {  	v41 =	vld.idx.msk [tilespmem:v41+s2+$0x0], $0xffff;
	_ =	sdelay $0x1  }
0x9e: {  	v42 =	vld.idx.msk [tilespmem:v42+s13+$0x0], $0xffff;
	_ =	sdelay $0x2  }
0x9f: {  	v40 =	vadd.f32 v41, v40;
	_ =	sdelay $0x1  }
0xa0: {  	v40 =	vadd.f32 v42, v40;
	_ =	sdelay $0x1  }
0xa1: {  	v47 =	vmul.f32 $2.000000030e-01, v41;
	v42 =	vmul.f32 $2.000000030e-01, v40;
	_ =	sdelay $0x1  }
0xa2: {  	v41 =	vmax.f32 v41, v47;
	v40 =	vmax.f32 v40, v42  }
0xa3: {  	v40 =	vsub.f32 v40, v41;
	_ =	sdelay $0x1  }
0xa4: {  	v40 =	vmul.f32 $1.442695020e+00, v40;
	_ =	sdelay $0x1  }
0xa5: {  	(erf) = vpow2.f32 v40;
	_ =	sdelay $0x8  }
0xa6: {  	v40 =	vpop (erf)  }
0xa7: {  	[tilespmem:v14+s15+$0x0] =	vst.idx.msk $0xffff, v40  }
0xa8: {  	[tilespmem:v15+s11+$0x0] =	vst.idx.msk $0xffff, v40  }
0xa9: {  	v40 =	vld [tilespmem:$0x138C0]  }
0xaa: {  	v48 =	vld [tilespmem:$0x13910];
	_ =	sdelay $0x2  }
0xab: {  	v49 =	vld [tilespmem:$0x13960];
	_ =	sdelay $0x1  }
0xac: {  	v40 =	vshll.u32 v40, $0x3;
	v41 =	vshll.u32 v48, $0x3  }
0xad: {  	v50 =	vor.u32 $0x4, v41;
	_ =	sdelay $0x1  }
0xae: {  	v42 =	vshll.u32 v49, $0x2;
	_ =	sdelay $0x1  }
0xaf: {  	v51 =	vld.idx.msk [tilespmem:v40+s2+$0x0], $0xffff  }
0xb0: {  	v43 =	vld.idx.msk [tilespmem:v50+s2+$0x0], $0xffff;
	_ =	sdelay $0x1  }
0xb1: {  	v52 =	vld.idx.msk [tilespmem:v42+s13+$0x0], $0xffff;
	_ =	sdelay $0x2  }
0xb2: {  	v44 =	vadd.f32 v43, v51;
	_ =	sdelay $0x1  }
0xb3: {  	v44 =	vadd.f32 v52, v44;
	_ =	sdelay $0x1  }
0xb4: {  	v53 =	vmul.f32 $2.000000030e-01, v43;
	v45 =	vmul.f32 $2.000000030e-01, v44;
	_ =	sdelay $0x1  }
0xb5: {  	v43 =	vmax.f32 v43, v53;
	v44 =	vmax.f32 v44, v45  }
0xb6: {  	v43 =	vsub.f32 v44, v43;
	_ =	sdelay $0x1  }
0xb7: {  	v43 =	vmul.f32 $1.442695020e+00, v43;
	_ =	sdelay $0x1  }
0xb8: {  	(erf) = vpow2.f32 v43;
	_ =	sdelay $0x6  }
0xb9: {  	v54 =	vor.u32 $0x1, v40  }
0xba: {  	v55 =	vor.u32 $0x5, v41  }
0xbb: {  	v56 =	vpop (erf)  }
0xbc: {  	v57 =	vor.u32 $0x1, v42;
	[tilespmem:v16+s15+$0x0] =	vst.idx.msk $0xffff, v56  }
0xbd: {  	[tilespmem:v17+s11+$0x0] =	vst.idx.msk $0xffff, v56  }
0xbe: {  	v43 =	vld.idx.msk [tilespmem:v54+s2+$0x0], $0xffff  }
0xbf: {  	v44 =	vld.idx.msk [tilespmem:v55+s2+$0x0], $0xffff;
	_ =	sdelay $0x1  }
0xc0: {  	v45 =	vld.idx.msk [tilespmem:v57+s13+$0x0], $0xffff;
	_ =	sdelay $0x2  }
0xc1: {  	v43 =	vadd.f32 v44, v43;
	_ =	sdelay $0x1  }
0xc2: {  	v43 =	vadd.f32 v45, v43;
	_ =	sdelay $0x1  }
0xc3: {  	v58 =	vmul.f32 $2.000000030e-01, v44;
	v45 =	vmul.f32 $2.000000030e-01, v43;
	_ =	sdelay $0x1  }
0xc4: {  	v44 =	vmax.f32 v44, v58;
	v43 =	vmax.f32 v43, v45  }
0xc5: {  	v43 =	vsub.f32 v43, v44;
	_ =	sdelay $0x1  }
0xc6: {  	v43 =	vmul.f32 $1.442695020e+00, v43;
	_ =	sdelay $0x1  }
0xc7: {  	(erf) = vpow2.f32 v43;
	_ =	sdelay $0x6  }
0xc8: {  	v59 =	vor.u32 $0x2, v40  }
0xc9: {  	v60 =	vor.u32 $0x6, v41  }
0xca: {  	v61 =	vpop (erf)  }
0xcb: {  	v62 =	vor.u32 $0x2, v42;
	[tilespmem:v18+s15+$0x0] =	vst.idx.msk $0xffff, v61  }
0xcc: {  	[tilespmem:v19+s11+$0x0] =	vst.idx.msk $0xffff, v61  }
0xcd: {  	v43 =	vld.idx.msk [tilespmem:v59+s2+$0x0], $0xffff  }
0xce: {  	v44 =	vld.idx.msk [tilespmem:v60+s2+$0x0], $0xffff;
	_ =	sdelay $0x1  }
0xcf: {  	v45 =	vld.idx.msk [tilespmem:v62+s13+$0x0], $0xffff;
	_ =	sdelay $0x2  }
0xd0: {  	v43 =	vadd.f32 v44, v43;
	_ =	sdelay $0x1  }
0xd1: {  	v43 =	vadd.f32 v45, v43;
	_ =	sdelay $0x1  }
0xd2: {  	v63 =	vmul.f32 $2.000000030e-01, v44;
	v45 =	vmul.f32 $2.000000030e-01, v43;
	_ =	sdelay $0x1  }
0xd3: {  	v44 =	vmax.f32 v44, v63;
	v43 =	vmax.f32 v43, v45  }
0xd4: {  	v43 =	vsub.f32 v43, v44;
	_ =	sdelay $0x1  }
0xd5: {  	v43 =	vmul.f32 $1.442695020e+00, v43;
	_ =	sdelay $0x1  }
0xd6: {  	(erf) = vpow2.f32 v43;
	_ =	sdelay $0x6  }
0xd7: {  	v40 =	vor.u32 $0x3, v40  }
0xd8: {  	v41 =	vor.u32 $0x7, v41  }
0xd9: {  	v43 =	vpop (erf)  }
0xda: {  	v42 =	vor.u32 $0x3, v42;
	[tilespmem:v20+s15+$0x0] =	vst.idx.msk $0xffff, v43  }
0xdb: {  	[tilespmem:v21+s11+$0x0] =	vst.idx.msk $0xffff, v43  }
0xdc: {  	v40 =	vld.idx.msk [tilespmem:v40+s2+$0x0], $0xffff  }
0xdd: {  	v41 =	vld.idx.msk [tilespmem:v41+s2+$0x0], $0xffff;
	_ =	sdelay $0x1  }
0xde: {  	v42 =	vld.idx.msk [tilespmem:v42+s13+$0x0], $0xffff;
	_ =	sdelay $0x2  }
0xdf: {  	v40 =	vadd.f32 v41, v40;
	_ =	sdelay $0x1  }
0xe0: {  	v40 =	vadd.f32 v42, v40;
	_ =	sdelay $0x1  }
0xe1: {  	v47 =	vmul.f32 $2.000000030e-01, v41;
	v42 =	vmul.f32 $2.000000030e-01, v40;
	_ =	sdelay $0x1  }
0xe2: {  	v41 =	vmax.f32 v41, v47;
	v40 =	vmax.f32 v40, v42  }
0xe3: {  	v40 =	vsub.f32 v40, v41;
	_ =	sdelay $0x1  }
0xe4: {  	v40 =	vmul.f32 $1.442695020e+00, v40;
	_ =	sdelay $0x1  }
0xe5: {  	(erf) = vpow2.f32 v40;
	_ =	sdelay $0x8  }
0xe6: {  	v40 =	vpop (erf)  }
0xe7: {  	[tilespmem:v22+s15+$0x0] =	vst.idx.msk $0xffff, v40  }
0xe8: {  	[tilespmem:v23+s11+$0x0] =	vst.idx.msk $0xffff, v40  }
0xe9: {  	v40 =	vld [tilespmem:$0x138D0]  }
0xea: {  	v48 =	vld [tilespmem:$0x13920];
	_ =	sdelay $0x2  }
0xeb: {  	v49 =	vld [tilespmem:$0x13970];
	_ =	sdelay $0x1  }
0xec: {  	v40 =	vshll.u32 v40, $0x3;
	v41 =	vshll.u32 v48, $0x3  }
0xed: {  	v50 =	vor.u32 $0x4, v41;
	_ =	sdelay $0x1  }
0xee: {  	v42 =	vshll.u32 v49, $0x2;
	_ =	sdelay $0x1  }
0xef: {  	v51 =	vld.idx.msk [tilespmem:v40+s2+$0x0], $0xffff  }
0xf0: {  	v43 =	vld.idx.msk [tilespmem:v50+s2+$0x0], $0xffff;
	_ =	sdelay $0x1  }
0xf1: {  	v52 =	vld.idx.msk [tilespmem:v42+s13+$0x0], $0xffff;
	_ =	sdelay $0x2  }
0xf2: {  	v44 =	vadd.f32 v43, v51;
	_ =	sdelay $0x1  }
0xf3: {  	v44 =	vadd.f32 v52, v44;
	_ =	sdelay $0x1  }
0xf4: {  	v53 =	vmul.f32 $2.000000030e-01, v43;
	v45 =	vmul.f32 $2.000000030e-01, v44;
	_ =	sdelay $0x1  }
0xf5: {  	v43 =	vmax.f32 v43, v53;
	v44 =	vmax.f32 v44, v45  }
0xf6: {  	v43 =	vsub.f32 v44, v43;
	_ =	sdelay $0x1  }
0xf7: {  	v43 =	vmul.f32 $1.442695020e+00, v43;
	_ =	sdelay $0x1  }
0xf8: {  	(erf) = vpow2.f32 v43;
	_ =	sdelay $0x6  }
0xf9: {  	v54 =	vor.u32 $0x1, v40  }
0xfa: {  	v55 =	vor.u32 $0x5, v41  }
0xfb: {  	v56 =	vpop (erf)  }
0xfc: {  	v57 =	vor.u32 $0x1, v42;
	[tilespmem:v24+s15+$0x0] =	vst.idx.msk $0xffff, v56  }
0xfd: {  	[tilespmem:v25+s11+$0x0] =	vst.idx.msk $0xffff, v56  }
0xfe: {  	v43 =	vld.idx.msk [tilespmem:v54+s2+$0x0], $0xffff  }
0xff: {  	v44 =	vld.idx.msk [tilespmem:v55+s2+$0x0], $0xffff;
	_ =	sdelay $0x1  }
0x100: {  	v45 =	vld.idx.msk [tilespmem:v57+s13+$0x0], $0xffff;
	_ =	sdelay $0x2  }
0x101: {  	v43 =	vadd.f32 v44, v43;
	_ =	sdelay $0x1  }
0x102: {  	v43 =	vadd.f32 v45, v43;
	_ =	sdelay $0x1  }
0x103: {  	v58 =	vmul.f32 $2.000000030e-01, v44;
	v45 =	vmul.f32 $2.000000030e-01, v43;
	_ =	sdelay $0x1  }
0x104: {  	v44 =	vmax.f32 v44, v58;
	v43 =	vmax.f32 v43, v45  }
0x105: {  	v43 =	vsub.f32 v43, v44;
	_ =	sdelay $0x1  }
0x106: {  	v43 =	vmul.f32 $1.442695020e+00, v43;
	_ =	sdelay $0x1  }
0x107: {  	(erf) = vpow2.f32 v43;
	_ =	sdelay $0x6  }
0x108: {  	v59 =	vor.u32 $0x2, v40  }
0x109: {  	v60 =	vor.u32 $0x6, v41  }
0x10a: {  	v61 =	vpop (erf)  }
0x10b: {  	v62 =	vor.u32 $0x2, v42;
	[tilespmem:v26+s15+$0x0] =	vst.idx.msk $0xffff, v61  }
0x10c: {  	[tilespmem:v27+s11+$0x0] =	vst.idx.msk $0xffff, v61  }
0x10d: {  	v43 =	vld.idx.msk [tilespmem:v59+s2+$0x0], $0xffff  }
0x10e: {  	v44 =	vld.idx.msk [tilespmem:v60+s2+$0x0], $0xffff;
	_ =	sdelay $0x1  }
0x10f: {  	v45 =	vld.idx.msk [tilespmem:v62+s13+$0x0], $0xffff;
	_ =	sdelay $0x2  }
0x110: {  	v43 =	vadd.f32 v44, v43;
	_ =	sdelay $0x1  }
0x111: {  	v43 =	vadd.f32 v45, v43;
	_ =	sdelay $0x1  }
0x112: {  	v63 =	vmul.f32 $2.000000030e-01, v44;
	v45 =	vmul.f32 $2.000000030e-01, v43;
	_ =	sdelay $0x1  }
0x113: {  	v44 =	vmax.f32 v44, v63;
	v43 =	vmax.f32 v43, v45  }
0x114: {  	v43 =	vsub.f32 v43, v44;
	_ =	sdelay $0x1  }
0x115: {  	v43 =	vmul.f32 $1.442695020e+00, v43;
	_ =	sdelay $0x1  }
0x116: {  	(erf) = vpow2.f32 v43;
	_ =	sdelay $0x6  }
0x117: {  	v40 =	vor.u32 $0x3, v40  }
0x118: {  	v41 =	vor.u32 $0x7, v41  }
0x119: {  	v43 =	vpop (erf)  }
0x11a: {  	v42 =	vor.u32 $0x3, v42;
	[tilespmem:v28+s15+$0x0] =	vst.idx.msk $0xffff, v43  }
0x11b: {  	[tilespmem:v29+s11+$0x0] =	vst.idx.msk $0xffff, v43  }
0x11c: {  	v40 =	vld.idx.msk [tilespmem:v40+s2+$0x0], $0xffff  }
0x11d: {  	v41 =	vld.idx.msk [tilespmem:v41+s2+$0x0], $0xffff;
	_ =	sdelay $0x1  }
0x11e: {  	v42 =	vld.idx.msk [tilespmem:v42+s13+$0x0], $0xffff;
	_ =	sdelay $0x2  }
0x11f: {  	v40 =	vadd.f32 v41, v40;
	_ =	sdelay $0x1  }
0x120: {  	v40 =	vadd.f32 v42, v40;
	_ =	sdelay $0x1  }
0x121: {  	v46 =	vmul.f32 $2.000000030e-01, v41;
	v42 =	vmul.f32 $2.000000030e-01, v40;
	_ =	sdelay $0x1  }
0x122: {  	v41 =	vmax.f32 v41, v46;
	v40 =	vmax.f32 v40, v42  }
0x123: {  	v40 =	vsub.f32 v40, v41;
	_ =	sdelay $0x1  }
0x124: {  	v40 =	vmul.f32 $1.442695020e+00, v40;
	_ =	sdelay $0x1  }
0x125: {  	(erf) = vpow2.f32 v40;
	_ =	sdelay $0x8  }
0x126: {  	v40 =	vpop (erf)  }
0x127: {  	[tilespmem:v30+s15+$0x0] =	vst.idx.msk $0xffff, v40  }
0x128: {  	[tilespmem:v31+s11+$0x0] =	vst.idx.msk $0xffff, v40  }
0x129: {  	v40 =	vld [tilespmem:$0x138E0]  }
0x12a: {  	v47 =	vld [tilespmem:$0x13930];
	_ =	sdelay $0x2  }
0x12b: {  	v48 =	vld [tilespmem:$0x13980];
	_ =	sdelay $0x1  }
0x12c: {  	v40 =	vshll.u32 v40, $0x3;
	v41 =	vshll.u32 v47, $0x3  }
0x12d: {  	v49 =	vor.u32 $0x4, v41;
	_ =	sdelay $0x1  }
0x12e: {  	v42 =	vshll.u32 v48, $0x2;
	_ =	sdelay $0x1  }
0x12f: {  	v50 =	vld.idx.msk [tilespmem:v40+s2+$0x0], $0xffff  }
0x130: {  	v43 =	vld.idx.msk [tilespmem:v49+s2+$0x0], $0xffff;
	_ =	sdelay $0x1  }
0x131: {  	v51 =	vld.idx.msk [tilespmem:v42+s13+$0x0], $0xffff;
	_ =	sdelay $0x2  }
0x132: {  	v44 =	vadd.f32 v43, v50;
	_ =	sdelay $0x1  }
0x133: {  	v44 =	vadd.f32 v51, v44;
	_ =	sdelay $0x1  }
0x134: {  	v52 =	vmul.f32 $2.000000030e-01, v43;
	v45 =	vmul.f32 $2.000000030e-01, v44;
	_ =	sdelay $0x1  }
0x135: {  	v43 =	vmax.f32 v43, v52;
	v44 =	vmax.f32 v44, v45  }
0x136: {  	v43 =	vsub.f32 v44, v43;
	_ =	sdelay $0x1  }
0x137: {  	v43 =	vmul.f32 $1.442695020e+00, v43;
	_ =	sdelay $0x1  }
0x138: {  	(erf) = vpow2.f32 v43;
	_ =	sdelay $0x6  }
0x139: {  	v53 =	vor.u32 $0x1, v40  }
0x13a: {  	v54 =	vor.u32 $0x5, v41  }
0x13b: {  	v55 =	vpop (erf)  }
0x13c: {  	v56 =	vor.u32 $0x1, v42;
	[tilespmem:v32+s15+$0x0] =	vst.idx.msk $0xffff, v55  }
0x13d: {  	[tilespmem:v33+s11+$0x0] =	vst.idx.msk $0xffff, v55  }
0x13e: {  	v43 =	vld.idx.msk [tilespmem:v53+s2+$0x0], $0xffff  }
0x13f: {  	v44 =	vld.idx.msk [tilespmem:v54+s2+$0x0], $0xffff;
	_ =	sdelay $0x1  }
0x140: {  	v45 =	vld.idx.msk [tilespmem:v56+s13+$0x0], $0xffff;
	_ =	sdelay $0x2  }
0x141: {  	v43 =	vadd.f32 v44, v43;
	_ =	sdelay $0x1  }
0x142: {  	v43 =	vadd.f32 v45, v43;
	_ =	sdelay $0x1  }
0x143: {  	v57 =	vmul.f32 $2.000000030e-01, v44;
	v45 =	vmul.f32 $2.000000030e-01, v43;
	_ =	sdelay $0x1  }
0x144: {  	v44 =	vmax.f32 v44, v57;
	v43 =	vmax.f32 v43, v45  }
0x145: {  	v43 =	vsub.f32 v43, v44;
	_ =	sdelay $0x1  }
0x146: {  	v43 =	vmul.f32 $1.442695020e+00, v43;
	_ =	sdelay $0x1  }
0x147: {  	(erf) = vpow2.f32 v43;
	_ =	sdelay $0x6  }
0x148: {  	v58 =	vor.u32 $0x2, v40  }
0x149: {  	v59 =	vor.u32 $0x6, v41  }
0x14a: {  	v60 =	vpop (erf)  }
0x14b: {  	v61 =	vor.u32 $0x2, v42;
	[tilespmem:v34+s15+$0x0] =	vst.idx.msk $0xffff, v60  }
0x14c: {  	[tilespmem:v35+s11+$0x0] =	vst.idx.msk $0xffff, v60  }
0x14d: {  	v43 =	vld.idx.msk [tilespmem:v58+s2+$0x0], $0xffff  }
0x14e: {  	v44 =	vld.idx.msk [tilespmem:v59+s2+$0x0], $0xffff;
	_ =	sdelay $0x1  }
0x14f: {  	v45 =	vld.idx.msk [tilespmem:v61+s13+$0x0], $0xffff;
	_ =	sdelay $0x2  }
0x150: {  	v43 =	vadd.f32 v44, v43;
	_ =	sdelay $0x1  }
0x151: {  	v43 =	vadd.f32 v45, v43;
	_ =	sdelay $0x1  }
0x152: {  	v62 =	vmul.f32 $2.000000030e-01, v44;
	v45 =	vmul.f32 $2.000000030e-01, v43;
	_ =	sdelay $0x1  }
0x153: {  	v44 =	vmax.f32 v44, v62;
	v43 =	vmax.f32 v43, v45  }
0x154: {  	v43 =	vsub.f32 v43, v44;
	_ =	sdelay $0x1  }
0x155: {  	v43 =	vmul.f32 $1.442695020e+00, v43;
	_ =	sdelay $0x1  }
0x156: {  	(erf) = vpow2.f32 v43;
	_ =	sdelay $0x6  }
0x157: {  	v40 =	vor.u32 $0x3, v40  }
0x158: {  	v41 =	vor.u32 $0x7, v41  }
0x159: {  	v43 =	vpop (erf)  }
0x15a: {  	v42 =	vor.u32 $0x3, v42;
	[tilespmem:v36+s15+$0x0] =	vst.idx.msk $0xffff, v43  }
0x15b: {  	[tilespmem:v37+s11+$0x0] =	vst.idx.msk $0xffff, v43  }
0x15c: {  	v40 =	vld.idx.msk [tilespmem:v40+s2+$0x0], $0xffff  }
0x15d: {  	v41 =	vld.idx.msk [tilespmem:v41+s2+$0x0], $0xffff;
	_ =	sdelay $0x1  }
0x15e: {  	v42 =	vld.idx.msk [tilespmem:v42+s13+$0x0], $0xffff;
	_ =	sdelay $0x2  }
0x15f: {  	v40 =	vadd.f32 v41, v40;
	_ =	sdelay $0x1  }
0x160: {  	v40 =	vadd.f32 v42, v40;
	_ =	sdelay $0x1  }
0x161: {  	v63 =	vmul.f32 $2.000000030e-01, v41;
	v42 =	vmul.f32 $2.000000030e-01, v40;
	_ =	sdelay $0x1  }
0x162: {  	v41 =	vmax.f32 v41, v63;
	v40 =	vmax.f32 v40, v42  }
0x163: {  	v40 =	vsub.f32 v40, v41;
	_ =	sdelay $0x1  }
0x164: {  	v40 =	vmul.f32 $1.442695020e+00, v40;
	_ =	sdelay $0x1  }
0x165: {  	(erf) = vpow2.f32 v40;
	_ =	sdelay $0x8  }
0x166: {  	v40 =	vpop (erf)  }
0x167: {  	[tilespmem:v38+s15+$0x0] =	vst.idx.msk $0xffff, v40  }
0x168: {  	[tilespmem:v39+s11+$0x0] =	vst.idx.msk $0xffff, v40  }
0x169: {  	[spmem:s1] =	stream.indirect.scatter.add.f32 [tilespmem:s11], [sflag:$0x1], $0x10, s17, s16, $0xb8;
	[tilespmem:$0x16820] =	vst v63  }
0x16a: {  	_ =	swait.ge [sflag:s12], $0x500  }
0x16b: {  	p1 =	sne.s32 s20, $0xE88;
	[sflag:s12] =	ssyncset.done $0x0  }
.Ltmp0:
0x16c: {  	[sflag:s12] =	ssyncadd.s32 $0xFFFFFB00;
	(pc) =	sbr.rel @p1 .LBB2_2-.Ltmp0, $4  }
0x16d: {  	[hbm4b:s19+s2] =	stream.linear.scatter [tilespmem:s15], [sflag:$0x1], $0x280, $0x38;
	[tilespmem:$0x16820] =	vst v63  }
0x16e: {  	_ =	swait.ge [sflag:s12], $0x280  }
0x16f: {  	[sflag:s12] =	ssyncset.done $0x0  }
0x170: {  	s20 =	sadd.s32 $0x1E, s20;
	s19 =	sadd.s32 $0x50, s19;
	[sflag:s12] =	ssyncadd.s32 $0xFFFFFD80  }
0x171: {  	[bflag:$0x0] =	sbarrier.arrive $0xFFFF;
	s19 =	simm.s32 @!p0 $0x1C01;
	s18 =	sadd.s32 $0x1, s18  }
0x172: {  	[hbm:s6], [sflag:s19] =	dma.local @!p0 [spmem:s10], $0x4E20  }
0x173: {  	p1 =	sne.s32 s18, s7  }
.Ltmp1:
0x174: {  	_ = 	snop;
	(pc) =	sbr.rel @p1 .LBB2_1-.Ltmp1, $4  }
0x175: {  	s19 =	simm.s32 @!p0 $0x1  }
0x176: {  	_ =	swait.ge @!p0 [sflag:s19], $0x4E20  }
0x177: {  	[sflag:s19] =	ssyncset.done @!p0 $0x0  }
0x178: {  	[sflag:s19] =	ssyncadd.s32 @!p0 $0xFFFFB1E0  }
0x179: {  	_ =	sfence.sel $0x180000  }
0x17a: {  	[bflag:$0x0] =	sbarrier.arrive $0xFFFF  }
0x17b: {  	_ =	strace $0x90000047  }
0x17c: {  	s0 =	sadd.s32 @!p0 $0x100000, s0;
	[bflag:$0x2] =	sbarrier.arrive $0xFFFF  }
0x17d: {  	[sflag:s0] =	ssyncadd.tile.s32 @!p0 $0x1;
	_ =	shalt  }
.Lfunc_end2:
_tile_overlayer_lowered:
.L_overlay_start_2:
0x17e: {  	(tag) =	ssettag $0x2  }
0x17f: {  	s0 =	rddreg [dreg:$0x0];
	s2 =	stileid.u32  }
0x180: {  	s1 =	rddreg [dreg:$0x1];
	p0 =	sne.s32 s2, $0x0  }
0x181: {  	s3 =	rddreg [dreg:$0x2];
	[bflag:$0x3] =	sbarrier.arrive $0xFFFF;
	s2 =	simm.s32 @!p0 $0x1C01  }
0x182: {  	[timem:s3], [sflag:s2] =	dma.local @!p0 [hbm:s0], s1  }
0x183: {  	s0 =	simm.s32 @!p0 $0x1  }
0x184: {  	_ =	swait.ge @!p0 [sflag:s0], s1  }
0x185: {  	s1 =	ssub.s32 @!p0 $0x0, s1;
	[sflag:s0] =	ssyncset.done @!p0 $0x0  }
0x186: {  	[sflag:s0] =	ssyncadd.s32 @!p0 s1  }
0x187: {  	[bflag:$0x3] =	sbarrier.arrive $0xFFFF  }
0x188: {  	_ =	shalt  }

// kernel: kernel.9.cloned.1.call-start
scs
__scs_entry_jumppad:
0x0: {  	(pc) =	sbr.rel $0x88, $3  }
0x1: {  	(tag) =	ssettag $0x0;
	lr =	simm.s32 $0x1  }
0x2: {  	[smem:$0x3F98] =	sst lr;
	_ =	strace $0xD0000000  }
0x3: {  	_ = 	snop  }
0x4: {  	_ = 	snop  }
0x5: {  	_ = 	snop  }
0x6: {  	_ = 	snop  }
0x7: {  	_ = 	snop  }
__scs_overlays_trampoline_lowered:
0x8: {  	[smem:$0x3FA7] =	sst s0  }
0x9: {  	[smem:$0x3FA8] =	sst s1  }
0xa: {  	[smem:$0x3FA9] =	sst s2  }
0xb: {  	[smem:$0x3FAA] =	sst s3  }
0xc: {  	[smem:$0x3FAB] =	sst s4  }
0xd: {  	[smem:$0x3FAC] =	sst s5  }
0xe: {  	[smem:$0x3FAD] =	sst s6  }
0xf: {  	[smem:$0x3FAE] =	sst s7  }
0x10: {  	[smem:$0x3FAF] =	sst s8  }
0x11: {  	[smem:$0x3FB0] =	sst s9;
	s0 =	simm.s32 @!p0 $0x0  }
0x12: {  	s1 =	sld [smem:$0x3F96];
	s0 =	simm.s32 @p0 $0x1  }
0x13: {  	[smem:$0x3FB1] =	sst s0;
	s0 =	simm.s32 @!p1 $0x0  }
0x14: {  	s2 =	sld [smem:$0x3F95];
	s0 =	simm.s32 @p1 $0x1  }
0x15: {  	[smem:$0x3FB2] =	sst s0;
	s0 =	simm.s32 @!p2 $0x0  }
0x16: {  	s3 =	sld [smem:$0x3FDB];
	s0 =	simm.s32 @p2 $0x1  }
0x17: {  	s4 =	simm.s32 $0x1BF5;
	[smem:$0x3FB4] =	sst s0  }
0x18: {  	s0 =	sld [smem:$0x3F97];
	_ =	swait.ge [sflag:s4], $0x0  }
0x19: {  	s7 =	sld [smem:$0x3F98]  }
0x1a: {  	s8 =	sadd.s32 $0xFFFFE003, lr  }
0x1b: {  	s9 =	sadd.s32 $0xFFFFFEF7, lr;
	s5 =	simm.s32 $0xFFFFFFFF;
	p2 =	slt.u32 s8, $0xFFFFF086  }
0x1c: {  	p1 =	slt.u32 s9, $0xF7A;
	s5 =	simm.s32 @!p2 $0x0  }
0x1d: {  	s5 =	simm.s32 @p1 $0x1;
	p0 =	seq.s32 s7, s2  }
0x1e: {  	s7 =	smul.u32 @!p0 $0xF7A, s2;
	p2 =	seq.s32 @!p0 s5, $0x0  }
0x1f: {  	s9 =	smul.u32 $0xF7A, s1;
	s8 =	simm.s32 @!p0 $0x1BF5;
	p2 =	por !p2, p0  }
0x20: {  	[sflag:s8] =	ssyncset.s32 @!p0 $0xFFFFF086;
	s6 =	sadd.s32 @!p0 s3, s7;
	s7 =	simm.s32 @!p0 $0x108  }
0x21: {  	s3 =	sadd.s32 s3, s9;
	s6 =	sadd.s32 @!p0 $0x88, s6;
	s7 =	simm.s32 @p2 $0x1082  }
0x22: {  	[simem:s7], [sflag:s8] =	dma.local @!p0 [hbm:s6], $0xF7A  }
0x23: {  	s9 =	sor.u32 $0xD0000000, s2;
	s6 =	simm.s32 $0x108;
	_ =	swait.ge @!p0 [sflag:s8], $0x0  }
0x24: {  	s3 =	sadd.s32 $0x88, s3;
	s6 =	simm.s32 @!p1 $0x1082;
	[sflag:s4] =	ssyncset.s32 $0xFFFFF086  }
0x25: {  	[simem:s6], [sflag:s4] =	dma.local [hbm:s3], $0xF7A  }
0x26: {  	[smem:$0x3F98] =	sst s1;
	(tag) =	ssettag s2;
	_ =	strace s9  }
0x27: {  	s1 =	sld [smem:$0x3FA8]  }
0x28: {  	s2 =	sld [smem:$0x3FA9]  }
0x29: {  	s4 =	sld [smem:$0x3FAB]  }
0x2a: {  	p0 =	seq.s32 s5, $0x0;
	s5 =	sld [smem:$0x3FAC]  }
0x2b: {  	s6 =	sld [smem:$0x3FAD]  }
0x2c: {  	s7 =	sld [smem:$0x3FAE]  }
0x2d: {  	s3 =	simm.s32 $0x108;
	s8 =	sld [smem:$0x3FAF]  }
0x2e: {  	s3 =	simm.s32 @!p0 $0x1082;
	s9 =	sld [smem:$0x3FB0]  }
0x2f: {  	lr =	sadd.s32 s0, s3;
	s0 =	sld [smem:$0x3FA7]  }
0x30: {  	s3 =	sld [smem:$0x3FAA]  }
0x31: {  	[smem:$0x3FB3] =	sst s10  }
0x32: {  	s10 =	sld [smem:$0x3FB1];
	_ =	sdelay $0x3  }
0x33: {  	p0 =	seq.s32 s10, $0x1;
	s10 =	sld [smem:$0x3FB3];
	_ =	sdelay $0x3  }
0x34: {  	[smem:$0x3FB3] =	sst s10  }
0x35: {  	s10 =	sld [smem:$0x3FB2];
	_ =	sdelay $0x3  }
0x36: {  	p1 =	seq.s32 s10, $0x1;
	s10 =	sld [smem:$0x3FB3];
	_ =	sdelay $0x3  }
0x37: {  	[smem:$0x3FB3] =	sst s10  }
0x38: {  	s10 =	sld [smem:$0x3FB4]  }
0x39: {  	_ = 	snop;
	(pc) =	sbr.ind lr, $3  }
0x3a: {  	_ = 	snop  }
0x3b: {  	_ = 	snop  }
0x3c: {  	p2 =	seq.s32 s10, $0x1;
	s10 =	sld [smem:$0x3FB3]  }
0x3d: {  	_ =	shalt  }
0x3e: {  	_ =	shalt  }
0x3f: {  	_ =	shalt  }
0x40: {  	_ =	shalt  }
0x41: {  	_ =	shalt  }
0x42: {  	_ =	shalt  }
0x43: {  	_ =	shalt  }
0x44: {  	_ =	shalt  }
0x45: {  	_ =	shalt  }
0x46: {  	_ =	shalt  }
0x47: {  	_ =	shalt  }
0x48: {  	_ =	shalt  }
0x49: {  	_ =	shalt  }
0x4a: {  	_ =	shalt  }
0x4b: {  	_ =	shalt  }
0x4c: {  	_ =	shalt  }
0x4d: {  	_ =	shalt  }
0x4e: {  	_ =	shalt  }
0x4f: {  	_ =	shalt  }
0x50: {  	_ =	shalt  }
0x51: {  	_ =	shalt  }
0x52: {  	_ =	shalt  }
0x53: {  	_ =	shalt  }
0x54: {  	_ =	shalt  }
0x55: {  	_ =	shalt  }
0x56: {  	_ =	shalt  }
0x57: {  	_ =	shalt  }
0x58: {  	_ =	shalt  }
0x59: {  	_ =	shalt  }
0x5a: {  	_ =	shalt  }
0x5b: {  	_ =	shalt  }
0x5c: {  	_ =	shalt  }
0x5d: {  	_ =	shalt  }
0x5e: {  	_ =	shalt  }
0x5f: {  	_ =	shalt  }
0x60: {  	_ =	shalt  }
0x61: {  	_ =	shalt  }
0x62: {  	_ =	shalt  }
0x63: {  	_ =	shalt  }
0x64: {  	_ =	shalt  }
0x65: {  	_ =	shalt  }
0x66: {  	_ =	shalt  }
0x67: {  	_ =	shalt  }
0x68: {  	_ =	shalt  }
0x69: {  	_ =	shalt  }
0x6a: {  	_ =	shalt  }
0x6b: {  	_ =	shalt  }
0x6c: {  	_ =	shalt  }
0x6d: {  	_ =	shalt  }
0x6e: {  	_ =	shalt  }
0x6f: {  	_ =	shalt  }
0x70: {  	_ =	shalt  }
0x71: {  	_ =	shalt  }
0x72: {  	_ =	shalt  }
0x73: {  	_ =	shalt  }
0x74: {  	_ =	shalt  }
0x75: {  	_ =	shalt  }
0x76: {  	_ =	shalt  }
0x77: {  	_ =	shalt  }
0x78: {  	_ =	shalt  }
0x79: {  	_ =	shalt  }
0x7a: {  	_ =	shalt  }
0x7b: {  	_ =	shalt  }
0x7c: {  	_ =	shalt  }
0x7d: {  	_ =	shalt  }
0x7e: {  	_ =	shalt  }
0x7f: {  	_ =	shalt  }
0x80: {  	_ =	shalt  }
0x81: {  	_ =	shalt  }
0x82: {  	_ =	shalt  }
0x83: {  	_ =	shalt  }
0x84: {  	_ =	shalt  }
0x85: {  	_ =	shalt  }
0x86: {  	_ =	shalt  }
0x87: {  	_ =	shalt  }
.Lfunc_end0:
.L_simem_size_0:
called_computation.1_lowered:
.L_overlay_start_0:
0x88: {  	s2 =	sld [smem:$0x3FD9]  }
0x89: {  	s3 =	sld [smem:$0x3FFE];
	_ =	sdelay $0x1  }
0x8a: {  	s1 =	srdreg.scid  }
0x8b: {  	s0 =	sand.u32 $0x1, s1  }
0x8c: {  	s14 =	sshll.u32 s0, $0xA;
	s2 =	sadd.s32 s3, s2  }
0x8d: {  	s2 =	sadd.s32 s2, s14  }
0x8e: {  	[smem:$0x3FBF] =	sst s2  }
0x8f: {  	_ = 	snop  }
0x90: {  	s2 =	sld [smem:$0x3FD0];
	_ =	sdelay $0x2  }
0x91: {  	s15 =	simm.s32 $0xA;
	s4 =	simm.s32 $0x10  }
0x92: {  	[smem:s4], [sflag:s15] =	dma.local [hbm:s2], $0x1  }
0x93: {  	_ =	swait.eq [sflag:s15], $0x1  }
0x94: {  	[sflag:s15] =	ssyncset.done $0x0  }
0x95: {  	s16 =	sld [smem:$0x10];
	[sflag:s15] =	ssyncadd.s32 $0xFFFFFFFF  }
0x96: {  	s17 =	sld [smem:$0x11];
	(tm) =	ssettm $0x1  }
0x97: {  	s18 =	sld [smem:$0x3FFB];
	_ =	sdelay $0x3  }
0x98: {  	_ =	strace s18  }
0x99: {  	s4 =	sld [smem:$0x3FFC];
	_ =	sdelay $0x3  }
0x9a: {  	_ =	strace s4  }
0x9b: {  	s4 =	sld [smem:$0x3FFD];
	_ =	sdelay $0x3  }
0x9c: {  	_ =	strace s4  }
0x9d: {  	_ =	strace $0x8FFFFFFF  }
0x9e: {  	s19 =	sld [smem:$0x3FDB];
	_ =	sdelay $0x1  }
0x9f: {  	s5 =	simm.s32 $_scs_section_size  }
0xa0: {  	s6 =	simm.s32 $_size__tile_overlayer_lowered;
	s7 =	simm.s32 $_tile_overlayer_lowered  }
0xa1: {  	s22 =	simm.s32 $0x1BFF;
	s21 =	sshll.u32 s7, $0x1;
	s4 =	sadd.s32 s5, s19  }
0xa2: {  	s8 =	simm.s32 $0x0;
	s20 =	sshll.u32 s6, $0x1;
	s6 =	sadd.s32 s21, s4  }
0xa3: {  	[timem:s8], [sflag:s22] =	dma.local [hbm:s6], s20  }
0xa4: {  	_ =	swait.ge [sflag:s22], s20  }
0xa5: {  	s5 =	ssub.s32 $0x0, s20;
	[sflag:s22] =	ssyncset.done $0x0  }
0xa6: {  	[sflag:s22] =	ssyncadd.s32 s5;
	_ =	sdelay $0x1  }
0xa7: {  	s23 =	simm.s32 $0x1B8B  }
0xa8: {  	_ =	swait.ge [sflag:s23], $0x1  }
0xa9: {  	[sflag:s23] =	ssyncset.done $0x0  }
0xaa: {  	s25 =	simm.s32 $0x1B8E;
	s24 =	sld [smem:$0x3FFE];
	[sflag:s23] =	ssyncadd.s32 $0xFFFFFFFF  }
0xab: {  	s26 =	simm.s32 $execute0_lowered;
	[smem:$0x3FD2] =	sst s25  }
0xac: {  	s6 =	sshll.u32 s26, $0x1;
	_ =	strace $0x80000049;
	[dreg:$0x1] =	wrdreg $0xFFFFFFFF  }
0xad: {  	s28 =	simm.s32 $_size_execute0_lowered;
	s4 =	sadd.s32 s4, s6;
	[dreg:$0x0] =	wrdreg $0x0  }
0xae: {  	s6 =	sshll.u32 s28, $0x1;
	[dreg:$0x2] =	wrdreg s4  }
0xaf: {  	[dreg:$0x3] =	wrdreg s6  }
0xb0: {  	[dreg:$0x4] =	wrdreg $0xC0  }
0xb1: {  	_ =	task [dreg:s8], $0x5FFFF  }
0xb2: {  	[dreg:$0x1] =	wrdreg $0xFFFFFFFF  }
0xb3: {  	[dreg:$0x0] =	wrdreg $0x60  }
0xb4: {  	[dreg:$0x2] =	wrdreg s24  }
0xb5: {  	[dreg:$0x3] =	wrdreg s17  }
0xb6: {  	[dreg:$0x4] =	wrdreg s16  }
0xb7: {  	[dreg:$0x5] =	wrdreg $0x6CC00  }
0xb8: {  	[dreg:$0x6] =	wrdreg $0x9  }
0xb9: {  	_ =	task.clear_ibuf [dreg:s8], $0x7FFFF;
	_ =	strace $0x90000049  }
0xba: {  	s29 =	simm.s32 $0x9;
	_ =	strace $0x8000004B  }
0xbb: {  	_ =	swait.ge [sflag:s29], $0x1  }
0xbc: {  	[sflag:s29] =	ssyncadd.s32 $0xFFFFFFFF  }
0xbd: {  	_ =	strace $0x9000004B  }
0xbe: {  	_ =	sfence  }
0xbf: {  	s30 =	sld [smem:$0x0];
	_ =	sdelay $0x2  }
0xc0: {  	s31 =	sshll.u32 s1, $0xD;
	s1 =	sshrl.u32 s1, $0x2  }
0xc1: {  	s3 =	sand.u32 $0x4000, s31;
	s1 =	sadd.s32 s1, s30  }
0xc2: {  	s0 =	sor.u32 s3, s0;
	s1 =	sshll.u32 s1, $0x11  }
0xc3: {  	s0 =	sor.u32 s1, s0  }
0xc4: {  	s0 =	sadd.s32 $0x8F2B, s0  }
0xc5: {  	[sflag:s0] =	ssyncadd.remote.s32 $0x1  }
0xc6: {  	_ =	sfence.sel $0xFFFF  }
0xc7: {  	[dreg:$0x0] =	wrdreg $0xFFFFFFFF;
	(pc) =	sbr.abs _section_cstart, $3  }
0xc8: {  	[dreg:$0x1] =	wrdreg $0xFFFFFFFF  }
0xc9: {  	_ =	task.clear_ibuf [dreg:s8], $0x2FFFF;
	_ =	strace $0x9FFFFFFF  }
0xca: {  	(tm) =	ssettm $0x7FFFFFFF  }
0xcb: {  	_ =	shalt  }
tec
execute0_lowered:
.L_overlay_start_1:
0x0: {  	(tag) =	ssettag $0x1  }
0x1: {  	s0 =	rddreg [dreg:$0x0]  }
0x2: {  	s1 =	rddreg [dreg:$0x1]  }
0x3: {  	s3 =	rddreg [dreg:$0x2]  }
0x4: {  	s2 =	rddreg [dreg:$0x3];
	s4 =	simm.s32 $0x0;
	s7 =	srdreg.scid  }
0x5: {  	s10 =	stileid.u32;
	s28 =	simm.s32 $0xF0;
	s29 =	simm.s32 $0xB40  }
0x6: {  	s30 =	simm.s32 $0x1540;
	s31 =	simm.s32 $0x4240;
	[smem:$0x7FF] =	sst s4  }
0x7: {  	s4 =	sadd.s32 $0x62000, s0;
	s5 =	sadd.s32 $0x13E00, s0;
	s6 =	sadd.s32 $0x7600, s0  }
0x8: {  	s8 =	sand.u32 $0x1, s7;
	s7 =	sadd.s32 $0x2600, s0;
	s9 =	sshll.u32 s10, $0x1  }
0x9: {  	s14 =	smul.u32 $0x13880, s10;
	s22 =	sshll.u32 s10, $0x6;
	p0 =	sne.s32 s10, $0x0  }
0xa: {  	s10 =	simm.s32 $0x6A40;
	s11 =	smul.u32 $0x27100, s8;
	s13 =	sor.u32 s8, s9  }
0xb: {  	_ =	strace $0x8000004A;
	s12 =	ssub.s32 $0x2, s8;
	s9 =	smul.u32 $0x7D, s13  }
0xc: {  	s8 =	sadd.s32 $0xC3C00, s0;
	s15 =	sshrl.u32 s12, $0x1;
	s19 =	smul.u32 $0x9C4, s13  }
0xd: {  	s16 =	sadd.s32 s14, s2;
	s20 =	sshrl.u32 s14, $0x3;
	s21 =	smul.u32 $0x13880, s13  }
0xe: {  	s13 =	smul.u32 $0x2710, s13;
	s0 =	sadd.s32 s11, s0;
	s12 =	ssub.s32 s12, s15  }
0xf: {  	s3 =	sadd.s32 s3, s20;
	s11 =	sor.u32 $0x1C03, s22;
	s26 =	sshrl.u32 s16, $0x3  }
0x10: {  	s20 =	simm.s32 $0x140;
	s22 =	simm.s32 $0x640;
	[dreg:$0x5] =	wrdreg s3  }
0x11: {  	s23 =	sadd.s32 s4, s19;
	s24 =	sshrl.u32 s21, $0x3;
	[dreg:$0xc] =	wrdreg s26  }
0x12: {  	s13 =	sadd.s32 s5, s13;
	s14 =	sadd.s32 $0x2, s9;
	[dreg:$0x6] =	wrdreg s11  }
0x13: {  	s0 =	sadd.s32 $0x75A00, s0;
	s25 =	smax.u32 s12, $0x1;
	[dreg:$0x7] =	wrdreg s23  }
0x14: {  	s19 =	simm.s32 $0x3;
	s21 =	simm.s32 $0x50;
	[dreg:$0x8] =	wrdreg s13  }
0x15: {  	s26 =	simm.s32 $0x3C0;
	s12 =	simm.s32 $0x2;
	[dreg:$0xa] =	wrdreg s0  }
0x16: {  	s3 =	sadd.s32 s8, s24;
	[dreg:$0xb] =	wrdreg s25;
	s23 =	simm.s32 $0x1040  }
0x17: {  	v0 =	vlaneseq.u32;
	s24 =	simm.s32 $0x1A40;
	s25 =	simm.s32 $0xA0;
	s3 =	sadd.s32 $0x26C0, s3  }
0x18: {  	v1 =	vand.u32 $0x3, v0;
	s0 =	simm.s32 $0x1;
	s13 =	simm.s32 $0x0;
	[dreg:$0x9] =	wrdreg s3  }
.LBB2_1:
0x19: {  	s3 =	rddreg [dreg:$0x5]  }
0x1a: {  	s15 =	rddreg [dreg:$0xc]  }
0x1b: {  	[spmem:s15], [sflag:s11] =	dma.local [hbm:s3], $0x2710  }
0x1c: {  	_ =	swait.ge [sflag:s19], $0x2710  }
0x1d: {  	[sflag:s19] =	ssyncset.done $0x0  }
0x1e: {  	[sflag:s19] =	ssyncadd.s32 $0xFFFFD8F0  }
0x1f: {  	[bflag:$0x0] =	sbarrier.arrive $0xFFFF  }
0x20: {  	s16 =	simm.s32 $0x0;
	s17 =	rddreg [dreg:$0x7]  }
0x21: {  	[tilespmem:s16], [sflag:$0x3] =	stream.linear.gather [hbm4b:s17+s16], $0xA0, $0x38;
	[tilespmem:$0x1A540] =	vst v63  }
0x22: {  	_ =	swait.ge [sflag:s19], $0xA0  }
0x23: {  	[sflag:s19] =	ssyncset.done $0x0  }
0x24: {  	s18 =	rddreg [dreg:$0x8];
	[sflag:s19] =	ssyncadd.s32 $0xFFFFFF60  }
0x25: {  	[tilespmem:s20], [sflag:$0x1] =	stream.linear.gather [hbm4b:s18+s16], $0x280, $0x38;
	[tilespmem:$0x1A540] =	vst v63  }
0x26: {  	_ = 	snop  }
0x27: {  	[tilespmem:s22], [sflag:$0x1] =	stream.indirect.gather [hbm4b:s6+s21], $0x10, s21, s21, $0xb8;
	[tilespmem:$0x1A540] =	vst v63  }
0x28: {  	_ = 	snop  }
0x29: {  	[tilespmem:s23], [sflag:$0x1] =	stream.indirect.gather [hbm4b:s7+s21], $0x10, s21, s21, $0xb8;
	[tilespmem:$0x1A540] =	vst v63  }
0x2a: {  	s15 =	simm.s32 $0x0  }
0x2b: {  	[tilespmem:s24], [sflag:$0x1] =	stream.indirect.gather [hbm4b:s1+s21], $0x80, s16, s21, $0xb8;
	[tilespmem:$0x1A540] =	vst v63  }
.LBB2_2:
0x2c: {  	s17 =	sshll.u32 s15, $0x1  }
0x2d: {  	s3 =	sadd.s32 s17, s9  }
0x2e: {  	s3 =	sadd.s32 $0x1, s3  }
0x2f: {  	s16 =	smul.u32 $0x14, s3;
	_ =	sdelay $0x1  }
0x30: {  	s18 =	simm.s32 $0x0;
	s16 =	sadd.s32 s4, s16  }
0x31: {  	[tilespmem:s25], [sflag:$0x3] =	stream.linear.gather [hbm4b:s16+s18], $0xA0, $0x38;
	[tilespmem:$0x1A540] =	vst v63  }
0x32: {  	s16 =	smul.u32 $0x50, s3;
	_ =	swait.ge [sflag:s19], $0xA0  }
0x33: {  	[sflag:s19] =	ssyncset.done $0x0  }
0x34: {  	s3 =	sadd.s32 s5, s16;
	[sflag:s19] =	ssyncadd.s32 $0xFFFFFF60  }
0x35: {  	[tilespmem:s26], [sflag:$0x2] =	stream.linear.gather [hbm4b:s3+s18], $0x280, $0x38;
	[tilespmem:$0x1A540] =	vst v63  }
0x36: {  	_ = 	snop  }
0x37: {  	[tilespmem:s29], [sflag:$0x2] =	stream.indirect.gather [hbm4b:s6+s21], $0x10, s28, s21, $0xb8;
	[tilespmem:$0x1A540] =	vst v63  }
0x38: {  	_ = 	snop  }
0x39: {  	[tilespmem:s30], [sflag:$0x2] =	stream.indirect.gather [hbm4b:s7+s21], $0x10, s28, s21, $0xb8;
	[tilespmem:$0x1A540] =	vst v63  }
0x3a: {  	_ = 	snop  }
0x3b: {  	[tilespmem:s31], [sflag:$0x2] =	stream.indirect.gather [hbm4b:s1+s21], $0x80, s25, s21, $0xb8;
	[tilespmem:$0x1A540] =	vst v63  }
0x3c: {  	_ =	swait.ge [sflag:s0], $0x280  }
0x3d: {  	[sflag:s0] =	ssyncset.done $0x0  }
0x3e: {  	[sflag:s0] =	ssyncadd.s32 $0xFFFFFD80  }
0x3f: {  	_ =	swait.ge [sflag:s0], $0x500  }
0x40: {  	v2 =	vor.u32 s18, v0;
	[sflag:s0] =	ssyncset.done $0x0  }
0x41: {  	v2 =	vshrl.u32 v2, $0x2;
	[sflag:s0] =	ssyncadd.s32 $0xFFFFFB00  }
0x42: {  	v3 =	vshll.u32 v2, $0x4;
	_ =	swait.ge [sflag:s0], $0x500  }
0x43: {  	v3 =	vor.u32 v1, v3;
	[sflag:s0] =	ssyncset.done $0x0  }
0x44: {  	[sflag:s0] =	ssyncadd.s32 $0xFFFFFB00  }
0x45: {  	_ =	swait.ge [sflag:s0], $0x2800  }
0x46: {  	[sflag:s0] =	ssyncset.done $0x0  }
0x47: {  	[sflag:s0] =	ssyncadd.s32 $0xFFFFD800  }
0x48: {  	v4 =	vld.idx.msk [tilespmem:v3+s22+$0x0], $0xffff  }
0x49: {  	v3 =	vld.idx.msk [tilespmem:v3+s23+$0x0], $0xffff;
	_ =	sdelay $0x4  }
0x4a: {  	v3 =	vadd.f32 v3, v4;
	_ =	sdelay $0x1  }
0x4b: {  	v2 =	vshll.u32 v2, $0x3;
	v3 =	vmax.f32 v3, $9.999999710e-10  }
0x4c: {  	v2 =	vor.u32 v1, v2;
	(erf) = vrcp.f32 v3;
	_ =	sdelay $0x3  }
0x4d: {  	s18 =	simm.s32 $0x10  }
0x4e: {  	v5 =	vor.u32 s18, v0;
	v4 =	vld.idx.msk [tilespmem:v2+s20+$0x0], $0xffff  }
0x4f: {  	s3 =	simm.s32 $0x20;
	v3 =	vshrl.u32 v5, $0x2  }
.LBB2_3:
0x50: {  	p1 =	sne.s32 s3, $0x130;
	v5 =	vshll.u32 v3, $0x4  }
0x51: {  	v5 =	vor.u32 v1, v5  }
0x52: {  	v6 =	vpop (erf)  }
0x53: {  	v4 =	vmul.f32 v6, v4;
	_ =	sdelay $0x1  }
0x54: {  	[tilespmem:v2+s10+$0x0] =	vst.idx.msk $0xffff, v4  }
0x55: {  	v2 =	vld.idx.msk [tilespmem:v5+s22+$0x0], $0xffff  }
0x56: {  	v4 =	vld.idx.msk [tilespmem:v5+s23+$0x0], $0xffff;
	_ =	sdelay $0x5  }
0x57: {  	v4 =	vadd.f32 v4, v2  }
0x58: {  	v2 =	vshll.u32 v3, $0x3  }
0x59: {  	v2 =	vor.u32 v1, v2;
	v3 =	vmax.f32 v4, $9.999999710e-10  }
0x5a: {  	(erf) = vrcp.f32 v3;
	_ =	sdelay $0x1  }
.Ltmp0:
0x5b: {  	(pc) =	sbr.rel @p1 .LBB2_3-.Ltmp0, $4  }
0x5c: {  	_ = 	snop  }
0x5d: {  	v4 =	vld.idx.msk [tilespmem:v2+s20+$0x0], $0xffff  }
0x5e: {  	v3 =	vor.u32 s3, v0  }
0x5f: {  	s3 =	sadd.s32 $0x10, s3;
	v3 =	vshrl.u32 v3, $0x2  }
0x60: {  	v5 =	vshll.u32 v3, $0x4  }
0x61: {  	v5 =	vor.u32 v1, v5  }
0x62: {  	v6 =	vpop (erf)  }
0x63: {  	v4 =	vmul.f32 v6, v4;
	_ =	sdelay $0x1  }
0x64: {  	[tilespmem:v2+s10+$0x0] =	vst.idx.msk $0xffff, v4  }
0x65: {  	v2 =	vld.idx.msk [tilespmem:v5+s22+$0x0], $0xffff  }
0x66: {  	v4 =	vld.idx.msk [tilespmem:v5+s23+$0x0], $0xffff;
	_ =	sdelay $0x4  }
0x67: {  	v2 =	vadd.f32 v4, v2;
	_ =	sdelay $0x1  }
0x68: {  	v3 =	vshll.u32 v3, $0x3;
	v2 =	vmax.f32 v2, $9.999999710e-10  }
0x69: {  	v3 =	vor.u32 v1, v3;
	(erf) = vrcp.f32 v2;
	_ =	sdelay $0x4  }
0x6a: {  	v2 =	vld.idx.msk [tilespmem:v3+s20+$0x0], $0xffff;
	_ =	sdelay $0x3  }
0x6b: {  	s3 =	sadd.s32 s9, s17;
	v4 =	vpop (erf)  }
0x6c: {  	s3 =	smul.u32 $0x50, s3;
	v2 =	vmul.f32 v4, v2  }
0x6d: {  	s18 =	simm.s32 $0x0  }
0x6e: {  	s11 =	simm.s32 $0x0;
	s3 =	sadd.s32 s8, s3;
	[tilespmem:v3+s10+$0x0] =	vst.idx.msk $0xffff, v2;
	v2 =	vmov s18  }
0x6f: {  	[hbm4b:s3+s11] =	stream.linear.scatter [tilespmem:s10], [sflag:$0x3], $0x280, $0x38;
	[tilespmem:$0x1A540] =	vst v63  }
0x70: {  	_ =	swait.ge [sflag:s19], $0x280  }
0x71: {  	[sflag:s19] =	ssyncset.done $0x0  }
0x72: {  	[sflag:s19] =	ssyncadd.s32 $0xFFFFFD80  }
0x73: {  	s18 =	simm.s32 $0x1A80;
	v3 =	vld.idx.msk [tilespmem:v2+s10+$0x0], $0xffff  }
0x74: {  	v4 =	vld [tilespmem:s18+$0xFFFFFFC0]  }
0x75: {  	v5 =	vld [tilespmem:s18+$0xFFFFFFD0];
	_ =	sdelay $0x2  }
0x76: {  	v6 =	vor.u32 $0x1, v2  }
0x77: {  	v4 =	vmul.f32 v4, v3  }
0x78: {  	v3 =	vmul.f32 v5, v3  }
0x79: {  	[tilespmem:s18+$0xFFFFFFC0] =	vst v4  }
0x7a: {  	[tilespmem:s18+$0xFFFFFFD0] =	vst v3;
	v4 =	vld [tilespmem:s18+$0xFFFFFFE0]  }
0x7b: {  	v3 =	vld.idx.msk [tilespmem:v6+s10+$0x0], $0xffff  }
0x7c: {  	v5 =	vld [tilespmem:s18+$0xFFFFFFF0];
	_ =	sdelay $0x2  }
0x7d: {  	v6 =	vor.u32 $0x2, v2  }
0x7e: {  	v4 =	vmul.f32 v4, v3  }
0x7f: {  	v3 =	vmul.f32 v5, v3  }
0x80: {  	[tilespmem:s18+$0xFFFFFFE0] =	vst v4  }
0x81: {  	[tilespmem:s18+$0xFFFFFFF0] =	vst v3;
	v3 =	vld [tilespmem:s18+$0x10]  }
0x82: {  	v4 =	vld.idx.msk [tilespmem:v6+s10+$0x0], $0xffff  }
0x83: {  	v5 =	vld [tilespmem:s18+$0x0];
	_ =	sdelay $0x2  }
0x84: {  	v2 =	vor.u32 $0x3, v2  }
0x85: {  	v3 =	vmul.f32 v3, v4  }
0x86: {  	v4 =	vmul.f32 v5, v4  }
0x87: {  	[tilespmem:s18+$0x10] =	vst v3;
	v3 =	vld [tilespmem:s18+$0x30]  }
0x88: {  	[tilespmem:s18+$0x0] =	vst v4;
	v4 =	vld [tilespmem:s18+$0x20]  }
0x89: {  	v5 =	vld.idx.msk [tilespmem:v2+s10+$0x0], $0xffff;
	_ =	sdelay $0x2  }
0x8a: {  	s11 =	simm.s32 $0x8  }
0x8b: {  	v2 =	vmov s11  }
0x8c: {  	s3 =	simm.s32 $0x2;
	v4 =	vmul.f32 v4, v5;
	v3 =	vmul.f32 v3, v5  }
.LBB2_5:
0x8d: {  	p1 =	sne.s32 s3, $0x4F  }
0x8e: {  	[tilespmem:s18+$0x20] =	vst v4  }
0x8f: {  	[tilespmem:s18+$0x30] =	vst v3  }
0x90: {  	s18 =	sadd.s32 $0x80, s18;
	v3 =	vld.idx.msk [tilespmem:v2+s10+$0x0], $0xffff  }
0x91: {  	v4 =	vld [tilespmem:s18+$0xFFFFFFC0]  }
0x92: {  	v5 =	vld [tilespmem:s18+$0xFFFFFFD0];
	_ =	sdelay $0x2  }
0x93: {  	v6 =	vor.u32 $0x1, v2  }
0x94: {  	v4 =	vmul.f32 v4, v3  }
0x95: {  	v3 =	vmul.f32 v5, v3  }
0x96: {  	[tilespmem:s18+$0xFFFFFFC0] =	vst v4  }
0x97: {  	[tilespmem:s18+$0xFFFFFFD0] =	vst v3  }
0x98: {  	v3 =	vld.idx.msk [tilespmem:v6+s10+$0x0], $0xffff  }
0x99: {  	v4 =	vld [tilespmem:s18+$0xFFFFFFE0]  }
0x9a: {  	v5 =	vld [tilespmem:s18+$0xFFFFFFF0];
	_ =	sdelay $0x2  }
0x9b: {  	v6 =	vor.u32 $0x2, v2  }
0x9c: {  	v4 =	vmul.f32 v4, v3  }
0x9d: {  	v3 =	vmul.f32 v5, v3  }
0x9e: {  	[tilespmem:s18+$0xFFFFFFE0] =	vst v4  }
0x9f: {  	[tilespmem:s18+$0xFFFFFFF0] =	vst v3;
	v3 =	vld [tilespmem:s18+$0x10]  }
0xa0: {  	v4 =	vld.idx.msk [tilespmem:v6+s10+$0x0], $0xffff  }
0xa1: {  	v5 =	vld [tilespmem:s18+$0x0];
	_ =	sdelay $0x3  }
0xa2: {  	v2 =	vor.u32 $0x3, v2  }
0xa3: {  	v3 =	vmul.f32 v3, v4;
	v5 =	vmul.f32 v5, v4;
	_ =	sdelay $0x1  }
0xa4: {  	[tilespmem:s18+$0x10] =	vst v3  }
0xa5: {  	[tilespmem:s18+$0x0] =	vst v5;
	v3 =	vld [tilespmem:s18+$0x30]  }
0xa6: {  	v5 =	vld.idx.msk [tilespmem:v2+s10+$0x0], $0xffff  }
0xa7: {  	v4 =	vld [tilespmem:s18+$0x20]  }
.Ltmp1:
0xa8: {  	(pc) =	sbr.rel @p1 .LBB2_5-.Ltmp1, $4  }
0xa9: {  	_ = 	snop  }
0xaa: {  	s11 =	sshll.u32 s3, $0x3  }
0xab: {  	v2 =	vmov s11  }
0xac: {  	s3 =	sadd.s32 $0x1, s3;
	v3 =	vmul.f32 v3, v5;
	v4 =	vmul.f32 v4, v5  }
0xad: {  	_ =	sdelay $0x1  }
0xae: {  	s3 =	sadd.s32 $0x80, s18;
	[tilespmem:s18+$0x20] =	vst v4  }
0xaf: {  	[tilespmem:s18+$0x30] =	vst v3;
	v4 =	vld [tilespmem:s3+$0xFFFFFFC0]  }
0xb0: {  	v3 =	vld.idx.msk [tilespmem:v2+s10+$0x0], $0xffff  }
0xb1: {  	v5 =	vld [tilespmem:s3+$0xFFFFFFD0];
	_ =	sdelay $0x2  }
0xb2: {  	v6 =	vor.u32 $0x1, v2  }
0xb3: {  	v4 =	vmul.f32 v4, v3  }
0xb4: {  	v3 =	vmul.f32 v5, v3  }
0xb5: {  	[tilespmem:s3+$0xFFFFFFC0] =	vst v4  }
0xb6: {  	[tilespmem:s3+$0xFFFFFFD0] =	vst v3;
	v4 =	vld [tilespmem:s3+$0xFFFFFFE0]  }
0xb7: {  	v3 =	vld.idx.msk [tilespmem:v6+s10+$0x0], $0xffff  }
0xb8: {  	v5 =	vld [tilespmem:s3+$0xFFFFFFF0];
	_ =	sdelay $0x2  }
0xb9: {  	v6 =	vor.u32 $0x2, v2  }
0xba: {  	v4 =	vmul.f32 v4, v3  }
0xbb: {  	v3 =	vmul.f32 v5, v3  }
0xbc: {  	[tilespmem:s3+$0xFFFFFFE0] =	vst v4  }
0xbd: {  	[tilespmem:s3+$0xFFFFFFF0] =	vst v3;
	v3 =	vld [tilespmem:s3+$0x10]  }
0xbe: {  	v4 =	vld.idx.msk [tilespmem:v6+s10+$0x0], $0xffff  }
0xbf: {  	v5 =	vld [tilespmem:s3+$0x0];
	_ =	sdelay $0x2  }
0xc0: {  	v2 =	vor.u32 $0x3, v2  }
0xc1: {  	v3 =	vmul.f32 v3, v4  }
0xc2: {  	v4 =	vmul.f32 v5, v4  }
0xc3: {  	[tilespmem:s3+$0x10] =	vst v3  }
0xc4: {  	[tilespmem:s3+$0x0] =	vst v4;
	v3 =	vld [tilespmem:s3+$0x20]  }
0xc5: {  	v2 =	vld.idx.msk [tilespmem:v2+s10+$0x0], $0xffff  }
0xc6: {  	v4 =	vld [tilespmem:s3+$0x30];
	_ =	sdelay $0x3  }
0xc7: {  	v3 =	vmul.f32 v3, v2  }
0xc8: {  	v2 =	vmul.f32 v4, v2  }
0xc9: {  	[tilespmem:s3+$0x20] =	vst v3  }
0xca: {  	s17 =	sadd.s32 s17, s14;
	[tilespmem:s3+$0x30] =	vst v2  }
0xcb: {  	[spmem:s2] =	stream.indirect.scatter.add.f32 [tilespmem:s24], [sflag:$0x3], $0x80, s21, s21, $0xb8;
	[tilespmem:$0x1A540] =	vst v63  }
0xcc: {  	s11 =	smul.u32 $0x14, s17;
	_ =	swait.ge [sflag:s19], $0x2800  }
0xcd: {  	[sflag:s19] =	ssyncset.done $0x0  }
0xce: {  	s18 =	simm.s32 $0x0;
	s11 =	sadd.s32 s4, s11;
	[sflag:s19] =	ssyncadd.s32 $0xFFFFD800  }
0xcf: {  	[tilespmem:s18], [sflag:$0x3] =	stream.linear.gather [hbm4b:s11+s18], $0xA0, $0x38;
	[tilespmem:$0x1A540] =	vst v63  }
0xd0: {  	s3 =	smul.u32 $0x50, s17;
	_ =	swait.ge [sflag:s19], $0xA0  }
0xd1: {  	[sflag:s19] =	ssyncset.done $0x0  }
0xd2: {  	s3 =	sadd.s32 s5, s3;
	[sflag:s19] =	ssyncadd.s32 $0xFFFFFF60  }
0xd3: {  	[tilespmem:s20], [sflag:$0x1] =	stream.linear.gather [hbm4b:s3+s18], $0x280, $0x38;
	[tilespmem:$0x1A540] =	vst v63  }
0xd4: {  	_ = 	snop  }
0xd5: {  	[tilespmem:s22], [sflag:$0x1] =	stream.indirect.gather [hbm4b:s6+s21], $0x10, s21, s21, $0xb8;
	[tilespmem:$0x1A540] =	vst v63  }
0xd6: {  	_ = 	snop  }
0xd7: {  	[tilespmem:s23], [sflag:$0x1] =	stream.indirect.gather [hbm4b:s7+s21], $0x10, s21, s21, $0xb8;
	[tilespmem:$0x1A540] =	vst v63  }
0xd8: {  	_ = 	snop  }
0xd9: {  	[tilespmem:s24], [sflag:$0x1] =	stream.indirect.gather [hbm4b:s1+s21], $0x80, s18, s21, $0xb8;
	[tilespmem:$0x1A540] =	vst v63  }
0xda: {  	_ =	swait.ge [sflag:s12], $0x280  }
0xdb: {  	[sflag:s12] =	ssyncset.done $0x0  }
0xdc: {  	[sflag:s12] =	ssyncadd.s32 $0xFFFFFD80  }
0xdd: {  	_ =	swait.ge [sflag:s12], $0x500  }
0xde: {  	v2 =	vor.u32 s18, v0;
	[sflag:s12] =	ssyncset.done $0x0  }
0xdf: {  	v2 =	vshrl.u32 v2, $0x2;
	[sflag:s12] =	ssyncadd.s32 $0xFFFFFB00  }
0xe0: {  	v3 =	vshll.u32 v2, $0x4;
	_ =	swait.ge [sflag:s12], $0x500  }
0xe1: {  	v3 =	vor.u32 v1, v3;
	[sflag:s12] =	ssyncset.done $0x0  }
0xe2: {  	[sflag:s12] =	ssyncadd.s32 $0xFFFFFB00  }
0xe3: {  	_ =	swait.ge [sflag:s12], $0x2800  }
0xe4: {  	[sflag:s12] =	ssyncset.done $0x0  }
0xe5: {  	[sflag:s12] =	ssyncadd.s32 $0xFFFFD800  }
0xe6: {  	v4 =	vld.idx.msk [tilespmem:v3+s29+$0x0], $0xffff  }
0xe7: {  	v3 =	vld.idx.msk [tilespmem:v3+s30+$0x0], $0xffff;
	_ =	sdelay $0x4  }
0xe8: {  	v3 =	vadd.f32 v3, v4;
	_ =	sdelay $0x1  }
0xe9: {  	v2 =	vshll.u32 v2, $0x3;
	v3 =	vmax.f32 v3, $9.999999710e-10  }
0xea: {  	v2 =	vor.u32 v1, v2;
	(erf) = vrcp.f32 v3;
	_ =	sdelay $0x3  }
0xeb: {  	s18 =	simm.s32 $0x10  }
0xec: {  	v5 =	vor.u32 s18, v0;
	v4 =	vld.idx.msk [tilespmem:v2+s26+$0x0], $0xffff  }
0xed: {  	s3 =	simm.s32 $0x20;
	v3 =	vshrl.u32 v5, $0x2  }
.LBB2_7:
0xee: {  	p1 =	sne.s32 s3, $0x130;
	v5 =	vshll.u32 v3, $0x4  }
0xef: {  	v5 =	vor.u32 v1, v5  }
0xf0: {  	v6 =	vpop (erf)  }
0xf1: {  	v4 =	vmul.f32 v6, v4;
	_ =	sdelay $0x1  }
0xf2: {  	[tilespmem:v2+s10+$0x0] =	vst.idx.msk $0xffff, v4  }
0xf3: {  	v2 =	vld.idx.msk [tilespmem:v5+s29+$0x0], $0xffff  }
0xf4: {  	v4 =	vld.idx.msk [tilespmem:v5+s30+$0x0], $0xffff;
	_ =	sdelay $0x5  }
0xf5: {  	v4 =	vadd.f32 v4, v2  }
0xf6: {  	v2 =	vshll.u32 v3, $0x3  }
0xf7: {  	v2 =	vor.u32 v1, v2;
	v3 =	vmax.f32 v4, $9.999999710e-10  }
0xf8: {  	(erf) = vrcp.f32 v3;
	_ =	sdelay $0x1  }
.Ltmp2:
0xf9: {  	(pc) =	sbr.rel @p1 .LBB2_7-.Ltmp2, $4  }
0xfa: {  	_ = 	snop  }
0xfb: {  	v4 =	vld.idx.msk [tilespmem:v2+s26+$0x0], $0xffff  }
0xfc: {  	v3 =	vor.u32 s3, v0  }
0xfd: {  	s3 =	sadd.s32 $0x10, s3;
	v3 =	vshrl.u32 v3, $0x2  }
0xfe: {  	v5 =	vshll.u32 v3, $0x4  }
0xff: {  	v5 =	vor.u32 v1, v5  }
0x100: {  	v6 =	vpop (erf)  }
0x101: {  	v4 =	vmul.f32 v6, v4;
	_ =	sdelay $0x1  }
0x102: {  	[tilespmem:v2+s10+$0x0] =	vst.idx.msk $0xffff, v4  }
0x103: {  	v2 =	vld.idx.msk [tilespmem:v5+s29+$0x0], $0xffff  }
0x104: {  	v4 =	vld.idx.msk [tilespmem:v5+s30+$0x0], $0xffff;
	_ =	sdelay $0x4  }
0x105: {  	v2 =	vadd.f32 v4, v2;
	_ =	sdelay $0x1  }
0x106: {  	v3 =	vshll.u32 v3, $0x3;
	v2 =	vmax.f32 v2, $9.999999710e-10  }
0x107: {  	v3 =	vor.u32 v1, v3;
	(erf) = vrcp.f32 v2;
	_ =	sdelay $0x4  }
0x108: {  	v2 =	vld.idx.msk [tilespmem:v3+s26+$0x0], $0xffff;
	_ =	sdelay $0x3  }
0x109: {  	v4 =	vpop (erf)  }
0x10a: {  	v2 =	vmul.f32 v4, v2  }
0x10b: {  	s3 =	simm.s32 $0x0  }
0x10c: {  	s11 =	sadd.s32 s8, s16;
	s17 =	simm.s32 $0x0;
	[tilespmem:v3+s10+$0x0] =	vst.idx.msk $0xffff, v2;
	v2 =	vmov s3  }
0x10d: {  	[hbm4b:s11+s17] =	stream.linear.scatter [tilespmem:s10], [sflag:$0x3], $0x280, $0x38;
	[tilespmem:$0x1A540] =	vst v63  }
0x10e: {  	_ =	swait.ge [sflag:s19], $0x280  }
0x10f: {  	[sflag:s19] =	ssyncset.done $0x0  }
0x110: {  	[sflag:s19] =	ssyncadd.s32 $0xFFFFFD80  }
0x111: {  	s16 =	simm.s32 $0x4280;
	v3 =	vld.idx.msk [tilespmem:v2+s10+$0x0], $0xffff  }
0x112: {  	v4 =	vld [tilespmem:s16+$0xFFFFFFC0]  }
0x113: {  	v5 =	vld [tilespmem:s16+$0xFFFFFFD0];
	_ =	sdelay $0x2  }
0x114: {  	v6 =	vor.u32 $0x1, v2  }
0x115: {  	v4 =	vmul.f32 v4, v3  }
0x116: {  	v3 =	vmul.f32 v5, v3  }
0x117: {  	[tilespmem:s16+$0xFFFFFFC0] =	vst v4  }
0x118: {  	[tilespmem:s16+$0xFFFFFFD0] =	vst v3;
	v4 =	vld [tilespmem:s16+$0xFFFFFFE0]  }
0x119: {  	v3 =	vld.idx.msk [tilespmem:v6+s10+$0x0], $0xffff  }
0x11a: {  	v5 =	vld [tilespmem:s16+$0xFFFFFFF0];
	_ =	sdelay $0x2  }
0x11b: {  	v6 =	vor.u32 $0x2, v2  }
0x11c: {  	v4 =	vmul.f32 v4, v3  }
0x11d: {  	v3 =	vmul.f32 v5, v3  }
0x11e: {  	[tilespmem:s16+$0xFFFFFFE0] =	vst v4  }
0x11f: {  	[tilespmem:s16+$0xFFFFFFF0] =	vst v3;
	v3 =	vld [tilespmem:s16+$0x10]  }
0x120: {  	v4 =	vld.idx.msk [tilespmem:v6+s10+$0x0], $0xffff  }
0x121: {  	v5 =	vld [tilespmem:s16+$0x0];
	_ =	sdelay $0x2  }
0x122: {  	v2 =	vor.u32 $0x3, v2  }
0x123: {  	v3 =	vmul.f32 v3, v4  }
0x124: {  	v4 =	vmul.f32 v5, v4  }
0x125: {  	[tilespmem:s16+$0x10] =	vst v3;
	v3 =	vld [tilespmem:s16+$0x30]  }
0x126: {  	[tilespmem:s16+$0x0] =	vst v4;
	v4 =	vld [tilespmem:s16+$0x20]  }
0x127: {  	v5 =	vld.idx.msk [tilespmem:v2+s10+$0x0], $0xffff;
	_ =	sdelay $0x2  }
0x128: {  	s18 =	simm.s32 $0x8  }
0x129: {  	v2 =	vmov s18  }
0x12a: {  	s3 =	simm.s32 $0x2;
	v4 =	vmul.f32 v4, v5;
	v3 =	vmul.f32 v3, v5  }
.LBB2_9:
0x12b: {  	p1 =	sne.s32 s3, $0x4F  }
0x12c: {  	[tilespmem:s16+$0x20] =	vst v4  }
0x12d: {  	[tilespmem:s16+$0x30] =	vst v3  }
0x12e: {  	s16 =	sadd.s32 $0x80, s16;
	v3 =	vld.idx.msk [tilespmem:v2+s10+$0x0], $0xffff  }
0x12f: {  	v4 =	vld [tilespmem:s16+$0xFFFFFFC0]  }
0x130: {  	v5 =	vld [tilespmem:s16+$0xFFFFFFD0];
	_ =	sdelay $0x2  }
0x131: {  	v6 =	vor.u32 $0x1, v2  }
0x132: {  	v4 =	vmul.f32 v4, v3  }
0x133: {  	v3 =	vmul.f32 v5, v3  }
0x134: {  	[tilespmem:s16+$0xFFFFFFC0] =	vst v4  }
0x135: {  	[tilespmem:s16+$0xFFFFFFD0] =	vst v3  }
0x136: {  	v3 =	vld.idx.msk [tilespmem:v6+s10+$0x0], $0xffff  }
0x137: {  	v4 =	vld [tilespmem:s16+$0xFFFFFFE0]  }
0x138: {  	v5 =	vld [tilespmem:s16+$0xFFFFFFF0];
	_ =	sdelay $0x2  }
0x139: {  	v6 =	vor.u32 $0x2, v2  }
0x13a: {  	v4 =	vmul.f32 v4, v3  }
0x13b: {  	v3 =	vmul.f32 v5, v3  }
0x13c: {  	[tilespmem:s16+$0xFFFFFFE0] =	vst v4  }
0x13d: {  	[tilespmem:s16+$0xFFFFFFF0] =	vst v3;
	v3 =	vld [tilespmem:s16+$0x10]  }
0x13e: {  	v4 =	vld.idx.msk [tilespmem:v6+s10+$0x0], $0xffff  }
0x13f: {  	v5 =	vld [tilespmem:s16+$0x0];
	_ =	sdelay $0x3  }
0x140: {  	v2 =	vor.u32 $0x3, v2  }
0x141: {  	v3 =	vmul.f32 v3, v4;
	v5 =	vmul.f32 v5, v4;
	_ =	sdelay $0x1  }
0x142: {  	[tilespmem:s16+$0x10] =	vst v3  }
0x143: {  	[tilespmem:s16+$0x0] =	vst v5;
	v3 =	vld [tilespmem:s16+$0x30]  }
0x144: {  	v5 =	vld.idx.msk [tilespmem:v2+s10+$0x0], $0xffff  }
0x145: {  	v4 =	vld [tilespmem:s16+$0x20]  }
.Ltmp3:
0x146: {  	(pc) =	sbr.rel @p1 .LBB2_9-.Ltmp3, $4  }
0x147: {  	_ = 	snop  }
0x148: {  	s11 =	sshll.u32 s3, $0x3  }
0x149: {  	v2 =	vmov s11  }
0x14a: {  	s3 =	sadd.s32 $0x1, s3;
	v3 =	vmul.f32 v3, v5;
	v4 =	vmul.f32 v4, v5  }
0x14b: {  	_ =	sdelay $0x1  }
0x14c: {  	s3 =	sadd.s32 $0x80, s16;
	[tilespmem:s16+$0x20] =	vst v4  }
0x14d: {  	[tilespmem:s16+$0x30] =	vst v3;
	v58 =	vld [tilespmem:s3+$0xFFFFFFC0]  }
0x14e: {  	v3 =	vld.idx.msk [tilespmem:v2+s10+$0x0], $0xffff  }
0x14f: {  	v5 =	vld [tilespmem:s3+$0xFFFFFFD0];
	_ =	sdelay $0x2  }
0x150: {  	v6 =	vor.u32 $0x1, v2  }
0x151: {  	v4 =	vmul.f32 v58, v3  }
0x152: {  	v3 =	vmul.f32 v5, v3  }
0x153: {  	[tilespmem:s3+$0xFFFFFFC0] =	vst v4  }
0x154: {  	v59 =	vld [tilespmem:s3+$0xFFFFFFE0];
	[tilespmem:s3+$0xFFFFFFD0] =	vst v3  }
0x155: {  	v3 =	vld.idx.msk [tilespmem:v6+s10+$0x0], $0xffff  }
0x156: {  	v60 =	vld [tilespmem:s3+$0xFFFFFFF0];
	_ =	sdelay $0x2  }
0x157: {  	v61 =	vor.u32 $0x2, v2  }
0x158: {  	v4 =	vmul.f32 v59, v3  }
0x159: {  	v3 =	vmul.f32 v60, v3  }
0x15a: {  	[tilespmem:s3+$0xFFFFFFE0] =	vst v4  }
0x15b: {  	[tilespmem:s3+$0xFFFFFFF0] =	vst v3;
	v3 =	vld [tilespmem:s3+$0x10]  }
0x15c: {  	v4 =	vld.idx.msk [tilespmem:v61+s10+$0x0], $0xffff  }
0x15d: {  	v62 =	vld [tilespmem:s3+$0x0];
	_ =	sdelay $0x2  }
0x15e: {  	v2 =	vor.u32 $0x3, v2  }
0x15f: {  	v3 =	vmul.f32 v3, v4  }
0x160: {  	v4 =	vmul.f32 v62, v4  }
0x161: {  	[tilespmem:s3+$0x10] =	vst v3  }
0x162: {  	[tilespmem:s3+$0x0] =	vst v4;
	v3 =	vld [tilespmem:s3+$0x20]  }
0x163: {  	v2 =	vld.idx.msk [tilespmem:v2+s10+$0x0], $0xffff  }
0x164: {  	v63 =	vld [tilespmem:s3+$0x30];
	_ =	sdelay $0x3  }
0x165: {  	v3 =	vmul.f32 v3, v2  }
0x166: {  	s15 =	sadd.s32 $0x1, s15;
	v2 =	vmul.f32 v63, v2  }
0x167: {  	p1 =	sne.s32 s15, $0x3E;
	[tilespmem:s3+$0x20] =	vst v3  }
.Ltmp4:
0x168: {  	[tilespmem:s3+$0x30] =	vst v2;
	(pc) =	sbr.rel @p1 .LBB2_2-.Ltmp4, $4  }
0x169: {  	[spmem:s2] =	stream.indirect.scatter.add.f32 [tilespmem:s31], [sflag:$0x3], $0x80, s28, s21, $0xb8;
	[tilespmem:$0x1A540] =	vst v63  }
0x16a: {  	_ =	swait.ge [sflag:s19], $0x2800  }
0x16b: {  	[sflag:s19] =	ssyncset.done $0x0  }
0x16c: {  	[sflag:s19] =	ssyncadd.s32 $0xFFFFD800  }
0x16d: {  	_ =	swait.ge [sflag:s0], $0x280  }
0x16e: {  	[sflag:s0] =	ssyncset.done $0x0  }
0x16f: {  	[sflag:s0] =	ssyncadd.s32 $0xFFFFFD80  }
0x170: {  	s3 =	simm.s32 $0x0;
	_ =	swait.ge [sflag:s0], $0x500  }
0x171: {  	v2 =	vor.u32 s3, v0;
	[sflag:s0] =	ssyncset.done $0x0  }
0x172: {  	v2 =	vshrl.u32 v2, $0x2;
	[sflag:s0] =	ssyncadd.s32 $0xFFFFFB00  }
0x173: {  	v3 =	vshll.u32 v2, $0x4;
	_ =	swait.ge [sflag:s0], $0x500  }
0x174: {  	v3 =	vor.u32 v1, v3;
	[sflag:s0] =	ssyncset.done $0x0  }
0x175: {  	[sflag:s0] =	ssyncadd.s32 $0xFFFFFB00  }
0x176: {  	_ =	swait.ge [sflag:s0], $0x2800  }
0x177: {  	[sflag:s0] =	ssyncset.done $0x0  }
0x178: {  	[sflag:s0] =	ssyncadd.s32 $0xFFFFD800  }
0x179: {  	v4 =	vld.idx.msk [tilespmem:v3+s22+$0x0], $0xffff  }
0x17a: {  	v3 =	vld.idx.msk [tilespmem:v3+s23+$0x0], $0xffff;
	_ =	sdelay $0x4  }
0x17b: {  	v3 =	vadd.f32 v3, v4;
	_ =	sdelay $0x1  }
0x17c: {  	v2 =	vshll.u32 v2, $0x3;
	v3 =	vmax.f32 v3, $9.999999710e-10  }
0x17d: {  	v2 =	vor.u32 v1, v2;
	(erf) = vrcp.f32 v3;
	_ =	sdelay $0x3  }
0x17e: {  	s18 =	simm.s32 $0x10  }
0x17f: {  	v5 =	vor.u32 s18, v0;
	v4 =	vld.idx.msk [tilespmem:v2+s20+$0x0], $0xffff  }
0x180: {  	s3 =	simm.s32 $0x20;
	v3 =	vshrl.u32 v5, $0x2  }
.LBB2_12:
0x181: {  	p1 =	sne.s32 s3, $0x130;
	v5 =	vshll.u32 v3, $0x4  }
0x182: {  	v5 =	vor.u32 v1, v5  }
0x183: {  	v6 =	vpop (erf)  }
0x184: {  	v4 =	vmul.f32 v6, v4;
	_ =	sdelay $0x1  }
0x185: {  	[tilespmem:v2+s10+$0x0] =	vst.idx.msk $0xffff, v4  }
0x186: {  	v2 =	vld.idx.msk [tilespmem:v5+s22+$0x0], $0xffff  }
0x187: {  	v4 =	vld.idx.msk [tilespmem:v5+s23+$0x0], $0xffff;
	_ =	sdelay $0x5  }
0x188: {  	v4 =	vadd.f32 v4, v2  }
0x189: {  	v2 =	vshll.u32 v3, $0x3  }
0x18a: {  	v2 =	vor.u32 v1, v2;
	v3 =	vmax.f32 v4, $9.999999710e-10  }
0x18b: {  	(erf) = vrcp.f32 v3;
	_ =	sdelay $0x1  }
.Ltmp5:
0x18c: {  	(pc) =	sbr.rel @p1 .LBB2_12-.Ltmp5, $4  }
0x18d: {  	_ = 	snop  }
0x18e: {  	v4 =	vld.idx.msk [tilespmem:v2+s20+$0x0], $0xffff  }
0x18f: {  	v3 =	vor.u32 s3, v0  }
0x190: {  	s3 =	sadd.s32 $0x10, s3;
	v3 =	vshrl.u32 v3, $0x2  }
0x191: {  	v5 =	vshll.u32 v3, $0x4  }
0x192: {  	v5 =	vor.u32 v1, v5  }
0x193: {  	v6 =	vpop (erf)  }
0x194: {  	v4 =	vmul.f32 v6, v4;
	_ =	sdelay $0x1  }
0x195: {  	[tilespmem:v2+s10+$0x0] =	vst.idx.msk $0xffff, v4  }
0x196: {  	v2 =	vld.idx.msk [tilespmem:v5+s22+$0x0], $0xffff  }
0x197: {  	v4 =	vld.idx.msk [tilespmem:v5+s23+$0x0], $0xffff;
	_ =	sdelay $0x4  }
0x198: {  	v2 =	vadd.f32 v4, v2;
	_ =	sdelay $0x1  }
0x199: {  	v3 =	vshll.u32 v3, $0x3;
	v2 =	vmax.f32 v2, $9.999999710e-10  }
0x19a: {  	v3 =	vor.u32 v1, v3;
	(erf) = vrcp.f32 v2;
	_ =	sdelay $0x4  }
0x19b: {  	v2 =	vld.idx.msk [tilespmem:v3+s20+$0x0], $0xffff;
	_ =	sdelay $0x3  }
0x19c: {  	v4 =	vpop (erf)  }
0x19d: {  	v2 =	vmul.f32 v4, v2  }
0x19e: {  	s3 =	simm.s32 $0x0  }
0x19f: {  	s11 =	simm.s32 $0x0;
	s17 =	rddreg [dreg:$0x9];
	[tilespmem:v3+s10+$0x0] =	vst.idx.msk $0xffff, v2;
	v2 =	vmov s3  }
0x1a0: {  	[hbm4b:s17+s11] =	stream.linear.scatter [tilespmem:s10], [sflag:$0x3], $0x280, $0x38;
	[tilespmem:$0x1A540] =	vst v63  }
0x1a1: {  	_ =	swait.ge [sflag:s19], $0x280  }
0x1a2: {  	[sflag:s19] =	ssyncset.done $0x0  }
0x1a3: {  	[sflag:s19] =	ssyncadd.s32 $0xFFFFFD80  }
0x1a4: {  	s15 =	simm.s32 $0x1A80;
	v3 =	vld.idx.msk [tilespmem:v2+s10+$0x0], $0xffff  }
0x1a5: {  	v4 =	vld [tilespmem:s15+$0xFFFFFFC0]  }
0x1a6: {  	v5 =	vld [tilespmem:s15+$0xFFFFFFD0];
	_ =	sdelay $0x2  }
0x1a7: {  	v6 =	vor.u32 $0x1, v2  }
0x1a8: {  	v4 =	vmul.f32 v4, v3  }
0x1a9: {  	v3 =	vmul.f32 v5, v3  }
0x1aa: {  	[tilespmem:s15+$0xFFFFFFC0] =	vst v4  }
0x1ab: {  	[tilespmem:s15+$0xFFFFFFD0] =	vst v3;
	v4 =	vld [tilespmem:s15+$0xFFFFFFE0]  }
0x1ac: {  	v3 =	vld.idx.msk [tilespmem:v6+s10+$0x0], $0xffff  }
0x1ad: {  	v5 =	vld [tilespmem:s15+$0xFFFFFFF0];
	_ =	sdelay $0x2  }
0x1ae: {  	v6 =	vor.u32 $0x2, v2  }
0x1af: {  	v4 =	vmul.f32 v4, v3  }
0x1b0: {  	v3 =	vmul.f32 v5, v3  }
0x1b1: {  	[tilespmem:s15+$0xFFFFFFE0] =	vst v4  }
0x1b2: {  	[tilespmem:s15+$0xFFFFFFF0] =	vst v3;
	v3 =	vld [tilespmem:s15+$0x10]  }
0x1b3: {  	v4 =	vld.idx.msk [tilespmem:v6+s10+$0x0], $0xffff  }
0x1b4: {  	v5 =	vld [tilespmem:s15+$0x0];
	_ =	sdelay $0x2  }
0x1b5: {  	v2 =	vor.u32 $0x3, v2  }
0x1b6: {  	v3 =	vmul.f32 v3, v4  }
0x1b7: {  	v4 =	vmul.f32 v5, v4  }
0x1b8: {  	[tilespmem:s15+$0x10] =	vst v3;
	v3 =	vld [tilespmem:s15+$0x30]  }
0x1b9: {  	[tilespmem:s15+$0x0] =	vst v4;
	v4 =	vld [tilespmem:s15+$0x20]  }
0x1ba: {  	v5 =	vld.idx.msk [tilespmem:v2+s10+$0x0], $0xffff;
	_ =	sdelay $0x2  }
0x1bb: {  	s18 =	simm.s32 $0x8  }
0x1bc: {  	v2 =	vmov s18  }
0x1bd: {  	s3 =	simm.s32 $0x2;
	v4 =	vmul.f32 v4, v5;
	v3 =	vmul.f32 v3, v5  }
.LBB2_14:
0x1be: {  	p1 =	sne.s32 s3, $0x4F  }
0x1bf: {  	[tilespmem:s15+$0x20] =	vst v4  }
0x1c0: {  	[tilespmem:s15+$0x30] =	vst v3  }
0x1c1: {  	s15 =	sadd.s32 $0x80, s15;
	v3 =	vld.idx.msk [tilespmem:v2+s10+$0x0], $0xffff  }
0x1c2: {  	v4 =	vld [tilespmem:s15+$0xFFFFFFC0]  }
0x1c3: {  	v5 =	vld [tilespmem:s15+$0xFFFFFFD0];
	_ =	sdelay $0x2  }
0x1c4: {  	v6 =	vor.u32 $0x1, v2  }
0x1c5: {  	v4 =	vmul.f32 v4, v3  }
0x1c6: {  	v3 =	vmul.f32 v5, v3  }
0x1c7: {  	[tilespmem:s15+$0xFFFFFFC0] =	vst v4  }
0x1c8: {  	[tilespmem:s15+$0xFFFFFFD0] =	vst v3  }
0x1c9: {  	v3 =	vld.idx.msk [tilespmem:v6+s10+$0x0], $0xffff  }
0x1ca: {  	v4 =	vld [tilespmem:s15+$0xFFFFFFE0]  }
0x1cb: {  	v5 =	vld [tilespmem:s15+$0xFFFFFFF0];
	_ =	sdelay $0x2  }
0x1cc: {  	v6 =	vor.u32 $0x2, v2  }
0x1cd: {  	v4 =	vmul.f32 v4, v3  }
0x1ce: {  	v3 =	vmul.f32 v5, v3  }
0x1cf: {  	[tilespmem:s15+$0xFFFFFFE0] =	vst v4  }
0x1d0: {  	[tilespmem:s15+$0xFFFFFFF0] =	vst v3;
	v3 =	vld [tilespmem:s15+$0x10]  }
0x1d1: {  	v4 =	vld.idx.msk [tilespmem:v6+s10+$0x0], $0xffff  }
0x1d2: {  	v5 =	vld [tilespmem:s15+$0x0];
	_ =	sdelay $0x3  }
0x1d3: {  	v2 =	vor.u32 $0x3, v2  }
0x1d4: {  	v3 =	vmul.f32 v3, v4;
	v5 =	vmul.f32 v5, v4;
	_ =	sdelay $0x1  }
0x1d5: {  	[tilespmem:s15+$0x10] =	vst v3  }
0x1d6: {  	[tilespmem:s15+$0x0] =	vst v5;
	v3 =	vld [tilespmem:s15+$0x30]  }
0x1d7: {  	v5 =	vld.idx.msk [tilespmem:v2+s10+$0x0], $0xffff  }
0x1d8: {  	v4 =	vld [tilespmem:s15+$0x20]  }
.Ltmp6:
0x1d9: {  	(pc) =	sbr.rel @p1 .LBB2_14-.Ltmp6, $4  }
0x1da: {  	_ = 	snop  }
0x1db: {  	s11 =	sshll.u32 s3, $0x3  }
0x1dc: {  	v2 =	vmov s11  }
0x1dd: {  	s3 =	sadd.s32 $0x1, s3;
	v3 =	vmul.f32 v3, v5;
	v4 =	vmul.f32 v4, v5  }
0x1de: {  	_ =	sdelay $0x1  }
0x1df: {  	s3 =	sadd.s32 $0x80, s15;
	[tilespmem:s15+$0x20] =	vst v4  }
0x1e0: {  	[tilespmem:s15+$0x30] =	vst v3;
	v58 =	vld [tilespmem:s3+$0xFFFFFFC0]  }
0x1e1: {  	v3 =	vld.idx.msk [tilespmem:v2+s10+$0x0], $0xffff  }
0x1e2: {  	v5 =	vld [tilespmem:s3+$0xFFFFFFD0];
	_ =	sdelay $0x2  }
0x1e3: {  	v6 =	vor.u32 $0x1, v2  }
0x1e4: {  	v4 =	vmul.f32 v58, v3  }
0x1e5: {  	v3 =	vmul.f32 v5, v3  }
0x1e6: {  	[tilespmem:s3+$0xFFFFFFC0] =	vst v4  }
0x1e7: {  	v59 =	vld [tilespmem:s3+$0xFFFFFFE0];
	[tilespmem:s3+$0xFFFFFFD0] =	vst v3  }
0x1e8: {  	v3 =	vld.idx.msk [tilespmem:v6+s10+$0x0], $0xffff  }
0x1e9: {  	v60 =	vld [tilespmem:s3+$0xFFFFFFF0];
	_ =	sdelay $0x2  }
0x1ea: {  	v61 =	vor.u32 $0x2, v2  }
0x1eb: {  	v4 =	vmul.f32 v59, v3  }
0x1ec: {  	v3 =	vmul.f32 v60, v3  }
0x1ed: {  	[tilespmem:s3+$0xFFFFFFE0] =	vst v4  }
0x1ee: {  	[tilespmem:s3+$0xFFFFFFF0] =	vst v3;
	v3 =	vld [tilespmem:s3+$0x10]  }
0x1ef: {  	v4 =	vld.idx.msk [tilespmem:v61+s10+$0x0], $0xffff  }
0x1f0: {  	v62 =	vld [tilespmem:s3+$0x0];
	_ =	sdelay $0x2  }
0x1f1: {  	v2 =	vor.u32 $0x3, v2  }
0x1f2: {  	v3 =	vmul.f32 v3, v4  }
0x1f3: {  	v4 =	vmul.f32 v62, v4  }
0x1f4: {  	[tilespmem:s3+$0x10] =	vst v3  }
0x1f5: {  	[tilespmem:s3+$0x0] =	vst v4;
	v3 =	vld [tilespmem:s3+$0x20]  }
0x1f6: {  	v2 =	vld.idx.msk [tilespmem:v2+s10+$0x0], $0xffff  }
0x1f7: {  	v63 =	vld [tilespmem:s3+$0x30];
	_ =	sdelay $0x3  }
0x1f8: {  	v3 =	vmul.f32 v3, v2  }
0x1f9: {  	v2 =	vmul.f32 v63, v2  }
0x1fa: {  	[tilespmem:s3+$0x20] =	vst v3  }
0x1fb: {  	[tilespmem:s3+$0x30] =	vst v2  }
0x1fc: {  	[spmem:s2] =	stream.indirect.scatter.add.f32 [tilespmem:s24], [sflag:$0x3], $0x80, s21, s21, $0xb8;
	[tilespmem:$0x1A540] =	vst v63  }
0x1fd: {  	_ =	swait.ge [sflag:s19], $0x2800  }
0x1fe: {  	[sflag:s19] =	ssyncset.done $0x0  }
0x1ff: {  	[sflag:s19] =	ssyncadd.s32 $0xFFFFD800  }
0x200: {  	[bflag:$0x0] =	sbarrier.arrive $0xFFFF  }
0x201: {  	s11 =	rddreg [dreg:$0x6]  }
0x202: {  	s3 =	sshrl.u32 @!p0 s2, $0x3;
	s15 =	rddreg [dreg:$0xa]  }
0x203: {  	[hbm:s15], [sflag:s11] =	dma.local @!p0 [spmem:s3], $0x27100  }
0x204: {  	s3 =	simm.s32 @!p0 $0x3  }
0x205: {  	_ =	swait.ge @!p0 [sflag:s3], $0x27100  }
0x206: {  	s13 =	sadd.s32 $0x1, s13;
	s18 =	rddreg [dreg:$0xb]  }
0x207: {  	p1 =	sne.s32 s13, s18  }
.Ltmp7:
0x208: {  	_ = 	snop;
	(pc) =	sbr.rel @p1 .LBB2_1-.Ltmp7, $3  }
0x209: {  	_ =	sdelay $0x1  }
0x20a: {  	[sflag:s3] =	ssyncset.done @!p0 $0x0  }
0x20b: {  	[sflag:s3] =	ssyncadd.s32 @!p0 $0xFFFD8F00  }
0x20c: {  	_ =	sfence.sel $0x180000  }
0x20d: {  	[bflag:$0x0] =	sbarrier.arrive $0xFFFF  }
0x20e: {  	_ =	strace $0x9000004A  }
0x20f: {  	[bflag:$0x2] =	sbarrier.arrive $0xFFFF  }
0x210: {  	s0 =	rddreg [dreg:$0x4]  }
0x211: {  	s0 =	sadd.s32 @!p0 $0x100000, s0  }
0x212: {  	[sflag:s0] =	ssyncadd.tile.s32 @!p0 $0x1;
	_ =	shalt  }
.Lfunc_end2:
_tile_overlayer_lowered:
.L_overlay_start_2:
0x213: {  	(tag) =	ssettag $0x2  }
0x214: {  	s0 =	rddreg [dreg:$0x0];
	s2 =	stileid.u32  }
0x215: {  	s1 =	rddreg [dreg:$0x1];
	p0 =	sne.s32 s2, $0x0  }
0x216: {  	s3 =	rddreg [dreg:$0x2];
	[bflag:$0x3] =	sbarrier.arrive $0xFFFF;
	s2 =	simm.s32 @!p0 $0x1C03  }
0x217: {  	[timem:s3], [sflag:s2] =	dma.local @!p0 [hbm:s0], s1  }
0x218: {  	s0 =	simm.s32 @!p0 $0x3  }
0x219: {  	_ =	swait.ge @!p0 [sflag:s0], s1  }
0x21a: {  	s1 =	ssub.s32 @!p0 $0x0, s1;
	[sflag:s0] =	ssyncset.done @!p0 $0x0  }
0x21b: {  	[sflag:s0] =	ssyncadd.s32 @!p0 s1  }
0x21c: {  	[bflag:$0x3] =	sbarrier.arrive $0xFFFF  }
0x21d: {  	_ =	shalt  }

</sc_bundles>
